<compile_context>
chip_gen: v7x
topology: tpu7x:2x2x1
jax: 0.10.2.dev20260603
libtpu: 0.0.44.dev20260713+nightly
codegen_flags: <defaults>
</compile_context>

<pallas_src>
import functools

import jax
import jax.numpy as jnp
from jax import lax
from jax.experimental import pallas as pl
from jax.experimental.pallas import tpu as pltpu
from jax.experimental.pallas import tpu_sc as plsc

NUM_NEIGHBORS = 16
DIM = 64
N_PTS = 1024
NA = 4
HID = 64
MULT = 4

_BF = jnp.bfloat16
_F32 = jnp.float32


def _topk_body(x_ref, x3_ref, idx_ref):
    n = N_PTS
    kn = NUM_NEIGHBORS
    b = pl.program_id(0)

    x4 = x_ref[0]
    x3 = x3_ref[0]
    norms_col = jnp.sum(x4 * x4, axis=1, keepdims=True)
    norms_row = jnp.sum(x3 * x3, axis=0, keepdims=True)
    cross = jax.lax.dot_general(
        x4[:, :3].astype(_BF), x3.astype(_BF),
        dimension_numbers=(((1,), (0,)), ((), ())),
        preferred_element_type=_F32)
    dmat = norms_col - 2.0 * cross + norms_row

    iota_row = jax.lax.broadcasted_iota(jnp.int32, (n, n), 1)
    iota_k = jax.lax.broadcasted_iota(jnp.int32, (n, kn), 1)
    acc = jnp.zeros((n, kn), dtype=jnp.int32)
    big = jnp.int32(n)
    for t in range(kn):
        m = jnp.min(dmat, axis=1, keepdims=True)
        cand = jnp.where(dmat == m, iota_row, big)
        amin = jnp.min(cand, axis=1)
        acc = jnp.where(iota_k == t, amin[:, None], acc)
        dmat = jnp.where(iota_row == amin[:, None], jnp.float32(jnp.inf), dmat)
    idx_ref[0] = acc + b * n


def _topk(xyz_nd4, xyz3):
    bsz = xyz_nd4.shape[0]
    n = N_PTS
    return pl.pallas_call(
        _topk_body,
        grid=(bsz,),
        in_specs=[
            pl.BlockSpec((1, n, 4), lambda b: (b, 0, 0)),
            pl.BlockSpec((1, 3, n), lambda b: (b, 0, 0)),
        ],
        out_specs=pl.BlockSpec((1, n, NUM_NEIGHBORS), lambda b: (b, 0, 0)),
        out_shape=jax.ShapeDtypeStruct((bsz, n, NUM_NEIGHBORS), jnp.int32),
    )(xyz_nd4, xyz3)


_SC_CHUNK = 128


def _sc_gather(fx_t, idx_flat):
    r2 = idx_flat.shape[0]
    fdim = fx_t.shape[1]
    nworkers = 32
    per_w = r2 // nworkers
    nchunks = per_w // _SC_CHUNK
    mesh = plsc.VectorSubcoreMesh(core_axis_name="c", subcore_axis_name="s")

    @functools.partial(
        pl.kernel,
        mesh=mesh,
        out_type=jax.ShapeDtypeStruct((r2, fdim), _F32),
        scratch_types=[
            pltpu.VMEM((2, _SC_CHUNK), jnp.int32),
            pltpu.VMEM((2, _SC_CHUNK, fdim), _F32),
            pltpu.SemaphoreType.DMA,
            pltpu.SemaphoreType.DMA,
            pltpu.SemaphoreType.DMA,
            pltpu.SemaphoreType.DMA,
        ],
    )
    def body(fx_hbm, idx_hbm, fxg_hbm, idx_v, fb, semg0, semg1, semw0, semw1):
        wid = lax.axis_index("s") * 2 + lax.axis_index("c")
        base = wid * per_w
        semg = (semg0, semg1)
        semw = (semw0, semw1)

        def off_of(c):
            return pl.multiple_of(base + c * _SC_CHUNK, _SC_CHUNK)

        def issue_gather(c):
            p = c % 2
            pltpu.sync_copy(idx_hbm.at[pl.ds(off_of(c), _SC_CHUNK)],
                            idx_v.at[p])
            return pltpu.async_copy(fx_hbm.at[idx_v.at[p]], fb.at[p], semg[p])

        gh = [None, None]
        wh = [None, None]
        gh[0] = issue_gather(0)
        for c in range(nchunks):
            p = c % 2
            q = (c + 1) % 2
            if c + 1 < nchunks:
                if wh[q] is not None:
                    wh[q].wait()
                    wh[q] = None
                gh[q] = issue_gather(c + 1)
            gh[p].wait()
            wh[p] = pltpu.async_copy(
                fb.at[p], fxg_hbm.at[pl.ds(off_of(c), _SC_CHUNK)], semw[p])
        for p in (0, 1):
            if wh[p] is not None:
                wh[p].wait()

    return body(fx_t, idx_flat)


_NB = 256


def _dense_body(fc_ref, fxg_ref, xc_ref,
                wq_ref, wk_ref, wv_ref,
                wa_ref, wp1_ref, wp2_ref, w1_ref, w2_ref, out_ref):
    nb = _NB
    kn = NUM_NEIGHBORS
    c = NA * DIM

    xc = xc_ref[...]
    xg = fxg_ref[:, c:c + 16]
    rel = jnp.broadcast_to(xc[:, None, :], (nb, kn, 16)).reshape(nb * kn, 16) - xg

    rot = jnp.dot(rel.astype(_BF), wa_ref[...],
                  preferred_element_type=_F32)
    h = jax.nn.relu(jnp.dot(rot.astype(_BF), wp1_ref[...],
                            preferred_element_type=_F32))
    rpe = jnp.dot(h.astype(_BF), wp2_ref[...],
                  preferred_element_type=_F32)

    fg = fxg_ref[:, :c].astype(_BF)
    kg = jnp.dot(fg, wk_ref[...], preferred_element_type=_F32)
    vg = jnp.dot(fg, wv_ref[...], preferred_element_type=_F32)
    qb = jnp.dot(fc_ref[...].astype(_BF), wq_ref[...],
                 preferred_element_type=_F32)

    q_rep = jnp.broadcast_to(qb[:, None, :], (nb, kn, c)).reshape(nb * kn, c)
    sim0 = q_rep - kg + rpe
    h1 = jax.nn.relu(jnp.dot(sim0.astype(_BF), w1_ref[...],
                             preferred_element_type=_F32))
    sim2 = jnp.dot(h1.astype(_BF), w2_ref[...],
                   preferred_element_type=_F32)

    s3 = sim2.reshape(nb, kn, c)
    m = jnp.max(s3, axis=1, keepdims=True)
    e = jnp.exp(s3 - m)
    den = jnp.sum(e, axis=1, keepdims=True)
    attn = e / den

    vv = (vg + rpe).reshape(nb, kn, c)
    out_ref[...] = jnp.sum(attn * vv, axis=1)


def _dense(fc, fxg, xc, wq, wk, wv, wa, wp1, wp2, w1, w2):
    r = fc.shape[0]
    c = NA * DIM
    kn = NUM_NEIGHBORS
    nblocks = r // _NB
    return pl.pallas_call(
        _dense_body,
        grid=(nblocks,),
        in_specs=[
            pl.BlockSpec((_NB, c), lambda g: (g, 0)),
            pl.BlockSpec((_NB * kn, c + 128), lambda g: (g, 0)),
            pl.BlockSpec((_NB, 16), lambda g: (g, 0)),
            pl.BlockSpec((c, c), lambda g: (0, 0)),
            pl.BlockSpec((c, c), lambda g: (0, 0)),
            pl.BlockSpec((c, c), lambda g: (0, 0)),
            pl.BlockSpec((16, 16), lambda g: (0, 0)),
            pl.BlockSpec((16, c), lambda g: (0, 0)),
            pl.BlockSpec((c, c), lambda g: (0, 0)),
            pl.BlockSpec((c, MULT * c), lambda g: (0, 0)),
            pl.BlockSpec((MULT * c, c), lambda g: (0, 0)),
        ],
        out_specs=pl.BlockSpec((_NB, c), lambda g: (g, 0)),
        out_shape=jax.ShapeDtypeStruct((r, c), _F32),
    )(fc, fxg, xc, wq, wk, wv, wa, wp1, wp2, w1, w2)


def _prep_weights(anchors, to_qkv, pos_mlp1, pos_mlp2, attn_mlp1, attn_mlp2):
    dim, hid, c = DIM, HID, NA * DIM
    wa = jnp.pad(anchors.transpose(2, 0, 1),
                 ((0, 13), (0, 0), (0, 1))).reshape(16, NA * 4)
    wp1 = jnp.zeros((NA, 4, NA, hid), _F32)
    wp1 = wp1.at[jnp.arange(NA), :, jnp.arange(NA), :].set(
        jnp.broadcast_to(jnp.pad(pos_mlp1.T, ((0, 1), (0, 0))), (NA, 4, hid)))
    wp1 = wp1.reshape(NA * 4, NA * hid)
    def bdiag(mat):
        p, q = mat.shape
        z = jnp.zeros((NA, p, NA, q), _F32)
        z = z.at[jnp.arange(NA), :, jnp.arange(NA), :].set(
            jnp.broadcast_to(mat, (NA, p, q)))
        return z.reshape(NA * p, NA * q)
    wq = bdiag(to_qkv[0:dim].T)
    wk = bdiag(to_qkv[dim:2 * dim].T)
    wv = bdiag(to_qkv[2 * dim:].T)
    wp2 = bdiag(pos_mlp2.T)
    w1 = bdiag(attn_mlp1.T)
    w2 = bdiag(attn_mlp2.T)
    return (wq.astype(_BF), wk.astype(_BF), wv.astype(_BF),
            wa.astype(_BF), wp1.astype(_BF), wp2.astype(_BF),
            w1.astype(_BF), w2.astype(_BF))


def kernel(xyz, feats, anchors, to_qkv, pos_mlp1, pos_mlp2, attn_mlp1, attn_mlp2):
    bsz, _, n = xyz.shape
    dim, kn, na = DIM, NUM_NEIGHBORS, NA
    c = na * dim

    xyz_nd4 = jnp.pad(xyz.transpose(0, 2, 1), ((0, 0), (0, 0), (0, 1)))
    feats_rows = feats.transpose(0, 2, 3, 1).reshape(bsz * n, c)

    idx = _topk(xyz_nd4, xyz)

    xyz_flat = xyz_nd4[..., :3].reshape(bsz * n, 3)
    x_t = jnp.pad(xyz_flat, ((0, 0), (0, 13)))
    fx_t = jnp.concatenate(
        [feats_rows, jnp.pad(xyz_flat, ((0, 0), (0, 125)))], axis=1)

    idx_flat = idx.reshape(bsz * n * kn)
    fxg = _sc_gather(fx_t, idx_flat)

    wq, wk, wv, wa, wp1, wp2, w1, w2 = _prep_weights(
        anchors, to_qkv, pos_mlp1, pos_mlp2, attn_mlp1, attn_mlp2)
    agg = _dense(feats_rows, fxg, x_t, wq, wk, wv, wa, wp1, wp2, w1, w2)

    return agg.reshape(bsz, n, na, dim).transpose(0, 3, 1, 2)

# --- scband reference (transcript-rebuilt; emitter-appended) ---
"""Pipeline reference for scband-point-transformer-batch-layer-5617817224087 (READ-ONLY COPY).

The authoritative reference and input builder live on the scoring server;
editing this copy changes nothing except your own understanding.
"""

import jax, jax.numpy as jnp
import numpy as np

NUM_NEIGHBORS = 16
DIM = 64


def knn_point(k, query, ref):
    # query, ref: [B, N, 3] -> (dists [B,N,k], idx [B,N,k])
    d = jnp.sum(query ** 2, axis=-1, keepdims=True) - 2.0 * jnp.einsum('bnd,bmd->bnm', query, ref) + jnp.sum(ref ** 2, axis=-1)[:, None, :]
    neg_vals, idx = jax.lax.top_k(-d, k)
    return -neg_vals, idx


def group_operation(points, idx):
    # points: [B, C, N], idx: [B, N, K] -> [B, C, N, K]
    B, C, N = points.shape
    K = idx.shape[-1]
    flat = jnp.broadcast_to(idx.reshape(B, 1, N * K), (B, C, N * K))
    return jnp.take_along_axis(points, flat, axis=2).reshape(B, C, N, K)


def setup_inputs(seed: int = 0):
    key = jax.random.key(seed)
    ks = jax.random.split(key, 8)
    B, N, na = 2, 1024, 4
    dim, hid, mult = DIM, 64, 4

    def xavier(k, shape):
        gain = float(np.sqrt(2.0))  # relu gain
        std = gain * np.sqrt(2.0 / (shape[0] + shape[1]))
        return jax.random.normal(k, shape, dtype=jnp.float32) * std

    xyz = jax.random.normal(ks[0], (B, 3, N), dtype=jnp.float32)
    feats = jax.random.normal(ks[1], (B, dim, N, na), dtype=jnp.float32)
    anchors = jax.random.normal(ks[2], (na, 3, 3), dtype=jnp.float32)
    to_qkv = xavier(ks[3], (dim * 3, dim))
    pos_mlp1 = xavier(ks[4], (hid, 3))
    pos_mlp2 = xavier(ks[5], (dim, hid))
    attn_mlp1 = xavier(ks[6], (dim * mult, dim))
    attn_mlp2 = xavier(ks[7], (dim, dim * mult))
    return {"xyz": xyz, "feats": feats, "anchors": anchors, "to_qkv": to_qkv,
            "pos_mlp1": pos_mlp1, "pos_mlp2": pos_mlp2,
            "attn_mlp1": attn_mlp1, "attn_mlp2": attn_mlp2}


def reference(xyz, feats, anchors, to_qkv, pos_mlp1, pos_mlp2, attn_mlp1, attn_mlp2):
    B, C, N = xyz.shape
    dim = DIM
    kn = NUM_NEIGHBORS
    na = feats.shape[-1]

    _, group_idx = knn_point(kn, jnp.transpose(xyz, (0, 2, 1)), jnp.transpose(xyz, (0, 2, 1)))

    grouped_xyz = group_operation(xyz, group_idx)             # [B,3,N,kn]
    grouped_xyz = xyz[:, :, :, None] - grouped_xyz            # [B,3,N,kn]
    grouped_xyz = jnp.einsum('aij,bjnk->binka', anchors, grouped_xyz)  # [B,3,N,kn,na]

    rel_pos_emb = jnp.einsum('ji,binka->bjnka', pos_mlp1, grouped_xyz)
    rel_pos_emb = jax.nn.relu(rel_pos_emb)
    rel_pos_emb = jnp.einsum('ji,binka->bjnka', pos_mlp2, rel_pos_emb)  # [B,dim,N,kn,na]

    qkv = jnp.einsum('ji,bina->bjna', to_qkv, feats)          # [B,3*dim,N,na]
    qkv = jnp.transpose(qkv, (0, 1, 3, 2)).reshape(B, -1, N)  # [B,3*dim*na,N]
    q, k, v = jnp.split(qkv, 3, axis=1)                       # each [B,dim*na,N]

    qk_rel = q[:, :, :, None] - group_operation(k, group_idx)  # [B,dim*na,N,kn]
    v = group_operation(v, group_idx)                          # [B,dim*na,N,kn]
    v = jnp.transpose(v.reshape(B, dim, na, N, kn), (0, 1, 3, 4, 2))  # [B,dim,N,kn,na]
    v = v + rel_pos_emb
    qk_rel = jnp.transpose(qk_rel.reshape(B, dim, na, N, kn), (0, 1, 3, 4, 2))
    sim = qk_rel + rel_pos_emb

    sim = jnp.einsum('ji,binka->bjnka', attn_mlp1, sim)
    sim = jax.nn.relu(sim)
    sim = jnp.einsum('ji,binka->bjnka', attn_mlp2, sim)        # [B,dim,N,kn,na]

    attn = jax.nn.softmax(sim, axis=-2)
    agg = jnp.sum(attn * v, axis=-2)                           # [B,dim,N,na]
    return agg

if __name__ == "__main__":
    import jax
    _d = setup_inputs()
    print(jax.jit(kernel)(*tuple(_d.values())))

</pallas_src>

<mosaic_0001>
#map = affine_map<(d0, d1) -> (0, 0)>
#map1 = affine_map<(d0, d1) -> (0)>
module attributes {stable_mosaic.version = 14 : i64} {
  func.func @body(%arg0: i32, %arg1: i32, %arg2: memref<2048x384xf32, #tpu.memory_space<hbm>>, %arg3: memref<32768xi32, #tpu.memory_space<hbm>>, %arg4: memref<32768x384xf32, #tpu.memory_space<hbm>>, %arg5: memref<2x128xi32, #tpu.memory_space<vmem>>, %arg6: memref<2x128x384xf32, #tpu.memory_space<vmem>>, %arg7: memref<!tpu.dma_semaphore, #tpu.memory_space<semaphore_mem>>, %arg8: memref<!tpu.dma_semaphore, #tpu.memory_space<semaphore_mem>>, %arg9: memref<!tpu.dma_semaphore, #tpu.memory_space<semaphore_mem>>, %arg10: memref<!tpu.dma_semaphore, #tpu.memory_space<semaphore_mem>>) attributes {dimension_semantics = [#tpu.dimension_semantics<core_parallel>, #tpu.dimension_semantics<subcore_parallel>], iteration_bounds = array<i64: 2, 16>, scalar_prefetch = 0 : i64, scratch_operands = 6 : i64, tpu.core_type = #tpu.core_type<sc_vector_subcore>, window_params = [{transform_indices = #map}, {transform_indices = #map1}, {transform_indices = #map}]} {
    %mul3A = arith.constant 2 : i32
    %mul3A_0 = arith.muli %arg1, %mul3A : i32
    %add3A = arith.addi %mul3A_0, %arg0 : i32
    %mul3A_1 = arith.constant 1024 : i32
    %mul3A_2 = arith.muli %add3A, %mul3A_1 : i32
    %add3A_3 = arith.constant 0 : i32
    %add3A_4 = arith.addi %mul3A_2, %add3A_3 : i32
    %multiple_of3A = tpu.assume_multiple %add3A_4, 128 : i32
    %run_scoped3A = arith.constant 0 : i32
    "tpu.region"() ({
      %run_scoped3A_455 = tpu.sem_alloc : memref<!tpu.dma_semaphore, #tpu.memory_space<semaphore_mem>>
      %dma_start3A_456 = arith.constant 0 : i32
      %dma_start3A_457 = tpu.memref_slice %arg5[%run_scoped3A, %dma_start3A_456] : memref<2x128xi32, #tpu.memory_space<vmem>> -> memref<1x128xi32, #tpu.memory_space<vmem>>
      %dma_start3A_458 = tpu.memref_squeeze %dma_start3A_457 : memref<1x128xi32, #tpu.memory_space<vmem>> -> memref<128xi32, #tpu.memory_space<vmem>>
      %dma_start3A_459 = tpu.memref_slice %arg3[%multiple_of3A] : memref<32768xi32, #tpu.memory_space<hbm>> -> memref<128xi32, #tpu.memory_space<hbm>>
      %dma_start3A_460 = arith.constant 0 : i32
      %dma_start3A_461 = tpu.memref_slice %arg5[%run_scoped3A, %dma_start3A_460] : memref<2x128xi32, #tpu.memory_space<vmem>> -> memref<1x128xi32, #tpu.memory_space<vmem>>
      %dma_start3A_462 = tpu.memref_squeeze %dma_start3A_461 : memref<1x128xi32, #tpu.memory_space<vmem>> -> memref<128xi32, #tpu.memory_space<vmem>>
      %dma_start3A_463 = tpu.memref_slice %arg3[%multiple_of3A] : memref<32768xi32, #tpu.memory_space<hbm>> -> memref<128xi32, #tpu.memory_space<hbm>>
      tpu.enqueue_dma source(%dma_start3A_463 : memref<128xi32, #tpu.memory_space<hbm>>) target(%dma_start3A_462 : memref<128xi32, #tpu.memory_space<vmem>>) target_semaphore(%run_scoped3A_455 : memref<!tpu.dma_semaphore, #tpu.memory_space<semaphore_mem>>)
      %dma_wait3A_464 = arith.constant 0 : i32
      %dma_wait3A_465 = tpu.memref_slice %arg5[%run_scoped3A, %dma_wait3A_464] : memref<2x128xi32, #tpu.memory_space<vmem>> -> memref<1x128xi32, #tpu.memory_space<vmem>>
      %dma_wait3A_466 = tpu.memref_squeeze %dma_wait3A_465 : memref<1x128xi32, #tpu.memory_space<vmem>> -> memref<128xi32, #tpu.memory_space<vmem>>
      %dma_wait3A_467 = tpu.memref_slice %arg3[%multiple_of3A] : memref<32768xi32, #tpu.memory_space<hbm>> -> memref<128xi32, #tpu.memory_space<hbm>>
      %dma_wait3A_468 = arith.constant 0 : i32
      %dma_wait3A_469 = tpu.memref_slice %arg5[%run_scoped3A, %dma_wait3A_468] : memref<2x128xi32, #tpu.memory_space<vmem>> -> memref<1x128xi32, #tpu.memory_space<vmem>>
      %dma_wait3A_470 = tpu.memref_squeeze %dma_wait3A_469 : memref<1x128xi32, #tpu.memory_space<vmem>> -> memref<128xi32, #tpu.memory_space<vmem>>
      %dma_wait3A_471 = tpu.memref_slice %arg3[%multiple_of3A] : memref<32768xi32, #tpu.memory_space<hbm>> -> memref<128xi32, #tpu.memory_space<hbm>>
      tpu.wait_dma2 semaphore(%run_scoped3A_455 : memref<!tpu.dma_semaphore, #tpu.memory_space<semaphore_mem>>) src(%dma_wait3A_471 : memref<128xi32, #tpu.memory_space<hbm>>) dst(%dma_wait3A_470 : memref<128xi32, #tpu.memory_space<vmem>>)
      tpu.yield
    }) : () -> ()
    %dma_start3A = arith.constant 0 : i32
    %dma_start3A_5 = arith.constant 0 : i32
    %dma_start3A_6 = arith.constant 0 : i32
    %dma_start3A_7 = arith.constant 0 : i32
    %dma_start3A_8 = tpu.memref_slice %arg6[%dma_start3A_5, %dma_start3A_6, %dma_start3A_7] : memref<2x128x384xf32, #tpu.memory_space<vmem>> -> memref<1x128x384xf32, #tpu.memory_space<vmem>>
    %dma_start3A_9 = tpu.memref_squeeze %dma_start3A_8 : memref<1x128x384xf32, #tpu.memory_space<vmem>> -> memref<128x384xf32, #tpu.memory_space<vmem>>
    %dma_start3A_10 = arith.constant 0 : i32
    %dma_start3A_11 = tpu.memref_slice %arg5[%dma_start3A, %dma_start3A_10] : memref<2x128xi32, #tpu.memory_space<vmem>> -> memref<1x128xi32, #tpu.memory_space<vmem>>
    %dma_start3A_12 = tpu.memref_squeeze %dma_start3A_11 : memref<1x128xi32, #tpu.memory_space<vmem>> -> memref<128xi32, #tpu.memory_space<vmem>>
    %dma_start3A_13 = arith.constant 0 : i32
    %dma_start3A_14 = arith.constant 0 : i32
    %dma_start3A_15 = tpu.memref_slice %arg2[%dma_start3A_13, %dma_start3A_14] : memref<2048x384xf32, #tpu.memory_space<hbm>> -> memref<2048x384xf32, #tpu.memory_space<hbm>>
    tpu.enqueue_indirect_dma source(%dma_start3A_15 : memref<2048x384xf32, #tpu.memory_space<hbm>>) target(%dma_start3A_9 : memref<128x384xf32, #tpu.memory_space<vmem>>) offsets(%dma_start3A_12 : memref<128xi32, #tpu.memory_space<vmem>>) semaphore(%arg7 : memref<!tpu.dma_semaphore, #tpu.memory_space<semaphore_mem>>)
    %add3A_16 = arith.constant 128 : i32
    %add3A_17 = arith.addi %mul3A_2, %add3A_16 : i32
    %multiple_of3A_18 = tpu.assume_multiple %add3A_17, 128 : i32
    %run_scoped3A_19 = arith.constant 1 : i32
    "tpu.region"() ({
      %run_scoped3A_455 = tpu.sem_alloc : memref<!tpu.dma_semaphore, #tpu.memory_space<semaphore_mem>>
      %dma_start3A_456 = arith.constant 0 : i32
      %dma_start3A_457 = tpu.memref_slice %arg5[%run_scoped3A_19, %dma_start3A_456] : memref<2x128xi32, #tpu.memory_space<vmem>> -> memref<1x128xi32, #tpu.memory_space<vmem>>
      %dma_start3A_458 = tpu.memref_squeeze %dma_start3A_457 : memref<1x128xi32, #tpu.memory_space<vmem>> -> memref<128xi32, #tpu.memory_space<vmem>>
      %dma_start3A_459 = tpu.memref_slice %arg3[%multiple_of3A_18] : memref<32768xi32, #tpu.memory_space<hbm>> -> memref<128xi32, #tpu.memory_space<hbm>>
      %dma_start3A_460 = arith.constant 0 : i32
      %dma_start3A_461 = tpu.memref_slice %arg5[%run_scoped3A_19, %dma_start3A_460] : memref<2x128xi32, #tpu.memory_space<vmem>> -> memref<1x128xi32, #tpu.memory_space<vmem>>
      %dma_start3A_462 = tpu.memref_squeeze %dma_start3A_461 : memref<1x128xi32, #tpu.memory_space<vmem>> -> memref<128xi32, #tpu.memory_space<vmem>>
      %dma_start3A_463 = tpu.memref_slice %arg3[%multiple_of3A_18] : memref<32768xi32, #tpu.memory_space<hbm>> -> memref<128xi32, #tpu.memory_space<hbm>>
      tpu.enqueue_dma source(%dma_start3A_463 : memref<128xi32, #tpu.memory_space<hbm>>) target(%dma_start3A_462 : memref<128xi32, #tpu.memory_space<vmem>>) target_semaphore(%run_scoped3A_455 : memref<!tpu.dma_semaphore, #tpu.memory_space<semaphore_mem>>)
      %dma_wait3A_464 = arith.constant 0 : i32
      %dma_wait3A_465 = tpu.memref_slice %arg5[%run_scoped3A_19, %dma_wait3A_464] : memref<2x128xi32, #tpu.memory_space<vmem>> -> memref<1x128xi32, #tpu.memory_space<vmem>>
      %dma_wait3A_466 = tpu.memref_squeeze %dma_wait3A_465 : memref<1x128xi32, #tpu.memory_space<vmem>> -> memref<128xi32, #tpu.memory_space<vmem>>
      %dma_wait3A_467 = tpu.memref_slice %arg3[%multiple_of3A_18] : memref<32768xi32, #tpu.memory_space<hbm>> -> memref<128xi32, #tpu.memory_space<hbm>>
      %dma_wait3A_468 = arith.constant 0 : i32
      %dma_wait3A_469 = tpu.memref_slice %arg5[%run_scoped3A_19, %dma_wait3A_468] : memref<2x128xi32, #tpu.memory_space<vmem>> -> memref<1x128xi32, #tpu.memory_space<vmem>>
      %dma_wait3A_470 = tpu.memref_squeeze %dma_wait3A_469 : memref<1x128xi32, #tpu.memory_space<vmem>> -> memref<128xi32, #tpu.memory_space<vmem>>
      %dma_wait3A_471 = tpu.memref_slice %arg3[%multiple_of3A_18] : memref<32768xi32, #tpu.memory_space<hbm>> -> memref<128xi32, #tpu.memory_space<hbm>>
      tpu.wait_dma2 semaphore(%run_scoped3A_455 : memref<!tpu.dma_semaphore, #tpu.memory_space<semaphore_mem>>) src(%dma_wait3A_471 : memref<128xi32, #tpu.memory_space<hbm>>) dst(%dma_wait3A_470 : memref<128xi32, #tpu.memory_space<vmem>>)
      tpu.yield
    }) : () -> ()
    %dma_start3A_20 = arith.constant 1 : i32
    %dma_start3A_21 = arith.constant 1 : i32
    %dma_start3A_22 = arith.constant 0 : i32
    %dma_start3A_23 = arith.constant 0 : i32
    %dma_start3A_24 = tpu.memref_slice %arg6[%dma_start3A_21, %dma_start3A_22, %dma_start3A_23] : memref<2x128x384xf32, #tpu.memory_space<vmem>> -> memref<1x128x384xf32, #tpu.memory_space<vmem>>
    %dma_start3A_25 = tpu.memref_squeeze %dma_start3A_24 : memref<1x128x384xf32, #tpu.memory_space<vmem>> -> memref<128x384xf32, #tpu.memory_space<vmem>>
    %dma_start3A_26 = arith.constant 0 : i32
    %dma_start3A_27 = tpu.memref_slice %arg5[%dma_start3A_20, %dma_start3A_26] : memref<2x128xi32, #tpu.memory_space<vmem>> -> memref<1x128xi32, #tpu.memory_space<vmem>>
    %dma_start3A_28 = tpu.memref_squeeze %dma_start3A_27 : memref<1x128xi32, #tpu.memory_space<vmem>> -> memref<128xi32, #tpu.memory_space<vmem>>
    %dma_start3A_29 = arith.constant 0 : i32
    %dma_start3A_30 = arith.constant 0 : i32
    %dma_start3A_31 = tpu.memref_slice %arg2[%dma_start3A_29, %dma_start3A_30] : memref<2048x384xf32, #tpu.memory_space<hbm>> -> memref<2048x384xf32, #tpu.memory_space<hbm>>
    tpu.enqueue_indirect_dma source(%dma_start3A_31 : memref<2048x384xf32, #tpu.memory_space<hbm>>) target(%dma_start3A_25 : memref<128x384xf32, #tpu.memory_space<vmem>>) offsets(%dma_start3A_28 : memref<128xi32, #tpu.memory_space<vmem>>) semaphore(%arg8 : memref<!tpu.dma_semaphore, #tpu.memory_space<semaphore_mem>>)
    %dma_wait3A = arith.constant 0 : i32
    %dma_wait3A_32 = arith.constant 0 : i32
    %dma_wait3A_33 = arith.constant 0 : i32
    %dma_wait3A_34 = arith.constant 0 : i32
    %dma_wait3A_35 = tpu.memref_slice %arg6[%dma_wait3A_32, %dma_wait3A_33, %dma_wait3A_34] : memref<2x128x384xf32, #tpu.memory_space<vmem>> -> memref<1x128x384xf32, #tpu.memory_space<vmem>>
    %dma_wait3A_36 = tpu.memref_squeeze %dma_wait3A_35 : memref<1x128x384xf32, #tpu.memory_space<vmem>> -> memref<128x384xf32, #tpu.memory_space<vmem>>
    %dma_wait3A_37 = arith.constant 0 : i32
    %dma_wait3A_38 = tpu.memref_slice %arg5[%dma_wait3A, %dma_wait3A_37] : memref<2x128xi32, #tpu.memory_space<vmem>> -> memref<1x128xi32, #tpu.memory_space<vmem>>
    %dma_wait3A_39 = tpu.memref_squeeze %dma_wait3A_38 : memref<1x128xi32, #tpu.memory_space<vmem>> -> memref<128xi32, #tpu.memory_space<vmem>>
    %dma_wait3A_40 = arith.constant 0 : i32
    %dma_wait3A_41 = arith.constant 0 : i32
    %dma_wait3A_42 = tpu.memref_slice %arg2[%dma_wait3A_40, %dma_wait3A_41] : memref<2048x384xf32, #tpu.memory_space<hbm>> -> memref<2048x384xf32, #tpu.memory_space<hbm>>
    tpu.wait_indirect_dma semaphore(%arg7 : memref<!tpu.dma_semaphore, #tpu.memory_space<semaphore_mem>>) src(%dma_wait3A_42 : memref<2048x384xf32, #tpu.memory_space<hbm>>) dst(%dma_wait3A_36 : memref<128x384xf32, #tpu.memory_space<vmem>>)
    %add3A_43 = arith.constant 0 : i32
    %add3A_44 = arith.addi %mul3A_2, %add3A_43 : i32
    %multiple_of3A_45 = tpu.assume_multiple %add3A_44, 128 : i32
    %dma_start3A_46 = arith.constant 0 : i32
    %dma_start3A_47 = arith.constant 0 : i32
    %dma_start3A_48 = arith.constant 0 : i32
    %dma_start3A_49 = tpu.memref_slice %arg6[%dma_start3A_46, %dma_start3A_47, %dma_start3A_48] : memref<2x128x384xf32, #tpu.memory_space<vmem>> -> memref<1x128x384xf32, #tpu.memory_space<vmem>>
    %dma_start3A_50 = tpu.memref_squeeze %dma_start3A_49 : memref<1x128x384xf32, #tpu.memory_space<vmem>> -> memref<128x384xf32, #tpu.memory_space<vmem>>
    %dma_start3A_51 = arith.constant 0 : i32
    %dma_start3A_52 = tpu.memref_slice %arg4[%multiple_of3A_45, %dma_start3A_51] : memref<32768x384xf32, #tpu.memory_space<hbm>> -> memref<128x384xf32, #tpu.memory_space<hbm>>
    %dma_start3A_53 = arith.constant 0 : i32
    %dma_start3A_54 = tpu.memref_slice %arg4[%multiple_of3A_45, %dma_start3A_53] : memref<32768x384xf32, #tpu.memory_space<hbm>> -> memref<128x384xf32, #tpu.memory_space<hbm>>
    %dma_start3A_55 = arith.constant 0 : i32
    %dma_start3A_56 = arith.constant 0 : i32
    %dma_start3A_57 = tpu.memref_slice %arg6[%dma_start3A_46, %dma_start3A_55, %dma_start3A_56] : memref<2x128x384xf32, #tpu.memory_space<vmem>> -> memref<1x128x384xf32, #tpu.memory_space<vmem>>
    %dma_start3A_58 = tpu.memref_squeeze %dma_start3A_57 : memref<1x128x384xf32, #tpu.memory_space<vmem>> -> memref<128x384xf32, #tpu.memory_space<vmem>>
    tpu.enqueue_dma source(%dma_start3A_58 : memref<128x384xf32, #tpu.memory_space<vmem>>) target(%dma_start3A_54 : memref<128x384xf32, #tpu.memory_space<hbm>>) target_semaphore(%arg9 : memref<!tpu.dma_semaphore, #tpu.memory_space<semaphore_mem>>)
    %dma_wait3A_59 = arith.constant 0 : i32
    %dma_wait3A_60 = arith.constant 0 : i32
    %dma_wait3A_61 = arith.constant 0 : i32
    %dma_wait3A_62 = tpu.memref_slice %arg6[%dma_wait3A_59, %dma_wait3A_60, %dma_wait3A_61] : memref<2x128x384xf32, #tpu.memory_space<vmem>> -> memref<1x128x384xf32, #tpu.memory_space<vmem>>
    %dma_wait3A_63 = tpu.memref_squeeze %dma_wait3A_62 : memref<1x128x384xf32, #tpu.memory_space<vmem>> -> memref<128x384xf32, #tpu.memory_space<vmem>>
    %dma_wait3A_64 = arith.constant 0 : i32
    %dma_wait3A_65 = tpu.memref_slice %arg4[%multiple_of3A_45, %dma_wait3A_64] : memref<32768x384xf32, #tpu.memory_space<hbm>> -> memref<128x384xf32, #tpu.memory_space<hbm>>
    %dma_wait3A_66 = arith.constant 0 : i32
    %dma_wait3A_67 = tpu.memref_slice %arg4[%multiple_of3A_45, %dma_wait3A_66] : memref<32768x384xf32, #tpu.memory_space<hbm>> -> memref<128x384xf32, #tpu.memory_space<hbm>>
    %dma_wait3A_68 = arith.constant 0 : i32
    %dma_wait3A_69 = arith.constant 0 : i32
    %dma_wait3A_70 = tpu.memref_slice %arg6[%dma_wait3A_59, %dma_wait3A_68, %dma_wait3A_69] : memref<2x128x384xf32, #tpu.memory_space<vmem>> -> memref<1x128x384xf32, #tpu.memory_space<vmem>>
    %dma_wait3A_71 = tpu.memref_squeeze %dma_wait3A_70 : memref<1x128x384xf32, #tpu.memory_space<vmem>> -> memref<128x384xf32, #tpu.memory_space<vmem>>
    tpu.wait_dma2 semaphore(%arg9 : memref<!tpu.dma_semaphore, #tpu.memory_space<semaphore_mem>>) src(%dma_wait3A_71 : memref<128x384xf32, #tpu.memory_space<vmem>>) dst(%dma_wait3A_67 : memref<128x384xf32, #tpu.memory_space<hbm>>)
    %add3A_72 = arith.constant 256 : i32
    %add3A_73 = arith.addi %mul3A_2, %add3A_72 : i32
    %multiple_of3A_74 = tpu.assume_multiple %add3A_73, 128 : i32
    %run_scoped3A_75 = arith.constant 0 : i32
    "tpu.region"() ({
      %run_scoped3A_455 = tpu.sem_alloc : memref<!tpu.dma_semaphore, #tpu.memory_space<semaphore_mem>>
      %dma_start3A_456 = arith.constant 0 : i32
      %dma_start3A_457 = tpu.memref_slice %arg5[%run_scoped3A_75, %dma_start3A_456] : memref<2x128xi32, #tpu.memory_space<vmem>> -> memref<1x128xi32, #tpu.memory_space<vmem>>
      %dma_start3A_458 = tpu.memref_squeeze %dma_start3A_457 : memref<1x128xi32, #tpu.memory_space<vmem>> -> memref<128xi32, #tpu.memory_space<vmem>>
      %dma_start3A_459 = tpu.memref_slice %arg3[%multiple_of3A_74] : memref<32768xi32, #tpu.memory_space<hbm>> -> memref<128xi32, #tpu.memory_space<hbm>>
      %dma_start3A_460 = arith.constant 0 : i32
      %dma_start3A_461 = tpu.memref_slice %arg5[%run_scoped3A_75, %dma_start3A_460] : memref<2x128xi32, #tpu.memory_space<vmem>> -> memref<1x128xi32, #tpu.memory_space<vmem>>
      %dma_start3A_462 = tpu.memref_squeeze %dma_start3A_461 : memref<1x128xi32, #tpu.memory_space<vmem>> -> memref<128xi32, #tpu.memory_space<vmem>>
      %dma_start3A_463 = tpu.memref_slice %arg3[%multiple_of3A_74] : memref<32768xi32, #tpu.memory_space<hbm>> -> memref<128xi32, #tpu.memory_space<hbm>>
      tpu.enqueue_dma source(%dma_start3A_463 : memref<128xi32, #tpu.memory_space<hbm>>) target(%dma_start3A_462 : memref<128xi32, #tpu.memory_space<vmem>>) target_semaphore(%run_scoped3A_455 : memref<!tpu.dma_semaphore, #tpu.memory_space<semaphore_mem>>)
      %dma_wait3A_464 = arith.constant 0 : i32
      %dma_wait3A_465 = tpu.memref_slice %arg5[%run_scoped3A_75, %dma_wait3A_464] : memref<2x128xi32, #tpu.memory_space<vmem>> -> memref<1x128xi32, #tpu.memory_space<vmem>>
      %dma_wait3A_466 = tpu.memref_squeeze %dma_wait3A_465 : memref<1x128xi32, #tpu.memory_space<vmem>> -> memref<128xi32, #tpu.memory_space<vmem>>
      %dma_wait3A_467 = tpu.memref_slice %arg3[%multiple_of3A_74] : memref<32768xi32, #tpu.memory_space<hbm>> -> memref<128xi32, #tpu.memory_space<hbm>>
      %dma_wait3A_468 = arith.constant 0 : i32
      %dma_wait3A_469 = tpu.memref_slice %arg5[%run_scoped3A_75, %dma_wait3A_468] : memref<2x128xi32, #tpu.memory_space<vmem>> -> memref<1x128xi32, #tpu.memory_space<vmem>>
      %dma_wait3A_470 = tpu.memref_squeeze %dma_wait3A_469 : memref<1x128xi32, #tpu.memory_space<vmem>> -> memref<128xi32, #tpu.memory_space<vmem>>
      %dma_wait3A_471 = tpu.memref_slice %arg3[%multiple_of3A_74] : memref<32768xi32, #tpu.memory_space<hbm>> -> memref<128xi32, #tpu.memory_space<hbm>>
      tpu.wait_dma2 semaphore(%run_scoped3A_455 : memref<!tpu.dma_semaphore, #tpu.memory_space<semaphore_mem>>) src(%dma_wait3A_471 : memref<128xi32, #tpu.memory_space<hbm>>) dst(%dma_wait3A_470 : memref<128xi32, #tpu.memory_space<vmem>>)
      tpu.yield
    }) : () -> ()
    %dma_start3A_76 = arith.constant 0 : i32
    %dma_start3A_77 = arith.constant 0 : i32
    %dma_start3A_78 = arith.constant 0 : i32
    %dma_start3A_79 = arith.constant 0 : i32
    %dma_start3A_80 = tpu.memref_slice %arg6[%dma_start3A_77, %dma_start3A_78, %dma_start3A_79] : memref<2x128x384xf32, #tpu.memory_space<vmem>> -> memref<1x128x384xf32, #tpu.memory_space<vmem>>
    %dma_start3A_81 = tpu.memref_squeeze %dma_start3A_80 : memref<1x128x384xf32, #tpu.memory_space<vmem>> -> memref<128x384xf32, #tpu.memory_space<vmem>>
    %dma_start3A_82 = arith.constant 0 : i32
    %dma_start3A_83 = tpu.memref_slice %arg5[%dma_start3A_76, %dma_start3A_82] : memref<2x128xi32, #tpu.memory_space<vmem>> -> memref<1x128xi32, #tpu.memory_space<vmem>>
    %dma_start3A_84 = tpu.memref_squeeze %dma_start3A_83 : memref<1x128xi32, #tpu.memory_space<vmem>> -> memref<128xi32, #tpu.memory_space<vmem>>
    %dma_start3A_85 = arith.constant 0 : i32
    %dma_start3A_86 = arith.constant 0 : i32
    %dma_start3A_87 = tpu.memref_slice %arg2[%dma_start3A_85, %dma_start3A_86] : memref<2048x384xf32, #tpu.memory_space<hbm>> -> memref<2048x384xf32, #tpu.memory_space<hbm>>
    tpu.enqueue_indirect_dma source(%dma_start3A_87 : memref<2048x384xf32, #tpu.memory_space<hbm>>) target(%dma_start3A_81 : memref<128x384xf32, #tpu.memory_space<vmem>>) offsets(%dma_start3A_84 : memref<128xi32, #tpu.memory_space<vmem>>) semaphore(%arg7 : memref<!tpu.dma_semaphore, #tpu.memory_space<semaphore_mem>>)
    %dma_wait3A_88 = arith.constant 1 : i32
    %dma_wait3A_89 = arith.constant 1 : i32
    %dma_wait3A_90 = arith.constant 0 : i32
    %dma_wait3A_91 = arith.constant 0 : i32
    %dma_wait3A_92 = tpu.memref_slice %arg6[%dma_wait3A_89, %dma_wait3A_90, %dma_wait3A_91] : memref<2x128x384xf32, #tpu.memory_space<vmem>> -> memref<1x128x384xf32, #tpu.memory_space<vmem>>
    %dma_wait3A_93 = tpu.memref_squeeze %dma_wait3A_92 : memref<1x128x384xf32, #tpu.memory_space<vmem>> -> memref<128x384xf32, #tpu.memory_space<vmem>>
    %dma_wait3A_94 = arith.constant 0 : i32
    %dma_wait3A_95 = tpu.memref_slice %arg5[%dma_wait3A_88, %dma_wait3A_94] : memref<2x128xi32, #tpu.memory_space<vmem>> -> memref<1x128xi32, #tpu.memory_space<vmem>>
    %dma_wait3A_96 = tpu.memref_squeeze %dma_wait3A_95 : memref<1x128xi32, #tpu.memory_space<vmem>> -> memref<128xi32, #tpu.memory_space<vmem>>
    %dma_wait3A_97 = arith.constant 0 : i32
    %dma_wait3A_98 = arith.constant 0 : i32
    %dma_wait3A_99 = tpu.memref_slice %arg2[%dma_wait3A_97, %dma_wait3A_98] : memref<2048x384xf32, #tpu.memory_space<hbm>> -> memref<2048x384xf32, #tpu.memory_space<hbm>>
    tpu.wait_indirect_dma semaphore(%arg8 : memref<!tpu.dma_semaphore, #tpu.memory_space<semaphore_mem>>) src(%dma_wait3A_99 : memref<2048x384xf32, #tpu.memory_space<hbm>>) dst(%dma_wait3A_93 : memref<128x384xf32, #tpu.memory_space<vmem>>)
    %add3A_100 = arith.constant 128 : i32
    %add3A_101 = arith.addi %mul3A_2, %add3A_100 : i32
    %multiple_of3A_102 = tpu.assume_multiple %add3A_101, 128 : i32
    %dma_start3A_103 = arith.constant 1 : i32
    %dma_start3A_104 = arith.constant 0 : i32
    %dma_start3A_105 = arith.constant 0 : i32
    %dma_start3A_106 = tpu.memref_slice %arg6[%dma_start3A_103, %dma_start3A_104, %dma_start3A_105] : memref<2x128x384xf32, #tpu.memory_space<vmem>> -> memref<1x128x384xf32, #tpu.memory_space<vmem>>
    %dma_start3A_107 = tpu.memref_squeeze %dma_start3A_106 : memref<1x128x384xf32, #tpu.memory_space<vmem>> -> memref<128x384xf32, #tpu.memory_space<vmem>>
    %dma_start3A_108 = arith.constant 0 : i32
    %dma_start3A_109 = tpu.memref_slice %arg4[%multiple_of3A_102, %dma_start3A_108] : memref<32768x384xf32, #tpu.memory_space<hbm>> -> memref<128x384xf32, #tpu.memory_space<hbm>>
    %dma_start3A_110 = arith.constant 0 : i32
    %dma_start3A_111 = tpu.memref_slice %arg4[%multiple_of3A_102, %dma_start3A_110] : memref<32768x384xf32, #tpu.memory_space<hbm>> -> memref<128x384xf32, #tpu.memory_space<hbm>>
    %dma_start3A_112 = arith.constant 0 : i32
    %dma_start3A_113 = arith.constant 0 : i32
    %dma_start3A_114 = tpu.memref_slice %arg6[%dma_start3A_103, %dma_start3A_112, %dma_start3A_113] : memref<2x128x384xf32, #tpu.memory_space<vmem>> -> memref<1x128x384xf32, #tpu.memory_space<vmem>>
    %dma_start3A_115 = tpu.memref_squeeze %dma_start3A_114 : memref<1x128x384xf32, #tpu.memory_space<vmem>> -> memref<128x384xf32, #tpu.memory_space<vmem>>
    tpu.enqueue_dma source(%dma_start3A_115 : memref<128x384xf32, #tpu.memory_space<vmem>>) target(%dma_start3A_111 : memref<128x384xf32, #tpu.memory_space<hbm>>) target_semaphore(%arg10 : memref<!tpu.dma_semaphore, #tpu.memory_space<semaphore_mem>>)
    %dma_wait3A_116 = arith.constant 1 : i32
    %dma_wait3A_117 = arith.constant 0 : i32
    %dma_wait3A_118 = arith.constant 0 : i32
    %dma_wait3A_119 = tpu.memref_slice %arg6[%dma_wait3A_116, %dma_wait3A_117, %dma_wait3A_118] : memref<2x128x384xf32, #tpu.memory_space<vmem>> -> memref<1x128x384xf32, #tpu.memory_space<vmem>>
    %dma_wait3A_120 = tpu.memref_squeeze %dma_wait3A_119 : memref<1x128x384xf32, #tpu.memory_space<vmem>> -> memref<128x384xf32, #tpu.memory_space<vmem>>
    %dma_wait3A_121 = arith.constant 0 : i32
    %dma_wait3A_122 = tpu.memref_slice %arg4[%multiple_of3A_102, %dma_wait3A_121] : memref<32768x384xf32, #tpu.memory_space<hbm>> -> memref<128x384xf32, #tpu.memory_space<hbm>>
    %dma_wait3A_123 = arith.constant 0 : i32
    %dma_wait3A_124 = tpu.memref_slice %arg4[%multiple_of3A_102, %dma_wait3A_123] : memref<32768x384xf32, #tpu.memory_space<hbm>> -> memref<128x384xf32, #tpu.memory_space<hbm>>
    %dma_wait3A_125 = arith.constant 0 : i32
    %dma_wait3A_126 = arith.constant 0 : i32
    %dma_wait3A_127 = tpu.memref_slice %arg6[%dma_wait3A_116, %dma_wait3A_125, %dma_wait3A_126] : memref<2x128x384xf32, #tpu.memory_space<vmem>> -> memref<1x128x384xf32, #tpu.memory_space<vmem>>
    %dma_wait3A_128 = tpu.memref_squeeze %dma_wait3A_127 : memref<1x128x384xf32, #tpu.memory_space<vmem>> -> memref<128x384xf32, #tpu.memory_space<vmem>>
    tpu.wait_dma2 semaphore(%arg10 : memref<!tpu.dma_semaphore, #tpu.memory_space<semaphore_mem>>) src(%dma_wait3A_128 : memref<128x384xf32, #tpu.memory_space<vmem>>) dst(%dma_wait3A_124 : memref<128x384xf32, #tpu.memory_space<hbm>>)
    %add3A_129 = arith.constant 384 : i32
    %add3A_130 = arith.addi %mul3A_2, %add3A_129 : i32
    %multiple_of3A_131 = tpu.assume_multiple %add3A_130, 128 : i32
    %run_scoped3A_132 = arith.constant 1 : i32
    "tpu.region"() ({
      %run_scoped3A_455 = tpu.sem_alloc : memref<!tpu.dma_semaphore, #tpu.memory_space<semaphore_mem>>
      %dma_start3A_456 = arith.constant 0 : i32
      %dma_start3A_457 = tpu.memref_slice %arg5[%run_scoped3A_132, %dma_start3A_456] : memref<2x128xi32, #tpu.memory_space<vmem>> -> memref<1x128xi32, #tpu.memory_space<vmem>>
      %dma_start3A_458 = tpu.memref_squeeze %dma_start3A_457 : memref<1x128xi32, #tpu.memory_space<vmem>> -> memref<128xi32, #tpu.memory_space<vmem>>
      %dma_start3A_459 = tpu.memref_slice %arg3[%multiple_of3A_131] : memref<32768xi32, #tpu.memory_space<hbm>> -> memref<128xi32, #tpu.memory_space<hbm>>
      %dma_start3A_460 = arith.constant 0 : i32
      %dma_start3A_461 = tpu.memref_slice %arg5[%run_scoped3A_132, %dma_start3A_460] : memref<2x128xi32, #tpu.memory_space<vmem>> -> memref<1x128xi32, #tpu.memory_space<vmem>>
      %dma_start3A_462 = tpu.memref_squeeze %dma_start3A_461 : memref<1x128xi32, #tpu.memory_space<vmem>> -> memref<128xi32, #tpu.memory_space<vmem>>
      %dma_start3A_463 = tpu.memref_slice %arg3[%multiple_of3A_131] : memref<32768xi32, #tpu.memory_space<hbm>> -> memref<128xi32, #tpu.memory_space<hbm>>
      tpu.enqueue_dma source(%dma_start3A_463 : memref<128xi32, #tpu.memory_space<hbm>>) target(%dma_start3A_462 : memref<128xi32, #tpu.memory_space<vmem>>) target_semaphore(%run_scoped3A_455 : memref<!tpu.dma_semaphore, #tpu.memory_space<semaphore_mem>>)
      %dma_wait3A_464 = arith.constant 0 : i32
      %dma_wait3A_465 = tpu.memref_slice %arg5[%run_scoped3A_132, %dma_wait3A_464] : memref<2x128xi32, #tpu.memory_space<vmem>> -> memref<1x128xi32, #tpu.memory_space<vmem>>
      %dma_wait3A_466 = tpu.memref_squeeze %dma_wait3A_465 : memref<1x128xi32, #tpu.memory_space<vmem>> -> memref<128xi32, #tpu.memory_space<vmem>>
      %dma_wait3A_467 = tpu.memref_slice %arg3[%multiple_of3A_131] : memref<32768xi32, #tpu.memory_space<hbm>> -> memref<128xi32, #tpu.memory_space<hbm>>
      %dma_wait3A_468 = arith.constant 0 : i32
      %dma_wait3A_469 = tpu.memref_slice %arg5[%run_scoped3A_132, %dma_wait3A_468] : memref<2x128xi32, #tpu.memory_space<vmem>> -> memref<1x128xi32, #tpu.memory_space<vmem>>
      %dma_wait3A_470 = tpu.memref_squeeze %dma_wait3A_469 : memref<1x128xi32, #tpu.memory_space<vmem>> -> memref<128xi32, #tpu.memory_space<vmem>>
      %dma_wait3A_471 = tpu.memref_slice %arg3[%multiple_of3A_131] : memref<32768xi32, #tpu.memory_space<hbm>> -> memref<128xi32, #tpu.memory_space<hbm>>
      tpu.wait_dma2 semaphore(%run_scoped3A_455 : memref<!tpu.dma_semaphore, #tpu.memory_space<semaphore_mem>>) src(%dma_wait3A_471 : memref<128xi32, #tpu.memory_space<hbm>>) dst(%dma_wait3A_470 : memref<128xi32, #tpu.memory_space<vmem>>)
      tpu.yield
    }) : () -> ()
    %dma_start3A_133 = arith.constant 1 : i32
    %dma_start3A_134 = arith.constant 1 : i32
    %dma_start3A_135 = arith.constant 0 : i32
    %dma_start3A_136 = arith.constant 0 : i32
    %dma_start3A_137 = tpu.memref_slice %arg6[%dma_start3A_134, %dma_start3A_135, %dma_start3A_136] : memref<2x128x384xf32, #tpu.memory_space<vmem>> -> memref<1x128x384xf32, #tpu.memory_space<vmem>>
    %dma_start3A_138 = tpu.memref_squeeze %dma_start3A_137 : memref<1x128x384xf32, #tpu.memory_space<vmem>> -> memref<128x384xf32, #tpu.memory_space<vmem>>
    %dma_start3A_139 = arith.constant 0 : i32
    %dma_start3A_140 = tpu.memref_slice %arg5[%dma_start3A_133, %dma_start3A_139] : memref<2x128xi32, #tpu.memory_space<vmem>> -> memref<1x128xi32, #tpu.memory_space<vmem>>
    %dma_start3A_141 = tpu.memref_squeeze %dma_start3A_140 : memref<1x128xi32, #tpu.memory_space<vmem>> -> memref<128xi32, #tpu.memory_space<vmem>>
    %dma_start3A_142 = arith.constant 0 : i32
    %dma_start3A_143 = arith.constant 0 : i32
    %dma_start3A_144 = tpu.memref_slice %arg2[%dma_start3A_142, %dma_start3A_143] : memref<2048x384xf32, #tpu.memory_space<hbm>> -> memref<2048x384xf32, #tpu.memory_space<hbm>>
    tpu.enqueue_indirect_dma source(%dma_start3A_144 : memref<2048x384xf32, #tpu.memory_space<hbm>>) target(%dma_start3A_138 : memref<128x384xf32, #tpu.memory_space<vmem>>) offsets(%dma_start3A_141 : memref<128xi32, #tpu.memory_space<vmem>>) semaphore(%arg8 : memref<!tpu.dma_semaphore, #tpu.memory_space<semaphore_mem>>)
    %dma_wait3A_145 = arith.constant 0 : i32
    %dma_wait3A_146 = arith.constant 0 : i32
    %dma_wait3A_147 = arith.constant 0 : i32
    %dma_wait3A_148 = arith.constant 0 : i32
    %dma_wait3A_149 = tpu.memref_slice %arg6[%dma_wait3A_146, %dma_wait3A_147, %dma_wait3A_148] : memref<2x128x384xf32, #tpu.memory_space<vmem>> -> memref<1x128x384xf32, #tpu.memory_space<vmem>>
    %dma_wait3A_150 = tpu.memref_squeeze %dma_wait3A_149 : memref<1x128x384xf32, #tpu.memory_space<vmem>> -> memref<128x384xf32, #tpu.memory_space<vmem>>
    %dma_wait3A_151 = arith.constant 0 : i32
    %dma_wait3A_152 = tpu.memref_slice %arg5[%dma_wait3A_145, %dma_wait3A_151] : memref<2x128xi32, #tpu.memory_space<vmem>> -> memref<1x128xi32, #tpu.memory_space<vmem>>
    %dma_wait3A_153 = tpu.memref_squeeze %dma_wait3A_152 : memref<1x128xi32, #tpu.memory_space<vmem>> -> memref<128xi32, #tpu.memory_space<vmem>>
    %dma_wait3A_154 = arith.constant 0 : i32
    %dma_wait3A_155 = arith.constant 0 : i32
    %dma_wait3A_156 = tpu.memref_slice %arg2[%dma_wait3A_154, %dma_wait3A_155] : memref<2048x384xf32, #tpu.memory_space<hbm>> -> memref<2048x384xf32, #tpu.memory_space<hbm>>
    tpu.wait_indirect_dma semaphore(%arg7 : memref<!tpu.dma_semaphore, #tpu.memory_space<semaphore_mem>>) src(%dma_wait3A_156 : memref<2048x384xf32, #tpu.memory_space<hbm>>) dst(%dma_wait3A_150 : memref<128x384xf32, #tpu.memory_space<vmem>>)
    %add3A_157 = arith.constant 256 : i32
    %add3A_158 = arith.addi %mul3A_2, %add3A_157 : i32
    %multiple_of3A_159 = tpu.assume_multiple %add3A_158, 128 : i32
    %dma_start3A_160 = arith.constant 0 : i32
    %dma_start3A_161 = arith.constant 0 : i32
    %dma_start3A_162 = arith.constant 0 : i32
    %dma_start3A_163 = tpu.memref_slice %arg6[%dma_start3A_160, %dma_start3A_161, %dma_start3A_162] : memref<2x128x384xf32, #tpu.memory_space<vmem>> -> memref<1x128x384xf32, #tpu.memory_space<vmem>>
    %dma_start3A_164 = tpu.memref_squeeze %dma_start3A_163 : memref<1x128x384xf32, #tpu.memory_space<vmem>> -> memref<128x384xf32, #tpu.memory_space<vmem>>
    %dma_start3A_165 = arith.constant 0 : i32
    %dma_start3A_166 = tpu.memref_slice %arg4[%multiple_of3A_159, %dma_start3A_165] : memref<32768x384xf32, #tpu.memory_space<hbm>> -> memref<128x384xf32, #tpu.memory_space<hbm>>
    %dma_start3A_167 = arith.constant 0 : i32
    %dma_start3A_168 = tpu.memref_slice %arg4[%multiple_of3A_159, %dma_start3A_167] : memref<32768x384xf32, #tpu.memory_space<hbm>> -> memref<128x384xf32, #tpu.memory_space<hbm>>
    %dma_start3A_169 = arith.constant 0 : i32
    %dma_start3A_170 = arith.constant 0 : i32
    %dma_start3A_171 = tpu.memref_slice %arg6[%dma_start3A_160, %dma_start3A_169, %dma_start3A_170] : memref<2x128x384xf32, #tpu.memory_space<vmem>> -> memref<1x128x384xf32, #tpu.memory_space<vmem>>
    %dma_start3A_172 = tpu.memref_squeeze %dma_start3A_171 : memref<1x128x384xf32, #tpu.memory_space<vmem>> -> memref<128x384xf32, #tpu.memory_space<vmem>>
    tpu.enqueue_dma source(%dma_start3A_172 : memref<128x384xf32, #tpu.memory_space<vmem>>) target(%dma_start3A_168 : memref<128x384xf32, #tpu.memory_space<hbm>>) target_semaphore(%arg9 : memref<!tpu.dma_semaphore, #tpu.memory_space<semaphore_mem>>)
    %dma_wait3A_173 = arith.constant 0 : i32
    %dma_wait3A_174 = arith.constant 0 : i32
    %dma_wait3A_175 = arith.constant 0 : i32
    %dma_wait3A_176 = tpu.memref_slice %arg6[%dma_wait3A_173, %dma_wait3A_174, %dma_wait3A_175] : memref<2x128x384xf32, #tpu.memory_space<vmem>> -> memref<1x128x384xf32, #tpu.memory_space<vmem>>
    %dma_wait3A_177 = tpu.memref_squeeze %dma_wait3A_176 : memref<1x128x384xf32, #tpu.memory_space<vmem>> -> memref<128x384xf32, #tpu.memory_space<vmem>>
    %dma_wait3A_178 = arith.constant 0 : i32
    %dma_wait3A_179 = tpu.memref_slice %arg4[%multiple_of3A_159, %dma_wait3A_178] : memref<32768x384xf32, #tpu.memory_space<hbm>> -> memref<128x384xf32, #tpu.memory_space<hbm>>
    %dma_wait3A_180 = arith.constant 0 : i32
    %dma_wait3A_181 = tpu.memref_slice %arg4[%multiple_of3A_159, %dma_wait3A_180] : memref<32768x384xf32, #tpu.memory_space<hbm>> -> memref<128x384xf32, #tpu.memory_space<hbm>>
    %dma_wait3A_182 = arith.constant 0 : i32
    %dma_wait3A_183 = arith.constant 0 : i32
    %dma_wait3A_184 = tpu.memref_slice %arg6[%dma_wait3A_173, %dma_wait3A_182, %dma_wait3A_183] : memref<2x128x384xf32, #tpu.memory_space<vmem>> -> memref<1x128x384xf32, #tpu.memory_space<vmem>>
    %dma_wait3A_185 = tpu.memref_squeeze %dma_wait3A_184 : memref<1x128x384xf32, #tpu.memory_space<vmem>> -> memref<128x384xf32, #tpu.memory_space<vmem>>
    tpu.wait_dma2 semaphore(%arg9 : memref<!tpu.dma_semaphore, #tpu.memory_space<semaphore_mem>>) src(%dma_wait3A_185 : memref<128x384xf32, #tpu.memory_space<vmem>>) dst(%dma_wait3A_181 : memref<128x384xf32, #tpu.memory_space<hbm>>)
    %add3A_186 = arith.constant 512 : i32
    %add3A_187 = arith.addi %mul3A_2, %add3A_186 : i32
    %multiple_of3A_188 = tpu.assume_multiple %add3A_187, 128 : i32
    %run_scoped3A_189 = arith.constant 0 : i32
    "tpu.region"() ({
      %run_scoped3A_455 = tpu.sem_alloc : memref<!tpu.dma_semaphore, #tpu.memory_space<semaphore_mem>>
      %dma_start3A_456 = arith.constant 0 : i32
      %dma_start3A_457 = tpu.memref_slice %arg5[%run_scoped3A_189, %dma_start3A_456] : memref<2x128xi32, #tpu.memory_space<vmem>> -> memref<1x128xi32, #tpu.memory_space<vmem>>
      %dma_start3A_458 = tpu.memref_squeeze %dma_start3A_457 : memref<1x128xi32, #tpu.memory_space<vmem>> -> memref<128xi32, #tpu.memory_space<vmem>>
      %dma_start3A_459 = tpu.memref_slice %arg3[%multiple_of3A_188] : memref<32768xi32, #tpu.memory_space<hbm>> -> memref<128xi32, #tpu.memory_space<hbm>>
      %dma_start3A_460 = arith.constant 0 : i32
      %dma_start3A_461 = tpu.memref_slice %arg5[%run_scoped3A_189, %dma_start3A_460] : memref<2x128xi32, #tpu.memory_space<vmem>> -> memref<1x128xi32, #tpu.memory_space<vmem>>
      %dma_start3A_462 = tpu.memref_squeeze %dma_start3A_461 : memref<1x128xi32, #tpu.memory_space<vmem>> -> memref<128xi32, #tpu.memory_space<vmem>>
      %dma_start3A_463 = tpu.memref_slice %arg3[%multiple_of3A_188] : memref<32768xi32, #tpu.memory_space<hbm>> -> memref<128xi32, #tpu.memory_space<hbm>>
      tpu.enqueue_dma source(%dma_start3A_463 : memref<128xi32, #tpu.memory_space<hbm>>) target(%dma_start3A_462 : memref<128xi32, #tpu.memory_space<vmem>>) target_semaphore(%run_scoped3A_455 : memref<!tpu.dma_semaphore, #tpu.memory_space<semaphore_mem>>)
      %dma_wait3A_464 = arith.constant 0 : i32
      %dma_wait3A_465 = tpu.memref_slice %arg5[%run_scoped3A_189, %dma_wait3A_464] : memref<2x128xi32, #tpu.memory_space<vmem>> -> memref<1x128xi32, #tpu.memory_space<vmem>>
      %dma_wait3A_466 = tpu.memref_squeeze %dma_wait3A_465 : memref<1x128xi32, #tpu.memory_space<vmem>> -> memref<128xi32, #tpu.memory_space<vmem>>
      %dma_wait3A_467 = tpu.memref_slice %arg3[%multiple_of3A_188] : memref<32768xi32, #tpu.memory_space<hbm>> -> memref<128xi32, #tpu.memory_space<hbm>>
      %dma_wait3A_468 = arith.constant 0 : i32
      %dma_wait3A_469 = tpu.memref_slice %arg5[%run_scoped3A_189, %dma_wait3A_468] : memref<2x128xi32, #tpu.memory_space<vmem>> -> memref<1x128xi32, #tpu.memory_space<vmem>>
      %dma_wait3A_470 = tpu.memref_squeeze %dma_wait3A_469 : memref<1x128xi32, #tpu.memory_space<vmem>> -> memref<128xi32, #tpu.memory_space<vmem>>
      %dma_wait3A_471 = tpu.memref_slice %arg3[%multiple_of3A_188] : memref<32768xi32, #tpu.memory_space<hbm>> -> memref<128xi32, #tpu.memory_space<hbm>>
      tpu.wait_dma2 semaphore(%run_scoped3A_455 : memref<!tpu.dma_semaphore, #tpu.memory_space<semaphore_mem>>) src(%dma_wait3A_471 : memref<128xi32, #tpu.memory_space<hbm>>) dst(%dma_wait3A_470 : memref<128xi32, #tpu.memory_space<vmem>>)
      tpu.yield
    }) : () -> ()
    %dma_start3A_190 = arith.constant 0 : i32
    %dma_start3A_191 = arith.constant 0 : i32
    %dma_start3A_192 = arith.constant 0 : i32
    %dma_start3A_193 = arith.constant 0 : i32
    %dma_start3A_194 = tpu.memref_slice %arg6[%dma_start3A_191, %dma_start3A_192, %dma_start3A_193] : memref<2x128x384xf32, #tpu.memory_space<vmem>> -> memref<1x128x384xf32, #tpu.memory_space<vmem>>
    %dma_start3A_195 = tpu.memref_squeeze %dma_start3A_194 : memref<1x128x384xf32, #tpu.memory_space<vmem>> -> memref<128x384xf32, #tpu.memory_space<vmem>>
    %dma_start3A_196 = arith.constant 0 : i32
    %dma_start3A_197 = tpu.memref_slice %arg5[%dma_start3A_190, %dma_start3A_196] : memref<2x128xi32, #tpu.memory_space<vmem>> -> memref<1x128xi32, #tpu.memory_space<vmem>>
    %dma_start3A_198 = tpu.memref_squeeze %dma_start3A_197 : memref<1x128xi32, #tpu.memory_space<vmem>> -> memref<128xi32, #tpu.memory_space<vmem>>
    %dma_start3A_199 = arith.constant 0 : i32
    %dma_start3A_200 = arith.constant 0 : i32
    %dma_start3A_201 = tpu.memref_slice %arg2[%dma_start3A_199, %dma_start3A_200] : memref<2048x384xf32, #tpu.memory_space<hbm>> -> memref<2048x384xf32, #tpu.memory_space<hbm>>
    tpu.enqueue_indirect_dma source(%dma_start3A_201 : memref<2048x384xf32, #tpu.memory_space<hbm>>) target(%dma_start3A_195 : memref<128x384xf32, #tpu.memory_space<vmem>>) offsets(%dma_start3A_198 : memref<128xi32, #tpu.memory_space<vmem>>) semaphore(%arg7 : memref<!tpu.dma_semaphore, #tpu.memory_space<semaphore_mem>>)
    %dma_wait3A_202 = arith.constant 1 : i32
    %dma_wait3A_203 = arith.constant 1 : i32
    %dma_wait3A_204 = arith.constant 0 : i32
    %dma_wait3A_205 = arith.constant 0 : i32
    %dma_wait3A_206 = tpu.memref_slice %arg6[%dma_wait3A_203, %dma_wait3A_204, %dma_wait3A_205] : memref<2x128x384xf32, #tpu.memory_space<vmem>> -> memref<1x128x384xf32, #tpu.memory_space<vmem>>
    %dma_wait3A_207 = tpu.memref_squeeze %dma_wait3A_206 : memref<1x128x384xf32, #tpu.memory_space<vmem>> -> memref<128x384xf32, #tpu.memory_space<vmem>>
    %dma_wait3A_208 = arith.constant 0 : i32
    %dma_wait3A_209 = tpu.memref_slice %arg5[%dma_wait3A_202, %dma_wait3A_208] : memref<2x128xi32, #tpu.memory_space<vmem>> -> memref<1x128xi32, #tpu.memory_space<vmem>>
    %dma_wait3A_210 = tpu.memref_squeeze %dma_wait3A_209 : memref<1x128xi32, #tpu.memory_space<vmem>> -> memref<128xi32, #tpu.memory_space<vmem>>
    %dma_wait3A_211 = arith.constant 0 : i32
    %dma_wait3A_212 = arith.constant 0 : i32
    %dma_wait3A_213 = tpu.memref_slice %arg2[%dma_wait3A_211, %dma_wait3A_212] : memref<2048x384xf32, #tpu.memory_space<hbm>> -> memref<2048x384xf32, #tpu.memory_space<hbm>>
    tpu.wait_indirect_dma semaphore(%arg8 : memref<!tpu.dma_semaphore, #tpu.memory_space<semaphore_mem>>) src(%dma_wait3A_213 : memref<2048x384xf32, #tpu.memory_space<hbm>>) dst(%dma_wait3A_207 : memref<128x384xf32, #tpu.memory_space<vmem>>)
    %add3A_214 = arith.constant 384 : i32
    %add3A_215 = arith.addi %mul3A_2, %add3A_214 : i32
    %multiple_of3A_216 = tpu.assume_multiple %add3A_215, 128 : i32
    %dma_start3A_217 = arith.constant 1 : i32
    %dma_start3A_218 = arith.constant 0 : i32
    %dma_start3A_219 = arith.constant 0 : i32
    %dma_start3A_220 = tpu.memref_slice %arg6[%dma_start3A_217, %dma_start3A_218, %dma_start3A_219] : memref<2x128x384xf32, #tpu.memory_space<vmem>> -> memref<1x128x384xf32, #tpu.memory_space<vmem>>
    %dma_start3A_221 = tpu.memref_squeeze %dma_start3A_220 : memref<1x128x384xf32, #tpu.memory_space<vmem>> -> memref<128x384xf32, #tpu.memory_space<vmem>>
    %dma_start3A_222 = arith.constant 0 : i32
    %dma_start3A_223 = tpu.memref_slice %arg4[%multiple_of3A_216, %dma_start3A_222] : memref<32768x384xf32, #tpu.memory_space<hbm>> -> memref<128x384xf32, #tpu.memory_space<hbm>>
    %dma_start3A_224 = arith.constant 0 : i32
    %dma_start3A_225 = tpu.memref_slice %arg4[%multiple_of3A_216, %dma_start3A_224] : memref<32768x384xf32, #tpu.memory_space<hbm>> -> memref<128x384xf32, #tpu.memory_space<hbm>>
    %dma_start3A_226 = arith.constant 0 : i32
    %dma_start3A_227 = arith.constant 0 : i32
    %dma_start3A_228 = tpu.memref_slice %arg6[%dma_start3A_217, %dma_start3A_226, %dma_start3A_227] : memref<2x128x384xf32, #tpu.memory_space<vmem>> -> memref<1x128x384xf32, #tpu.memory_space<vmem>>
    %dma_start3A_229 = tpu.memref_squeeze %dma_start3A_228 : memref<1x128x384xf32, #tpu.memory_space<vmem>> -> memref<128x384xf32, #tpu.memory_space<vmem>>
    tpu.enqueue_dma source(%dma_start3A_229 : memref<128x384xf32, #tpu.memory_space<vmem>>) target(%dma_start3A_225 : memref<128x384xf32, #tpu.memory_space<hbm>>) target_semaphore(%arg10 : memref<!tpu.dma_semaphore, #tpu.memory_space<semaphore_mem>>)
    %dma_wait3A_230 = arith.constant 1 : i32
    %dma_wait3A_231 = arith.constant 0 : i32
    %dma_wait3A_232 = arith.constant 0 : i32
    %dma_wait3A_233 = tpu.memref_slice %arg6[%dma_wait3A_230, %dma_wait3A_231, %dma_wait3A_232] : memref<2x128x384xf32, #tpu.memory_space<vmem>> -> memref<1x128x384xf32, #tpu.memory_space<vmem>>
    %dma_wait3A_234 = tpu.memref_squeeze %dma_wait3A_233 : memref<1x128x384xf32, #tpu.memory_space<vmem>> -> memref<128x384xf32, #tpu.memory_space<vmem>>
    %dma_wait3A_235 = arith.constant 0 : i32
    %dma_wait3A_236 = tpu.memref_slice %arg4[%multiple_of3A_216, %dma_wait3A_235] : memref<32768x384xf32, #tpu.memory_space<hbm>> -> memref<128x384xf32, #tpu.memory_space<hbm>>
    %dma_wait3A_237 = arith.constant 0 : i32
    %dma_wait3A_238 = tpu.memref_slice %arg4[%multiple_of3A_216, %dma_wait3A_237] : memref<32768x384xf32, #tpu.memory_space<hbm>> -> memref<128x384xf32, #tpu.memory_space<hbm>>
    %dma_wait3A_239 = arith.constant 0 : i32
    %dma_wait3A_240 = arith.constant 0 : i32
    %dma_wait3A_241 = tpu.memref_slice %arg6[%dma_wait3A_230, %dma_wait3A_239, %dma_wait3A_240] : memref<2x128x384xf32, #tpu.memory_space<vmem>> -> memref<1x128x384xf32, #tpu.memory_space<vmem>>
    %dma_wait3A_242 = tpu.memref_squeeze %dma_wait3A_241 : memref<1x128x384xf32, #tpu.memory_space<vmem>> -> memref<128x384xf32, #tpu.memory_space<vmem>>
    tpu.wait_dma2 semaphore(%arg10 : memref<!tpu.dma_semaphore, #tpu.memory_space<semaphore_mem>>) src(%dma_wait3A_242 : memref<128x384xf32, #tpu.memory_space<vmem>>) dst(%dma_wait3A_238 : memref<128x384xf32, #tpu.memory_space<hbm>>)
    %add3A_243 = arith.constant 640 : i32
    %add3A_244 = arith.addi %mul3A_2, %add3A_243 : i32
    %multiple_of3A_245 = tpu.assume_multiple %add3A_244, 128 : i32
    %run_scoped3A_246 = arith.constant 1 : i32
    "tpu.region"() ({
      %run_scoped3A_455 = tpu.sem_alloc : memref<!tpu.dma_semaphore, #tpu.memory_space<semaphore_mem>>
      %dma_start3A_456 = arith.constant 0 : i32
      %dma_start3A_457 = tpu.memref_slice %arg5[%run_scoped3A_246, %dma_start3A_456] : memref<2x128xi32, #tpu.memory_space<vmem>> -> memref<1x128xi32, #tpu.memory_space<vmem>>
      %dma_start3A_458 = tpu.memref_squeeze %dma_start3A_457 : memref<1x128xi32, #tpu.memory_space<vmem>> -> memref<128xi32, #tpu.memory_space<vmem>>
      %dma_start3A_459 = tpu.memref_slice %arg3[%multiple_of3A_245] : memref<32768xi32, #tpu.memory_space<hbm>> -> memref<128xi32, #tpu.memory_space<hbm>>
      %dma_start3A_460 = arith.constant 0 : i32
      %dma_start3A_461 = tpu.memref_slice %arg5[%run_scoped3A_246, %dma_start3A_460] : memref<2x128xi32, #tpu.memory_space<vmem>> -> memref<1x128xi32, #tpu.memory_space<vmem>>
      %dma_start3A_462 = tpu.memref_squeeze %dma_start3A_461 : memref<1x128xi32, #tpu.memory_space<vmem>> -> memref<128xi32, #tpu.memory_space<vmem>>
      %dma_start3A_463 = tpu.memref_slice %arg3[%multiple_of3A_245] : memref<32768xi32, #tpu.memory_space<hbm>> -> memref<128xi32, #tpu.memory_space<hbm>>
      tpu.enqueue_dma source(%dma_start3A_463 : memref<128xi32, #tpu.memory_space<hbm>>) target(%dma_start3A_462 : memref<128xi32, #tpu.memory_space<vmem>>) target_semaphore(%run_scoped3A_455 : memref<!tpu.dma_semaphore, #tpu.memory_space<semaphore_mem>>)
      %dma_wait3A_464 = arith.constant 0 : i32
      %dma_wait3A_465 = tpu.memref_slice %arg5[%run_scoped3A_246, %dma_wait3A_464] : memref<2x128xi32, #tpu.memory_space<vmem>> -> memref<1x128xi32, #tpu.memory_space<vmem>>
      %dma_wait3A_466 = tpu.memref_squeeze %dma_wait3A_465 : memref<1x128xi32, #tpu.memory_space<vmem>> -> memref<128xi32, #tpu.memory_space<vmem>>
      %dma_wait3A_467 = tpu.memref_slice %arg3[%multiple_of3A_245] : memref<32768xi32, #tpu.memory_space<hbm>> -> memref<128xi32, #tpu.memory_space<hbm>>
      %dma_wait3A_468 = arith.constant 0 : i32
      %dma_wait3A_469 = tpu.memref_slice %arg5[%run_scoped3A_246, %dma_wait3A_468] : memref<2x128xi32, #tpu.memory_space<vmem>> -> memref<1x128xi32, #tpu.memory_space<vmem>>
      %dma_wait3A_470 = tpu.memref_squeeze %dma_wait3A_469 : memref<1x128xi32, #tpu.memory_space<vmem>> -> memref<128xi32, #tpu.memory_space<vmem>>
      %dma_wait3A_471 = tpu.memref_slice %arg3[%multiple_of3A_245] : memref<32768xi32, #tpu.memory_space<hbm>> -> memref<128xi32, #tpu.memory_space<hbm>>
      tpu.wait_dma2 semaphore(%run_scoped3A_455 : memref<!tpu.dma_semaphore, #tpu.memory_space<semaphore_mem>>) src(%dma_wait3A_471 : memref<128xi32, #tpu.memory_space<hbm>>) dst(%dma_wait3A_470 : memref<128xi32, #tpu.memory_space<vmem>>)
      tpu.yield
    }) : () -> ()
    %dma_start3A_247 = arith.constant 1 : i32
    %dma_start3A_248 = arith.constant 1 : i32
    %dma_start3A_249 = arith.constant 0 : i32
    %dma_start3A_250 = arith.constant 0 : i32
    %dma_start3A_251 = tpu.memref_slice %arg6[%dma_start3A_248, %dma_start3A_249, %dma_start3A_250] : memref<2x128x384xf32, #tpu.memory_space<vmem>> -> memref<1x128x384xf32, #tpu.memory_space<vmem>>
    %dma_start3A_252 = tpu.memref_squeeze %dma_start3A_251 : memref<1x128x384xf32, #tpu.memory_space<vmem>> -> memref<128x384xf32, #tpu.memory_space<vmem>>
    %dma_start3A_253 = arith.constant 0 : i32
    %dma_start3A_254 = tpu.memref_slice %arg5[%dma_start3A_247, %dma_start3A_253] : memref<2x128xi32, #tpu.memory_space<vmem>> -> memref<1x128xi32, #tpu.memory_space<vmem>>
    %dma_start3A_255 = tpu.memref_squeeze %dma_start3A_254 : memref<1x128xi32, #tpu.memory_space<vmem>> -> memref<128xi32, #tpu.memory_space<vmem>>
    %dma_start3A_256 = arith.constant 0 : i32
    %dma_start3A_257 = arith.constant 0 : i32
    %dma_start3A_258 = tpu.memref_slice %arg2[%dma_start3A_256, %dma_start3A_257] : memref<2048x384xf32, #tpu.memory_space<hbm>> -> memref<2048x384xf32, #tpu.memory_space<hbm>>
    tpu.enqueue_indirect_dma source(%dma_start3A_258 : memref<2048x384xf32, #tpu.memory_space<hbm>>) target(%dma_start3A_252 : memref<128x384xf32, #tpu.memory_space<vmem>>) offsets(%dma_start3A_255 : memref<128xi32, #tpu.memory_space<vmem>>) semaphore(%arg8 : memref<!tpu.dma_semaphore, #tpu.memory_space<semaphore_mem>>)
    %dma_wait3A_259 = arith.constant 0 : i32
    %dma_wait3A_260 = arith.constant 0 : i32
    %dma_wait3A_261 = arith.constant 0 : i32
    %dma_wait3A_262 = arith.constant 0 : i32
    %dma_wait3A_263 = tpu.memref_slice %arg6[%dma_wait3A_260, %dma_wait3A_261, %dma_wait3A_262] : memref<2x128x384xf32, #tpu.memory_space<vmem>> -> memref<1x128x384xf32, #tpu.memory_space<vmem>>
    %dma_wait3A_264 = tpu.memref_squeeze %dma_wait3A_263 : memref<1x128x384xf32, #tpu.memory_space<vmem>> -> memref<128x384xf32, #tpu.memory_space<vmem>>
    %dma_wait3A_265 = arith.constant 0 : i32
    %dma_wait3A_266 = tpu.memref_slice %arg5[%dma_wait3A_259, %dma_wait3A_265] : memref<2x128xi32, #tpu.memory_space<vmem>> -> memref<1x128xi32, #tpu.memory_space<vmem>>
    %dma_wait3A_267 = tpu.memref_squeeze %dma_wait3A_266 : memref<1x128xi32, #tpu.memory_space<vmem>> -> memref<128xi32, #tpu.memory_space<vmem>>
    %dma_wait3A_268 = arith.constant 0 : i32
    %dma_wait3A_269 = arith.constant 0 : i32
    %dma_wait3A_270 = tpu.memref_slice %arg2[%dma_wait3A_268, %dma_wait3A_269] : memref<2048x384xf32, #tpu.memory_space<hbm>> -> memref<2048x384xf32, #tpu.memory_space<hbm>>
    tpu.wait_indirect_dma semaphore(%arg7 : memref<!tpu.dma_semaphore, #tpu.memory_space<semaphore_mem>>) src(%dma_wait3A_270 : memref<2048x384xf32, #tpu.memory_space<hbm>>) dst(%dma_wait3A_264 : memref<128x384xf32, #tpu.memory_space<vmem>>)
    %add3A_271 = arith.constant 512 : i32
    %add3A_272 = arith.addi %mul3A_2, %add3A_271 : i32
    %multiple_of3A_273 = tpu.assume_multiple %add3A_272, 128 : i32
    %dma_start3A_274 = arith.constant 0 : i32
    %dma_start3A_275 = arith.constant 0 : i32
    %dma_start3A_276 = arith.constant 0 : i32
    %dma_start3A_277 = tpu.memref_slice %arg6[%dma_start3A_274, %dma_start3A_275, %dma_start3A_276] : memref<2x128x384xf32, #tpu.memory_space<vmem>> -> memref<1x128x384xf32, #tpu.memory_space<vmem>>
    %dma_start3A_278 = tpu.memref_squeeze %dma_start3A_277 : memref<1x128x384xf32, #tpu.memory_space<vmem>> -> memref<128x384xf32, #tpu.memory_space<vmem>>
    %dma_start3A_279 = arith.constant 0 : i32
    %dma_start3A_280 = tpu.memref_slice %arg4[%multiple_of3A_273, %dma_start3A_279] : memref<32768x384xf32, #tpu.memory_space<hbm>> -> memref<128x384xf32, #tpu.memory_space<hbm>>
    %dma_start3A_281 = arith.constant 0 : i32
    %dma_start3A_282 = tpu.memref_slice %arg4[%multiple_of3A_273, %dma_start3A_281] : memref<32768x384xf32, #tpu.memory_space<hbm>> -> memref<128x384xf32, #tpu.memory_space<hbm>>
    %dma_start3A_283 = arith.constant 0 : i32
    %dma_start3A_284 = arith.constant 0 : i32
    %dma_start3A_285 = tpu.memref_slice %arg6[%dma_start3A_274, %dma_start3A_283, %dma_start3A_284] : memref<2x128x384xf32, #tpu.memory_space<vmem>> -> memref<1x128x384xf32, #tpu.memory_space<vmem>>
    %dma_start3A_286 = tpu.memref_squeeze %dma_start3A_285 : memref<1x128x384xf32, #tpu.memory_space<vmem>> -> memref<128x384xf32, #tpu.memory_space<vmem>>
    tpu.enqueue_dma source(%dma_start3A_286 : memref<128x384xf32, #tpu.memory_space<vmem>>) target(%dma_start3A_282 : memref<128x384xf32, #tpu.memory_space<hbm>>) target_semaphore(%arg9 : memref<!tpu.dma_semaphore, #tpu.memory_space<semaphore_mem>>)
    %dma_wait3A_287 = arith.constant 0 : i32
    %dma_wait3A_288 = arith.constant 0 : i32
    %dma_wait3A_289 = arith.constant 0 : i32
    %dma_wait3A_290 = tpu.memref_slice %arg6[%dma_wait3A_287, %dma_wait3A_288, %dma_wait3A_289] : memref<2x128x384xf32, #tpu.memory_space<vmem>> -> memref<1x128x384xf32, #tpu.memory_space<vmem>>
    %dma_wait3A_291 = tpu.memref_squeeze %dma_wait3A_290 : memref<1x128x384xf32, #tpu.memory_space<vmem>> -> memref<128x384xf32, #tpu.memory_space<vmem>>
    %dma_wait3A_292 = arith.constant 0 : i32
    %dma_wait3A_293 = tpu.memref_slice %arg4[%multiple_of3A_273, %dma_wait3A_292] : memref<32768x384xf32, #tpu.memory_space<hbm>> -> memref<128x384xf32, #tpu.memory_space<hbm>>
    %dma_wait3A_294 = arith.constant 0 : i32
    %dma_wait3A_295 = tpu.memref_slice %arg4[%multiple_of3A_273, %dma_wait3A_294] : memref<32768x384xf32, #tpu.memory_space<hbm>> -> memref<128x384xf32, #tpu.memory_space<hbm>>
    %dma_wait3A_296 = arith.constant 0 : i32
    %dma_wait3A_297 = arith.constant 0 : i32
    %dma_wait3A_298 = tpu.memref_slice %arg6[%dma_wait3A_287, %dma_wait3A_296, %dma_wait3A_297] : memref<2x128x384xf32, #tpu.memory_space<vmem>> -> memref<1x128x384xf32, #tpu.memory_space<vmem>>
    %dma_wait3A_299 = tpu.memref_squeeze %dma_wait3A_298 : memref<1x128x384xf32, #tpu.memory_space<vmem>> -> memref<128x384xf32, #tpu.memory_space<vmem>>
    tpu.wait_dma2 semaphore(%arg9 : memref<!tpu.dma_semaphore, #tpu.memory_space<semaphore_mem>>) src(%dma_wait3A_299 : memref<128x384xf32, #tpu.memory_space<vmem>>) dst(%dma_wait3A_295 : memref<128x384xf32, #tpu.memory_space<hbm>>)
    %add3A_300 = arith.constant 768 : i32
    %add3A_301 = arith.addi %mul3A_2, %add3A_300 : i32
    %multiple_of3A_302 = tpu.assume_multiple %add3A_301, 128 : i32
    %run_scoped3A_303 = arith.constant 0 : i32
    "tpu.region"() ({
      %run_scoped3A_455 = tpu.sem_alloc : memref<!tpu.dma_semaphore, #tpu.memory_space<semaphore_mem>>
      %dma_start3A_456 = arith.constant 0 : i32
      %dma_start3A_457 = tpu.memref_slice %arg5[%run_scoped3A_303, %dma_start3A_456] : memref<2x128xi32, #tpu.memory_space<vmem>> -> memref<1x128xi32, #tpu.memory_space<vmem>>
      %dma_start3A_458 = tpu.memref_squeeze %dma_start3A_457 : memref<1x128xi32, #tpu.memory_space<vmem>> -> memref<128xi32, #tpu.memory_space<vmem>>
      %dma_start3A_459 = tpu.memref_slice %arg3[%multiple_of3A_302] : memref<32768xi32, #tpu.memory_space<hbm>> -> memref<128xi32, #tpu.memory_space<hbm>>
      %dma_start3A_460 = arith.constant 0 : i32
      %dma_start3A_461 = tpu.memref_slice %arg5[%run_scoped3A_303, %dma_start3A_460] : memref<2x128xi32, #tpu.memory_space<vmem>> -> memref<1x128xi32, #tpu.memory_space<vmem>>
      %dma_start3A_462 = tpu.memref_squeeze %dma_start3A_461 : memref<1x128xi32, #tpu.memory_space<vmem>> -> memref<128xi32, #tpu.memory_space<vmem>>
      %dma_start3A_463 = tpu.memref_slice %arg3[%multiple_of3A_302] : memref<32768xi32, #tpu.memory_space<hbm>> -> memref<128xi32, #tpu.memory_space<hbm>>
      tpu.enqueue_dma source(%dma_start3A_463 : memref<128xi32, #tpu.memory_space<hbm>>) target(%dma_start3A_462 : memref<128xi32, #tpu.memory_space<vmem>>) target_semaphore(%run_scoped3A_455 : memref<!tpu.dma_semaphore, #tpu.memory_space<semaphore_mem>>)
      %dma_wait3A_464 = arith.constant 0 : i32
      %dma_wait3A_465 = tpu.memref_slice %arg5[%run_scoped3A_303, %dma_wait3A_464] : memref<2x128xi32, #tpu.memory_space<vmem>> -> memref<1x128xi32, #tpu.memory_space<vmem>>
      %dma_wait3A_466 = tpu.memref_squeeze %dma_wait3A_465 : memref<1x128xi32, #tpu.memory_space<vmem>> -> memref<128xi32, #tpu.memory_space<vmem>>
      %dma_wait3A_467 = tpu.memref_slice %arg3[%multiple_of3A_302] : memref<32768xi32, #tpu.memory_space<hbm>> -> memref<128xi32, #tpu.memory_space<hbm>>
      %dma_wait3A_468 = arith.constant 0 : i32
      %dma_wait3A_469 = tpu.memref_slice %arg5[%run_scoped3A_303, %dma_wait3A_468] : memref<2x128xi32, #tpu.memory_space<vmem>> -> memref<1x128xi32, #tpu.memory_space<vmem>>
      %dma_wait3A_470 = tpu.memref_squeeze %dma_wait3A_469 : memref<1x128xi32, #tpu.memory_space<vmem>> -> memref<128xi32, #tpu.memory_space<vmem>>
      %dma_wait3A_471 = tpu.memref_slice %arg3[%multiple_of3A_302] : memref<32768xi32, #tpu.memory_space<hbm>> -> memref<128xi32, #tpu.memory_space<hbm>>
      tpu.wait_dma2 semaphore(%run_scoped3A_455 : memref<!tpu.dma_semaphore, #tpu.memory_space<semaphore_mem>>) src(%dma_wait3A_471 : memref<128xi32, #tpu.memory_space<hbm>>) dst(%dma_wait3A_470 : memref<128xi32, #tpu.memory_space<vmem>>)
      tpu.yield
    }) : () -> ()
    %dma_start3A_304 = arith.constant 0 : i32
    %dma_start3A_305 = arith.constant 0 : i32
    %dma_start3A_306 = arith.constant 0 : i32
    %dma_start3A_307 = arith.constant 0 : i32
    %dma_start3A_308 = tpu.memref_slice %arg6[%dma_start3A_305, %dma_start3A_306, %dma_start3A_307] : memref<2x128x384xf32, #tpu.memory_space<vmem>> -> memref<1x128x384xf32, #tpu.memory_space<vmem>>
    %dma_start3A_309 = tpu.memref_squeeze %dma_start3A_308 : memref<1x128x384xf32, #tpu.memory_space<vmem>> -> memref<128x384xf32, #tpu.memory_space<vmem>>
    %dma_start3A_310 = arith.constant 0 : i32
    %dma_start3A_311 = tpu.memref_slice %arg5[%dma_start3A_304, %dma_start3A_310] : memref<2x128xi32, #tpu.memory_space<vmem>> -> memref<1x128xi32, #tpu.memory_space<vmem>>
    %dma_start3A_312 = tpu.memref_squeeze %dma_start3A_311 : memref<1x128xi32, #tpu.memory_space<vmem>> -> memref<128xi32, #tpu.memory_space<vmem>>
    %dma_start3A_313 = arith.constant 0 : i32
    %dma_start3A_314 = arith.constant 0 : i32
    %dma_start3A_315 = tpu.memref_slice %arg2[%dma_start3A_313, %dma_start3A_314] : memref<2048x384xf32, #tpu.memory_space<hbm>> -> memref<2048x384xf32, #tpu.memory_space<hbm>>
    tpu.enqueue_indirect_dma source(%dma_start3A_315 : memref<2048x384xf32, #tpu.memory_space<hbm>>) target(%dma_start3A_309 : memref<128x384xf32, #tpu.memory_space<vmem>>) offsets(%dma_start3A_312 : memref<128xi32, #tpu.memory_space<vmem>>) semaphore(%arg7 : memref<!tpu.dma_semaphore, #tpu.memory_space<semaphore_mem>>)
    %dma_wait3A_316 = arith.constant 1 : i32
    %dma_wait3A_317 = arith.constant 1 : i32
    %dma_wait3A_318 = arith.constant 0 : i32
    %dma_wait3A_319 = arith.constant 0 : i32
    %dma_wait3A_320 = tpu.memref_slice %arg6[%dma_wait3A_317, %dma_wait3A_318, %dma_wait3A_319] : memref<2x128x384xf32, #tpu.memory_space<vmem>> -> memref<1x128x384xf32, #tpu.memory_space<vmem>>
    %dma_wait3A_321 = tpu.memref_squeeze %dma_wait3A_320 : memref<1x128x384xf32, #tpu.memory_space<vmem>> -> memref<128x384xf32, #tpu.memory_space<vmem>>
    %dma_wait3A_322 = arith.constant 0 : i32
    %dma_wait3A_323 = tpu.memref_slice %arg5[%dma_wait3A_316, %dma_wait3A_322] : memref<2x128xi32, #tpu.memory_space<vmem>> -> memref<1x128xi32, #tpu.memory_space<vmem>>
    %dma_wait3A_324 = tpu.memref_squeeze %dma_wait3A_323 : memref<1x128xi32, #tpu.memory_space<vmem>> -> memref<128xi32, #tpu.memory_space<vmem>>
    %dma_wait3A_325 = arith.constant 0 : i32
    %dma_wait3A_326 = arith.constant 0 : i32
    %dma_wait3A_327 = tpu.memref_slice %arg2[%dma_wait3A_325, %dma_wait3A_326] : memref<2048x384xf32, #tpu.memory_space<hbm>> -> memref<2048x384xf32, #tpu.memory_space<hbm>>
    tpu.wait_indirect_dma semaphore(%arg8 : memref<!tpu.dma_semaphore, #tpu.memory_space<semaphore_mem>>) src(%dma_wait3A_327 : memref<2048x384xf32, #tpu.memory_space<hbm>>) dst(%dma_wait3A_321 : memref<128x384xf32, #tpu.memory_space<vmem>>)
    %add3A_328 = arith.constant 640 : i32
    %add3A_329 = arith.addi %mul3A_2, %add3A_328 : i32
    %multiple_of3A_330 = tpu.assume_multiple %add3A_329, 128 : i32
    %dma_start3A_331 = arith.constant 1 : i32
    %dma_start3A_332 = arith.constant 0 : i32
    %dma_start3A_333 = arith.constant 0 : i32
    %dma_start3A_334 = tpu.memref_slice %arg6[%dma_start3A_331, %dma_start3A_332, %dma_start3A_333] : memref<2x128x384xf32, #tpu.memory_space<vmem>> -> memref<1x128x384xf32, #tpu.memory_space<vmem>>
    %dma_start3A_335 = tpu.memref_squeeze %dma_start3A_334 : memref<1x128x384xf32, #tpu.memory_space<vmem>> -> memref<128x384xf32, #tpu.memory_space<vmem>>
    %dma_start3A_336 = arith.constant 0 : i32
    %dma_start3A_337 = tpu.memref_slice %arg4[%multiple_of3A_330, %dma_start3A_336] : memref<32768x384xf32, #tpu.memory_space<hbm>> -> memref<128x384xf32, #tpu.memory_space<hbm>>
    %dma_start3A_338 = arith.constant 0 : i32
    %dma_start3A_339 = tpu.memref_slice %arg4[%multiple_of3A_330, %dma_start3A_338] : memref<32768x384xf32, #tpu.memory_space<hbm>> -> memref<128x384xf32, #tpu.memory_space<hbm>>
    %dma_start3A_340 = arith.constant 0 : i32
    %dma_start3A_341 = arith.constant 0 : i32
    %dma_start3A_342 = tpu.memref_slice %arg6[%dma_start3A_331, %dma_start3A_340, %dma_start3A_341] : memref<2x128x384xf32, #tpu.memory_space<vmem>> -> memref<1x128x384xf32, #tpu.memory_space<vmem>>
    %dma_start3A_343 = tpu.memref_squeeze %dma_start3A_342 : memref<1x128x384xf32, #tpu.memory_space<vmem>> -> memref<128x384xf32, #tpu.memory_space<vmem>>
    tpu.enqueue_dma source(%dma_start3A_343 : memref<128x384xf32, #tpu.memory_space<vmem>>) target(%dma_start3A_339 : memref<128x384xf32, #tpu.memory_space<hbm>>) target_semaphore(%arg10 : memref<!tpu.dma_semaphore, #tpu.memory_space<semaphore_mem>>)
    %dma_wait3A_344 = arith.constant 1 : i32
    %dma_wait3A_345 = arith.constant 0 : i32
    %dma_wait3A_346 = arith.constant 0 : i32
    %dma_wait3A_347 = tpu.memref_slice %arg6[%dma_wait3A_344, %dma_wait3A_345, %dma_wait3A_346] : memref<2x128x384xf32, #tpu.memory_space<vmem>> -> memref<1x128x384xf32, #tpu.memory_space<vmem>>
    %dma_wait3A_348 = tpu.memref_squeeze %dma_wait3A_347 : memref<1x128x384xf32, #tpu.memory_space<vmem>> -> memref<128x384xf32, #tpu.memory_space<vmem>>
    %dma_wait3A_349 = arith.constant 0 : i32
    %dma_wait3A_350 = tpu.memref_slice %arg4[%multiple_of3A_330, %dma_wait3A_349] : memref<32768x384xf32, #tpu.memory_space<hbm>> -> memref<128x384xf32, #tpu.memory_space<hbm>>
    %dma_wait3A_351 = arith.constant 0 : i32
    %dma_wait3A_352 = tpu.memref_slice %arg4[%multiple_of3A_330, %dma_wait3A_351] : memref<32768x384xf32, #tpu.memory_space<hbm>> -> memref<128x384xf32, #tpu.memory_space<hbm>>
    %dma_wait3A_353 = arith.constant 0 : i32
    %dma_wait3A_354 = arith.constant 0 : i32
    %dma_wait3A_355 = tpu.memref_slice %arg6[%dma_wait3A_344, %dma_wait3A_353, %dma_wait3A_354] : memref<2x128x384xf32, #tpu.memory_space<vmem>> -> memref<1x128x384xf32, #tpu.memory_space<vmem>>
    %dma_wait3A_356 = tpu.memref_squeeze %dma_wait3A_355 : memref<1x128x384xf32, #tpu.memory_space<vmem>> -> memref<128x384xf32, #tpu.memory_space<vmem>>
    tpu.wait_dma2 semaphore(%arg10 : memref<!tpu.dma_semaphore, #tpu.memory_space<semaphore_mem>>) src(%dma_wait3A_356 : memref<128x384xf32, #tpu.memory_space<vmem>>) dst(%dma_wait3A_352 : memref<128x384xf32, #tpu.memory_space<hbm>>)
    %add3A_357 = arith.constant 896 : i32
    %add3A_358 = arith.addi %mul3A_2, %add3A_357 : i32
    %multiple_of3A_359 = tpu.assume_multiple %add3A_358, 128 : i32
    %run_scoped3A_360 = arith.constant 1 : i32
    "tpu.region"() ({
      %run_scoped3A_455 = tpu.sem_alloc : memref<!tpu.dma_semaphore, #tpu.memory_space<semaphore_mem>>
      %dma_start3A_456 = arith.constant 0 : i32
      %dma_start3A_457 = tpu.memref_slice %arg5[%run_scoped3A_360, %dma_start3A_456] : memref<2x128xi32, #tpu.memory_space<vmem>> -> memref<1x128xi32, #tpu.memory_space<vmem>>
      %dma_start3A_458 = tpu.memref_squeeze %dma_start3A_457 : memref<1x128xi32, #tpu.memory_space<vmem>> -> memref<128xi32, #tpu.memory_space<vmem>>
      %dma_start3A_459 = tpu.memref_slice %arg3[%multiple_of3A_359] : memref<32768xi32, #tpu.memory_space<hbm>> -> memref<128xi32, #tpu.memory_space<hbm>>
      %dma_start3A_460 = arith.constant 0 : i32
      %dma_start3A_461 = tpu.memref_slice %arg5[%run_scoped3A_360, %dma_start3A_460] : memref<2x128xi32, #tpu.memory_space<vmem>> -> memref<1x128xi32, #tpu.memory_space<vmem>>
      %dma_start3A_462 = tpu.memref_squeeze %dma_start3A_461 : memref<1x128xi32, #tpu.memory_space<vmem>> -> memref<128xi32, #tpu.memory_space<vmem>>
      %dma_start3A_463 = tpu.memref_slice %arg3[%multiple_of3A_359] : memref<32768xi32, #tpu.memory_space<hbm>> -> memref<128xi32, #tpu.memory_space<hbm>>
      tpu.enqueue_dma source(%dma_start3A_463 : memref<128xi32, #tpu.memory_space<hbm>>) target(%dma_start3A_462 : memref<128xi32, #tpu.memory_space<vmem>>) target_semaphore(%run_scoped3A_455 : memref<!tpu.dma_semaphore, #tpu.memory_space<semaphore_mem>>)
      %dma_wait3A_464 = arith.constant 0 : i32
      %dma_wait3A_465 = tpu.memref_slice %arg5[%run_scoped3A_360, %dma_wait3A_464] : memref<2x128xi32, #tpu.memory_space<vmem>> -> memref<1x128xi32, #tpu.memory_space<vmem>>
      %dma_wait3A_466 = tpu.memref_squeeze %dma_wait3A_465 : memref<1x128xi32, #tpu.memory_space<vmem>> -> memref<128xi32, #tpu.memory_space<vmem>>
      %dma_wait3A_467 = tpu.memref_slice %arg3[%multiple_of3A_359] : memref<32768xi32, #tpu.memory_space<hbm>> -> memref<128xi32, #tpu.memory_space<hbm>>
      %dma_wait3A_468 = arith.constant 0 : i32
      %dma_wait3A_469 = tpu.memref_slice %arg5[%run_scoped3A_360, %dma_wait3A_468] : memref<2x128xi32, #tpu.memory_space<vmem>> -> memref<1x128xi32, #tpu.memory_space<vmem>>
      %dma_wait3A_470 = tpu.memref_squeeze %dma_wait3A_469 : memref<1x128xi32, #tpu.memory_space<vmem>> -> memref<128xi32, #tpu.memory_space<vmem>>
      %dma_wait3A_471 = tpu.memref_slice %arg3[%multiple_of3A_359] : memref<32768xi32, #tpu.memory_space<hbm>> -> memref<128xi32, #tpu.memory_space<hbm>>
      tpu.wait_dma2 semaphore(%run_scoped3A_455 : memref<!tpu.dma_semaphore, #tpu.memory_space<semaphore_mem>>) src(%dma_wait3A_471 : memref<128xi32, #tpu.memory_space<hbm>>) dst(%dma_wait3A_470 : memref<128xi32, #tpu.memory_space<vmem>>)
      tpu.yield
    }) : () -> ()
    %dma_start3A_361 = arith.constant 1 : i32
    %dma_start3A_362 = arith.constant 1 : i32
    %dma_start3A_363 = arith.constant 0 : i32
    %dma_start3A_364 = arith.constant 0 : i32
    %dma_start3A_365 = tpu.memref_slice %arg6[%dma_start3A_362, %dma_start3A_363, %dma_start3A_364] : memref<2x128x384xf32, #tpu.memory_space<vmem>> -> memref<1x128x384xf32, #tpu.memory_space<vmem>>
    %dma_start3A_366 = tpu.memref_squeeze %dma_start3A_365 : memref<1x128x384xf32, #tpu.memory_space<vmem>> -> memref<128x384xf32, #tpu.memory_space<vmem>>
    %dma_start3A_367 = arith.constant 0 : i32
    %dma_start3A_368 = tpu.memref_slice %arg5[%dma_start3A_361, %dma_start3A_367] : memref<2x128xi32, #tpu.memory_space<vmem>> -> memref<1x128xi32, #tpu.memory_space<vmem>>
    %dma_start3A_369 = tpu.memref_squeeze %dma_start3A_368 : memref<1x128xi32, #tpu.memory_space<vmem>> -> memref<128xi32, #tpu.memory_space<vmem>>
    %dma_start3A_370 = arith.constant 0 : i32
    %dma_start3A_371 = arith.constant 0 : i32
    %dma_start3A_372 = tpu.memref_slice %arg2[%dma_start3A_370, %dma_start3A_371] : memref<2048x384xf32, #tpu.memory_space<hbm>> -> memref<2048x384xf32, #tpu.memory_space<hbm>>
    tpu.enqueue_indirect_dma source(%dma_start3A_372 : memref<2048x384xf32, #tpu.memory_space<hbm>>) target(%dma_start3A_366 : memref<128x384xf32, #tpu.memory_space<vmem>>) offsets(%dma_start3A_369 : memref<128xi32, #tpu.memory_space<vmem>>) semaphore(%arg8 : memref<!tpu.dma_semaphore, #tpu.memory_space<semaphore_mem>>)
    %dma_wait3A_373 = arith.constant 0 : i32
    %dma_wait3A_374 = arith.constant 0 : i32
    %dma_wait3A_375 = arith.constant 0 : i32
    %dma_wait3A_376 = arith.constant 0 : i32
    %dma_wait3A_377 = tpu.memref_slice %arg6[%dma_wait3A_374, %dma_wait3A_375, %dma_wait3A_376] : memref<2x128x384xf32, #tpu.memory_space<vmem>> -> memref<1x128x384xf32, #tpu.memory_space<vmem>>
    %dma_wait3A_378 = tpu.memref_squeeze %dma_wait3A_377 : memref<1x128x384xf32, #tpu.memory_space<vmem>> -> memref<128x384xf32, #tpu.memory_space<vmem>>
    %dma_wait3A_379 = arith.constant 0 : i32
    %dma_wait3A_380 = tpu.memref_slice %arg5[%dma_wait3A_373, %dma_wait3A_379] : memref<2x128xi32, #tpu.memory_space<vmem>> -> memref<1x128xi32, #tpu.memory_space<vmem>>
    %dma_wait3A_381 = tpu.memref_squeeze %dma_wait3A_380 : memref<1x128xi32, #tpu.memory_space<vmem>> -> memref<128xi32, #tpu.memory_space<vmem>>
    %dma_wait3A_382 = arith.constant 0 : i32
    %dma_wait3A_383 = arith.constant 0 : i32
    %dma_wait3A_384 = tpu.memref_slice %arg2[%dma_wait3A_382, %dma_wait3A_383] : memref<2048x384xf32, #tpu.memory_space<hbm>> -> memref<2048x384xf32, #tpu.memory_space<hbm>>
    tpu.wait_indirect_dma semaphore(%arg7 : memref<!tpu.dma_semaphore, #tpu.memory_space<semaphore_mem>>) src(%dma_wait3A_384 : memref<2048x384xf32, #tpu.memory_space<hbm>>) dst(%dma_wait3A_378 : memref<128x384xf32, #tpu.memory_space<vmem>>)
    %add3A_385 = arith.constant 768 : i32
    %add3A_386 = arith.addi %mul3A_2, %add3A_385 : i32
    %multiple_of3A_387 = tpu.assume_multiple %add3A_386, 128 : i32
    %dma_start3A_388 = arith.constant 0 : i32
    %dma_start3A_389 = arith.constant 0 : i32
    %dma_start3A_390 = arith.constant 0 : i32
    %dma_start3A_391 = tpu.memref_slice %arg6[%dma_start3A_388, %dma_start3A_389, %dma_start3A_390] : memref<2x128x384xf32, #tpu.memory_space<vmem>> -> memref<1x128x384xf32, #tpu.memory_space<vmem>>
    %dma_start3A_392 = tpu.memref_squeeze %dma_start3A_391 : memref<1x128x384xf32, #tpu.memory_space<vmem>> -> memref<128x384xf32, #tpu.memory_space<vmem>>
    %dma_start3A_393 = arith.constant 0 : i32
    %dma_start3A_394 = tpu.memref_slice %arg4[%multiple_of3A_387, %dma_start3A_393] : memref<32768x384xf32, #tpu.memory_space<hbm>> -> memref<128x384xf32, #tpu.memory_space<hbm>>
    %dma_start3A_395 = arith.constant 0 : i32
    %dma_start3A_396 = tpu.memref_slice %arg4[%multiple_of3A_387, %dma_start3A_395] : memref<32768x384xf32, #tpu.memory_space<hbm>> -> memref<128x384xf32, #tpu.memory_space<hbm>>
    %dma_start3A_397 = arith.constant 0 : i32
    %dma_start3A_398 = arith.constant 0 : i32
    %dma_start3A_399 = tpu.memref_slice %arg6[%dma_start3A_388, %dma_start3A_397, %dma_start3A_398] : memref<2x128x384xf32, #tpu.memory_space<vmem>> -> memref<1x128x384xf32, #tpu.memory_space<vmem>>
    %dma_start3A_400 = tpu.memref_squeeze %dma_start3A_399 : memref<1x128x384xf32, #tpu.memory_space<vmem>> -> memref<128x384xf32, #tpu.memory_space<vmem>>
    tpu.enqueue_dma source(%dma_start3A_400 : memref<128x384xf32, #tpu.memory_space<vmem>>) target(%dma_start3A_396 : memref<128x384xf32, #tpu.memory_space<hbm>>) target_semaphore(%arg9 : memref<!tpu.dma_semaphore, #tpu.memory_space<semaphore_mem>>)
    %dma_wait3A_401 = arith.constant 1 : i32
    %dma_wait3A_402 = arith.constant 1 : i32
    %dma_wait3A_403 = arith.constant 0 : i32
    %dma_wait3A_404 = arith.constant 0 : i32
    %dma_wait3A_405 = tpu.memref_slice %arg6[%dma_wait3A_402, %dma_wait3A_403, %dma_wait3A_404] : memref<2x128x384xf32, #tpu.memory_space<vmem>> -> memref<1x128x384xf32, #tpu.memory_space<vmem>>
    %dma_wait3A_406 = tpu.memref_squeeze %dma_wait3A_405 : memref<1x128x384xf32, #tpu.memory_space<vmem>> -> memref<128x384xf32, #tpu.memory_space<vmem>>
    %dma_wait3A_407 = arith.constant 0 : i32
    %dma_wait3A_408 = tpu.memref_slice %arg5[%dma_wait3A_401, %dma_wait3A_407] : memref<2x128xi32, #tpu.memory_space<vmem>> -> memref<1x128xi32, #tpu.memory_space<vmem>>
    %dma_wait3A_409 = tpu.memref_squeeze %dma_wait3A_408 : memref<1x128xi32, #tpu.memory_space<vmem>> -> memref<128xi32, #tpu.memory_space<vmem>>
    %dma_wait3A_410 = arith.constant 0 : i32
    %dma_wait3A_411 = arith.constant 0 : i32
    %dma_wait3A_412 = tpu.memref_slice %arg2[%dma_wait3A_410, %dma_wait3A_411] : memref<2048x384xf32, #tpu.memory_space<hbm>> -> memref<2048x384xf32, #tpu.memory_space<hbm>>
    tpu.wait_indirect_dma semaphore(%arg8 : memref<!tpu.dma_semaphore, #tpu.memory_space<semaphore_mem>>) src(%dma_wait3A_412 : memref<2048x384xf32, #tpu.memory_space<hbm>>) dst(%dma_wait3A_406 : memref<128x384xf32, #tpu.memory_space<vmem>>)
    %add3A_413 = arith.constant 896 : i32
    %add3A_414 = arith.addi %mul3A_2, %add3A_413 : i32
    %multiple_of3A_415 = tpu.assume_multiple %add3A_414, 128 : i32
    %dma_start3A_416 = arith.constant 1 : i32
    %dma_start3A_417 = arith.constant 0 : i32
    %dma_start3A_418 = arith.constant 0 : i32
    %dma_start3A_419 = tpu.memref_slice %arg6[%dma_start3A_416, %dma_start3A_417, %dma_start3A_418] : memref<2x128x384xf32, #tpu.memory_space<vmem>> -> memref<1x128x384xf32, #tpu.memory_space<vmem>>
    %dma_start3A_420 = tpu.memref_squeeze %dma_start3A_419 : memref<1x128x384xf32, #tpu.memory_space<vmem>> -> memref<128x384xf32, #tpu.memory_space<vmem>>
    %dma_start3A_421 = arith.constant 0 : i32
    %dma_start3A_422 = tpu.memref_slice %arg4[%multiple_of3A_415, %dma_start3A_421] : memref<32768x384xf32, #tpu.memory_space<hbm>> -> memref<128x384xf32, #tpu.memory_space<hbm>>
    %dma_start3A_423 = arith.constant 0 : i32
    %dma_start3A_424 = tpu.memref_slice %arg4[%multiple_of3A_415, %dma_start3A_423] : memref<32768x384xf32, #tpu.memory_space<hbm>> -> memref<128x384xf32, #tpu.memory_space<hbm>>
    %dma_start3A_425 = arith.constant 0 : i32
    %dma_start3A_426 = arith.constant 0 : i32
    %dma_start3A_427 = tpu.memref_slice %arg6[%dma_start3A_416, %dma_start3A_425, %dma_start3A_426] : memref<2x128x384xf32, #tpu.memory_space<vmem>> -> memref<1x128x384xf32, #tpu.memory_space<vmem>>
    %dma_start3A_428 = tpu.memref_squeeze %dma_start3A_427 : memref<1x128x384xf32, #tpu.memory_space<vmem>> -> memref<128x384xf32, #tpu.memory_space<vmem>>
    tpu.enqueue_dma source(%dma_start3A_428 : memref<128x384xf32, #tpu.memory_space<vmem>>) target(%dma_start3A_424 : memref<128x384xf32, #tpu.memory_space<hbm>>) target_semaphore(%arg10 : memref<!tpu.dma_semaphore, #tpu.memory_space<semaphore_mem>>)
    %dma_wait3A_429 = arith.constant 0 : i32
    %dma_wait3A_430 = arith.constant 0 : i32
    %dma_wait3A_431 = arith.constant 0 : i32
    %dma_wait3A_432 = tpu.memref_slice %arg6[%dma_wait3A_429, %dma_wait3A_430, %dma_wait3A_431] : memref<2x128x384xf32, #tpu.memory_space<vmem>> -> memref<1x128x384xf32, #tpu.memory_space<vmem>>
    %dma_wait3A_433 = tpu.memref_squeeze %dma_wait3A_432 : memref<1x128x384xf32, #tpu.memory_space<vmem>> -> memref<128x384xf32, #tpu.memory_space<vmem>>
    %dma_wait3A_434 = arith.constant 0 : i32
    %dma_wait3A_435 = tpu.memref_slice %arg4[%multiple_of3A_387, %dma_wait3A_434] : memref<32768x384xf32, #tpu.memory_space<hbm>> -> memref<128x384xf32, #tpu.memory_space<hbm>>
    %dma_wait3A_436 = arith.constant 0 : i32
    %dma_wait3A_437 = tpu.memref_slice %arg4[%multiple_of3A_387, %dma_wait3A_436] : memref<32768x384xf32, #tpu.memory_space<hbm>> -> memref<128x384xf32, #tpu.memory_space<hbm>>
    %dma_wait3A_438 = arith.constant 0 : i32
    %dma_wait3A_439 = arith.constant 0 : i32
    %dma_wait3A_440 = tpu.memref_slice %arg6[%dma_wait3A_429, %dma_wait3A_438, %dma_wait3A_439] : memref<2x128x384xf32, #tpu.memory_space<vmem>> -> memref<1x128x384xf32, #tpu.memory_space<vmem>>
    %dma_wait3A_441 = tpu.memref_squeeze %dma_wait3A_440 : memref<1x128x384xf32, #tpu.memory_space<vmem>> -> memref<128x384xf32, #tpu.memory_space<vmem>>
    tpu.wait_dma2 semaphore(%arg9 : memref<!tpu.dma_semaphore, #tpu.memory_space<semaphore_mem>>) src(%dma_wait3A_441 : memref<128x384xf32, #tpu.memory_space<vmem>>) dst(%dma_wait3A_437 : memref<128x384xf32, #tpu.memory_space<hbm>>)
    %dma_wait3A_442 = arith.constant 1 : i32
    %dma_wait3A_443 = arith.constant 0 : i32
    %dma_wait3A_444 = arith.constant 0 : i32
    %dma_wait3A_445 = tpu.memref_slice %arg6[%dma_wait3A_442, %dma_wait3A_443, %dma_wait3A_444] : memref<2x128x384xf32, #tpu.memory_space<vmem>> -> memref<1x128x384xf32, #tpu.memory_space<vmem>>
    %dma_wait3A_446 = tpu.memref_squeeze %dma_wait3A_445 : memref<1x128x384xf32, #tpu.memory_space<vmem>> -> memref<128x384xf32, #tpu.memory_space<vmem>>
    %dma_wait3A_447 = arith.constant 0 : i32
    %dma_wait3A_448 = tpu.memref_slice %arg4[%multiple_of3A_415, %dma_wait3A_447] : memref<32768x384xf32, #tpu.memory_space<hbm>> -> memref<128x384xf32, #tpu.memory_space<hbm>>
    %dma_wait3A_449 = arith.constant 0 : i32
    %dma_wait3A_450 = tpu.memref_slice %arg4[%multiple_of3A_415, %dma_wait3A_449] : memref<32768x384xf32, #tpu.memory_space<hbm>> -> memref<128x384xf32, #tpu.memory_space<hbm>>
    %dma_wait3A_451 = arith.constant 0 : i32
    %dma_wait3A_452 = arith.constant 0 : i32
    %dma_wait3A_453 = tpu.memref_slice %arg6[%dma_wait3A_442, %dma_wait3A_451, %dma_wait3A_452] : memref<2x128x384xf32, #tpu.memory_space<vmem>> -> memref<1x128x384xf32, #tpu.memory_space<vmem>>
    %dma_wait3A_454 = tpu.memref_squeeze %dma_wait3A_453 : memref<1x128x384xf32, #tpu.memory_space<vmem>> -> memref<128x384xf32, #tpu.memory_space<vmem>>
    tpu.wait_dma2 semaphore(%arg10 : memref<!tpu.dma_semaphore, #tpu.memory_space<semaphore_mem>>) src(%dma_wait3A_454 : memref<128x384xf32, #tpu.memory_space<vmem>>) dst(%dma_wait3A_450 : memref<128x384xf32, #tpu.memory_space<hbm>>)
    return
  }
}

module attributes {stable_mosaic.version = 14 : i64} {
  func.func @_topk_body(%arg0: i32, %arg1: memref<1x1024x4xf32, #tpu.memory_space<vmem>>, %arg2: memref<1x3x1024xf32, #tpu.memory_space<vmem>>, %arg3: memref<1x1024x16xi32, #tpu.memory_space<vmem>>) attributes {dimension_semantics = [#tpu.dimension_semantics<arbitrary>], iteration_bounds = array<i64: 2>, scalar_prefetch = 0 : i64, scratch_operands = 0 : i64, tpu.core_type = #tpu.core_type<tc>, window_params = [{transform_indices = @transform_0, window_bounds = array<i64: 1, 1024, 4>}, {transform_indices = @transform_1, window_bounds = array<i64: 1, 3, 1024>}, {transform_indices = @transform_2, window_bounds = array<i64: 1, 1024, 16>}]} {
    %get3A = arith.constant 0 : index
    %get3A_0 = arith.constant 0 : index
    %get3A_1 = arith.constant 0 : index
    %get3A_2 = vector.load %arg1[%get3A, %get3A_0, %get3A_1] : memref<1x1024x4xf32, #tpu.memory_space<vmem>>, vector<1x1024x4xf32>
    %get3A_3 = vector.shape_cast %get3A_2 : vector<1x1024x4xf32> to vector<1024x4xf32>
    %get3A_4 = arith.constant 0 : index
    %get3A_5 = arith.constant 0 : index
    %get3A_6 = arith.constant 0 : index
    %get3A_7 = vector.load %arg2[%get3A_4, %get3A_5, %get3A_6] : memref<1x3x1024xf32, #tpu.memory_space<vmem>>, vector<1x3x1024xf32>
    %get3A_8 = vector.shape_cast %get3A_7 : vector<1x3x1024xf32> to vector<3x1024xf32>
    %mul3A = arith.mulf %get3A_3, %get3A_3 : vector<1024x4xf32>
    %reduce_sum3A = arith.constant dense<0.000000e+00> : vector<1024xf32>
    %reduce_sum3A_9 = vector.multi_reduction <add>, %mul3A, %reduce_sum3A [1] : vector<1024x4xf32> to vector<1024xf32>
    %broadcast_in_dim3A = vector.shape_cast %reduce_sum3A_9 : vector<1024xf32> to vector<1024x1xf32>
    %mul3A_10 = arith.mulf %get3A_8, %get3A_8 : vector<3x1024xf32>
    %reduce_sum3A_11 = arith.constant dense<0.000000e+00> : vector<1024xf32>
    %reduce_sum3A_12 = vector.multi_reduction <add>, %mul3A_10, %reduce_sum3A_11 [0] : vector<3x1024xf32> to vector<1024xf32>
    %broadcast_in_dim3A_13 = vector.shape_cast %reduce_sum3A_12 : vector<1024xf32> to vector<1x1024xf32>
    %slice3A = vector.extract_strided_slice %get3A_3 {offsets = [0, 0], sizes = [1024, 3], strides = [1, 1]} : vector<1024x4xf32> to vector<1024x3xf32>
    %convert_element_type3A = arith.truncf %slice3A : vector<1024x3xf32> to vector<1024x3xbf16>
    %convert_element_type3A_14 = arith.truncf %get3A_8 : vector<3x1024xf32> to vector<3x1024xbf16>
    %dot_general3A = arith.constant dense<0.000000e+00> : vector<1024x1024xf32>
    %dot_general3A_15 = tpu.matmul %convert_element_type3A, %convert_element_type3A_14, %dot_general3A {dimension_numbers = #tpu.dot_dimension_numbers<[1], [0], [0], [1], [0, 0, 1, 1], [], []>, transpose_lhs_hint = false} : vector<1024x3xbf16>, vector<3x1024xbf16>, vector<1024x1024xf32> -> vector<1024x1024xf32>
    %mul3A_16 = arith.constant 2.000000e+00 : f32
    %mul3A_17 = vector.broadcast %mul3A_16 : f32 to vector<1024x1024xf32>
    %mul3A_18 = arith.mulf %mul3A_17, %dot_general3A_15 : vector<1024x1024xf32>
    %sub3A = vector.broadcast %broadcast_in_dim3A : vector<1024x1xf32> to vector<1024x1024xf32>
    %sub3A_19 = arith.subf %sub3A, %mul3A_18 : vector<1024x1024xf32>
    %add3A = vector.broadcast %broadcast_in_dim3A_13 : vector<1x1024xf32> to vector<1024x1024xf32>
    %add3A_20 = arith.addf %sub3A_19, %add3A : vector<1024x1024xf32>
    %iota3A = tpu.iota {dimensions = array<i32: 1>} : vector<1024x1024xi32>
    %iota3A_21 = tpu.iota {dimensions = array<i32: 1>} : vector<1024x16xi32>
    %broadcast_in_dim3A_22 = arith.constant 0 : i32
    %broadcast_in_dim3A_23 = vector.broadcast %broadcast_in_dim3A_22 : i32 to vector<1024x16xi32>
    %reduce_min3A = arith.constant dense<0x7F800000> : vector<1024xf32>
    %reduce_min3A_24 = vector.multi_reduction <minimumf>, %add3A_20, %reduce_min3A [1] : vector<1024x1024xf32> to vector<1024xf32>
    %broadcast_in_dim3A_25 = vector.shape_cast %reduce_min3A_24 : vector<1024xf32> to vector<1024x1xf32>
    %eq3A = vector.broadcast %broadcast_in_dim3A_25 : vector<1024x1xf32> to vector<1024x1024xf32>
    %eq3A_26 = arith.cmpf oeq, %add3A_20, %eq3A : vector<1024x1024xf32>
    %jit3A = arith.constant 1024 : i32
    %broadcast_in_dim3A_27 = vector.broadcast %jit3A : i32 to vector<1024x1024xi32>
    %select_n3A = arith.select %eq3A_26, %iota3A, %broadcast_in_dim3A_27 : vector<1024x1024xi1>, vector<1024x1024xi32>
    %reduce_min3A_28 = arith.constant dense<2147483647> : vector<1024xi32>
    %reduce_min3A_29 = vector.multi_reduction <minsi>, %select_n3A, %reduce_min3A_28 [1] : vector<1024x1024xi32> to vector<1024xi32>
    %eq3A_30 = arith.constant 0 : i32
    %eq3A_31 = vector.broadcast %eq3A_30 : i32 to vector<1024x16xi32>
    %eq3A_32 = arith.cmpi eq, %iota3A_21, %eq3A_31 : vector<1024x16xi32>
    %broadcast_in_dim3A_33 = vector.shape_cast %reduce_min3A_29 : vector<1024xi32> to vector<1024x1xi32>
    %broadcast_in_dim3A_34 = vector.shape_cast %broadcast_in_dim3A_33 : vector<1024x1xi32> to vector<1024x1xi32>
    %broadcast_in_dim3A_35 = vector.broadcast %broadcast_in_dim3A_34 : vector<1024x1xi32> to vector<1024x16xi32>
    %select_n3A_36 = arith.select %eq3A_32, %broadcast_in_dim3A_35, %broadcast_in_dim3A_23 : vector<1024x16xi1>, vector<1024x16xi32>
    %broadcast_in_dim3A_37 = vector.shape_cast %reduce_min3A_29 : vector<1024xi32> to vector<1024x1xi32>
    %eq3A_38 = vector.broadcast %broadcast_in_dim3A_37 : vector<1024x1xi32> to vector<1024x1024xi32>
    %eq3A_39 = arith.cmpi eq, %iota3A, %eq3A_38 : vector<1024x1024xi32>
    %jit3A_40 = arith.constant 0x7F800000 : f32
    %broadcast_in_dim3A_41 = vector.broadcast %jit3A_40 : f32 to vector<1024x1024xf32>
    %select_n3A_42 = arith.select %eq3A_39, %broadcast_in_dim3A_41, %add3A_20 : vector<1024x1024xi1>, vector<1024x1024xf32>
    %reduce_min3A_43 = arith.constant dense<0x7F800000> : vector<1024xf32>
    %reduce_min3A_44 = vector.multi_reduction <minimumf>, %select_n3A_42, %reduce_min3A_43 [1] : vector<1024x1024xf32> to vector<1024xf32>
    %broadcast_in_dim3A_45 = vector.shape_cast %reduce_min3A_44 : vector<1024xf32> to vector<1024x1xf32>
    %eq3A_46 = vector.broadcast %broadcast_in_dim3A_45 : vector<1024x1xf32> to vector<1024x1024xf32>
    %eq3A_47 = arith.cmpf oeq, %select_n3A_42, %eq3A_46 : vector<1024x1024xf32>
    %jit3A_48 = arith.constant 1024 : i32
    %broadcast_in_dim3A_49 = vector.broadcast %jit3A_48 : i32 to vector<1024x1024xi32>
    %select_n3A_50 = arith.select %eq3A_47, %iota3A, %broadcast_in_dim3A_49 : vector<1024x1024xi1>, vector<1024x1024xi32>
    %reduce_min3A_51 = arith.constant dense<2147483647> : vector<1024xi32>
    %reduce_min3A_52 = vector.multi_reduction <minsi>, %select_n3A_50, %reduce_min3A_51 [1] : vector<1024x1024xi32> to vector<1024xi32>
    %eq3A_53 = arith.constant 1 : i32
    %eq3A_54 = vector.broadcast %eq3A_53 : i32 to vector<1024x16xi32>
    %eq3A_55 = arith.cmpi eq, %iota3A_21, %eq3A_54 : vector<1024x16xi32>
    %broadcast_in_dim3A_56 = vector.shape_cast %reduce_min3A_52 : vector<1024xi32> to vector<1024x1xi32>
    %broadcast_in_dim3A_57 = vector.shape_cast %broadcast_in_dim3A_56 : vector<1024x1xi32> to vector<1024x1xi32>
    %broadcast_in_dim3A_58 = vector.broadcast %broadcast_in_dim3A_57 : vector<1024x1xi32> to vector<1024x16xi32>
    %select_n3A_59 = arith.select %eq3A_55, %broadcast_in_dim3A_58, %select_n3A_36 : vector<1024x16xi1>, vector<1024x16xi32>
    %broadcast_in_dim3A_60 = vector.shape_cast %reduce_min3A_52 : vector<1024xi32> to vector<1024x1xi32>
    %eq3A_61 = vector.broadcast %broadcast_in_dim3A_60 : vector<1024x1xi32> to vector<1024x1024xi32>
    %eq3A_62 = arith.cmpi eq, %iota3A, %eq3A_61 : vector<1024x1024xi32>
    %jit3A_63 = arith.constant 0x7F800000 : f32
    %broadcast_in_dim3A_64 = vector.broadcast %jit3A_63 : f32 to vector<1024x1024xf32>
    %select_n3A_65 = arith.select %eq3A_62, %broadcast_in_dim3A_64, %select_n3A_42 : vector<1024x1024xi1>, vector<1024x1024xf32>
    %reduce_min3A_66 = arith.constant dense<0x7F800000> : vector<1024xf32>
    %reduce_min3A_67 = vector.multi_reduction <minimumf>, %select_n3A_65, %reduce_min3A_66 [1] : vector<1024x1024xf32> to vector<1024xf32>
    %broadcast_in_dim3A_68 = vector.shape_cast %reduce_min3A_67 : vector<1024xf32> to vector<1024x1xf32>
    %eq3A_69 = vector.broadcast %broadcast_in_dim3A_68 : vector<1024x1xf32> to vector<1024x1024xf32>
    %eq3A_70 = arith.cmpf oeq, %select_n3A_65, %eq3A_69 : vector<1024x1024xf32>
    %jit3A_71 = arith.constant 1024 : i32
    %broadcast_in_dim3A_72 = vector.broadcast %jit3A_71 : i32 to vector<1024x1024xi32>
    %select_n3A_73 = arith.select %eq3A_70, %iota3A, %broadcast_in_dim3A_72 : vector<1024x1024xi1>, vector<1024x1024xi32>
    %reduce_min3A_74 = arith.constant dense<2147483647> : vector<1024xi32>
    %reduce_min3A_75 = vector.multi_reduction <minsi>, %select_n3A_73, %reduce_min3A_74 [1] : vector<1024x1024xi32> to vector<1024xi32>
    %eq3A_76 = arith.constant 2 : i32
    %eq3A_77 = vector.broadcast %eq3A_76 : i32 to vector<1024x16xi32>
    %eq3A_78 = arith.cmpi eq, %iota3A_21, %eq3A_77 : vector<1024x16xi32>
    %broadcast_in_dim3A_79 = vector.shape_cast %reduce_min3A_75 : vector<1024xi32> to vector<1024x1xi32>
    %broadcast_in_dim3A_80 = vector.shape_cast %broadcast_in_dim3A_79 : vector<1024x1xi32> to vector<1024x1xi32>
    %broadcast_in_dim3A_81 = vector.broadcast %broadcast_in_dim3A_80 : vector<1024x1xi32> to vector<1024x16xi32>
    %select_n3A_82 = arith.select %eq3A_78, %broadcast_in_dim3A_81, %select_n3A_59 : vector<1024x16xi1>, vector<1024x16xi32>
    %broadcast_in_dim3A_83 = vector.shape_cast %reduce_min3A_75 : vector<1024xi32> to vector<1024x1xi32>
    %eq3A_84 = vector.broadcast %broadcast_in_dim3A_83 : vector<1024x1xi32> to vector<1024x1024xi32>
    %eq3A_85 = arith.cmpi eq, %iota3A, %eq3A_84 : vector<1024x1024xi32>
    %jit3A_86 = arith.constant 0x7F800000 : f32
    %broadcast_in_dim3A_87 = vector.broadcast %jit3A_86 : f32 to vector<1024x1024xf32>
    %select_n3A_88 = arith.select %eq3A_85, %broadcast_in_dim3A_87, %select_n3A_65 : vector<1024x1024xi1>, vector<1024x1024xf32>
    %reduce_min3A_89 = arith.constant dense<0x7F800000> : vector<1024xf32>
    %reduce_min3A_90 = vector.multi_reduction <minimumf>, %select_n3A_88, %reduce_min3A_89 [1] : vector<1024x1024xf32> to vector<1024xf32>
    %broadcast_in_dim3A_91 = vector.shape_cast %reduce_min3A_90 : vector<1024xf32> to vector<1024x1xf32>
    %eq3A_92 = vector.broadcast %broadcast_in_dim3A_91 : vector<1024x1xf32> to vector<1024x1024xf32>
    %eq3A_93 = arith.cmpf oeq, %select_n3A_88, %eq3A_92 : vector<1024x1024xf32>
    %jit3A_94 = arith.constant 1024 : i32
    %broadcast_in_dim3A_95 = vector.broadcast %jit3A_94 : i32 to vector<1024x1024xi32>
    %select_n3A_96 = arith.select %eq3A_93, %iota3A, %broadcast_in_dim3A_95 : vector<1024x1024xi1>, vector<1024x1024xi32>
    %reduce_min3A_97 = arith.constant dense<2147483647> : vector<1024xi32>
    %reduce_min3A_98 = vector.multi_reduction <minsi>, %select_n3A_96, %reduce_min3A_97 [1] : vector<1024x1024xi32> to vector<1024xi32>
    %eq3A_99 = arith.constant 3 : i32
    %eq3A_100 = vector.broadcast %eq3A_99 : i32 to vector<1024x16xi32>
    %eq3A_101 = arith.cmpi eq, %iota3A_21, %eq3A_100 : vector<1024x16xi32>
    %broadcast_in_dim3A_102 = vector.shape_cast %reduce_min3A_98 : vector<1024xi32> to vector<1024x1xi32>
    %broadcast_in_dim3A_103 = vector.shape_cast %broadcast_in_dim3A_102 : vector<1024x1xi32> to vector<1024x1xi32>
    %broadcast_in_dim3A_104 = vector.broadcast %broadcast_in_dim3A_103 : vector<1024x1xi32> to vector<1024x16xi32>
    %select_n3A_105 = arith.select %eq3A_101, %broadcast_in_dim3A_104, %select_n3A_82 : vector<1024x16xi1>, vector<1024x16xi32>
    %broadcast_in_dim3A_106 = vector.shape_cast %reduce_min3A_98 : vector<1024xi32> to vector<1024x1xi32>
    %eq3A_107 = vector.broadcast %broadcast_in_dim3A_106 : vector<1024x1xi32> to vector<1024x1024xi32>
    %eq3A_108 = arith.cmpi eq, %iota3A, %eq3A_107 : vector<1024x1024xi32>
    %jit3A_109 = arith.constant 0x7F800000 : f32
    %broadcast_in_dim3A_110 = vector.broadcast %jit3A_109 : f32 to vector<1024x1024xf32>
    %select_n3A_111 = arith.select %eq3A_108, %broadcast_in_dim3A_110, %select_n3A_88 : vector<1024x1024xi1>, vector<1024x1024xf32>
    %reduce_min3A_112 = arith.constant dense<0x7F800000> : vector<1024xf32>
    %reduce_min3A_113 = vector.multi_reduction <minimumf>, %select_n3A_111, %reduce_min3A_112 [1] : vector<1024x1024xf32> to vector<1024xf32>
    %broadcast_in_dim3A_114 = vector.shape_cast %reduce_min3A_113 : vector<1024xf32> to vector<1024x1xf32>
    %eq3A_115 = vector.broadcast %broadcast_in_dim3A_114 : vector<1024x1xf32> to vector<1024x1024xf32>
    %eq3A_116 = arith.cmpf oeq, %select_n3A_111, %eq3A_115 : vector<1024x1024xf32>
    %jit3A_117 = arith.constant 1024 : i32
    %broadcast_in_dim3A_118 = vector.broadcast %jit3A_117 : i32 to vector<1024x1024xi32>
    %select_n3A_119 = arith.select %eq3A_116, %iota3A, %broadcast_in_dim3A_118 : vector<1024x1024xi1>, vector<1024x1024xi32>
    %reduce_min3A_120 = arith.constant dense<2147483647> : vector<1024xi32>
    %reduce_min3A_121 = vector.multi_reduction <minsi>, %select_n3A_119, %reduce_min3A_120 [1] : vector<1024x1024xi32> to vector<1024xi32>
    %eq3A_122 = arith.constant 4 : i32
    %eq3A_123 = vector.broadcast %eq3A_122 : i32 to vector<1024x16xi32>
    %eq3A_124 = arith.cmpi eq, %iota3A_21, %eq3A_123 : vector<1024x16xi32>
    %broadcast_in_dim3A_125 = vector.shape_cast %reduce_min3A_121 : vector<1024xi32> to vector<1024x1xi32>
    %broadcast_in_dim3A_126 = vector.shape_cast %broadcast_in_dim3A_125 : vector<1024x1xi32> to vector<1024x1xi32>
    %broadcast_in_dim3A_127 = vector.broadcast %broadcast_in_dim3A_126 : vector<1024x1xi32> to vector<1024x16xi32>
    %select_n3A_128 = arith.select %eq3A_124, %broadcast_in_dim3A_127, %select_n3A_105 : vector<1024x16xi1>, vector<1024x16xi32>
    %broadcast_in_dim3A_129 = vector.shape_cast %reduce_min3A_121 : vector<1024xi32> to vector<1024x1xi32>
    %eq3A_130 = vector.broadcast %broadcast_in_dim3A_129 : vector<1024x1xi32> to vector<1024x1024xi32>
    %eq3A_131 = arith.cmpi eq, %iota3A, %eq3A_130 : vector<1024x1024xi32>
    %jit3A_132 = arith.constant 0x7F800000 : f32
    %broadcast_in_dim3A_133 = vector.broadcast %jit3A_132 : f32 to vector<1024x1024xf32>
    %select_n3A_134 = arith.select %eq3A_131, %broadcast_in_dim3A_133, %select_n3A_111 : vector<1024x1024xi1>, vector<1024x1024xf32>
    %reduce_min3A_135 = arith.constant dense<0x7F800000> : vector<1024xf32>
    %reduce_min3A_136 = vector.multi_reduction <minimumf>, %select_n3A_134, %reduce_min3A_135 [1] : vector<1024x1024xf32> to vector<1024xf32>
    %broadcast_in_dim3A_137 = vector.shape_cast %reduce_min3A_136 : vector<1024xf32> to vector<1024x1xf32>
    %eq3A_138 = vector.broadcast %broadcast_in_dim3A_137 : vector<1024x1xf32> to vector<1024x1024xf32>
    %eq3A_139 = arith.cmpf oeq, %select_n3A_134, %eq3A_138 : vector<1024x1024xf32>
    %jit3A_140 = arith.constant 1024 : i32
    %broadcast_in_dim3A_141 = vector.broadcast %jit3A_140 : i32 to vector<1024x1024xi32>
    %select_n3A_142 = arith.select %eq3A_139, %iota3A, %broadcast_in_dim3A_141 : vector<1024x1024xi1>, vector<1024x1024xi32>
    %reduce_min3A_143 = arith.constant dense<2147483647> : vector<1024xi32>
    %reduce_min3A_144 = vector.multi_reduction <minsi>, %select_n3A_142, %reduce_min3A_143 [1] : vector<1024x1024xi32> to vector<1024xi32>
    %eq3A_145 = arith.constant 5 : i32
    %eq3A_146 = vector.broadcast %eq3A_145 : i32 to vector<1024x16xi32>
    %eq3A_147 = arith.cmpi eq, %iota3A_21, %eq3A_146 : vector<1024x16xi32>
    %broadcast_in_dim3A_148 = vector.shape_cast %reduce_min3A_144 : vector<1024xi32> to vector<1024x1xi32>
    %broadcast_in_dim3A_149 = vector.shape_cast %broadcast_in_dim3A_148 : vector<1024x1xi32> to vector<1024x1xi32>
    %broadcast_in_dim3A_150 = vector.broadcast %broadcast_in_dim3A_149 : vector<1024x1xi32> to vector<1024x16xi32>
    %select_n3A_151 = arith.select %eq3A_147, %broadcast_in_dim3A_150, %select_n3A_128 : vector<1024x16xi1>, vector<1024x16xi32>
    %broadcast_in_dim3A_152 = vector.shape_cast %reduce_min3A_144 : vector<1024xi32> to vector<1024x1xi32>
    %eq3A_153 = vector.broadcast %broadcast_in_dim3A_152 : vector<1024x1xi32> to vector<1024x1024xi32>
    %eq3A_154 = arith.cmpi eq, %iota3A, %eq3A_153 : vector<1024x1024xi32>
    %jit3A_155 = arith.constant 0x7F800000 : f32
    %broadcast_in_dim3A_156 = vector.broadcast %jit3A_155 : f32 to vector<1024x1024xf32>
    %select_n3A_157 = arith.select %eq3A_154, %broadcast_in_dim3A_156, %select_n3A_134 : vector<1024x1024xi1>, vector<1024x1024xf32>
    %reduce_min3A_158 = arith.constant dense<0x7F800000> : vector<1024xf32>
    %reduce_min3A_159 = vector.multi_reduction <minimumf>, %select_n3A_157, %reduce_min3A_158 [1] : vector<1024x1024xf32> to vector<1024xf32>
    %broadcast_in_dim3A_160 = vector.shape_cast %reduce_min3A_159 : vector<1024xf32> to vector<1024x1xf32>
    %eq3A_161 = vector.broadcast %broadcast_in_dim3A_160 : vector<1024x1xf32> to vector<1024x1024xf32>
    %eq3A_162 = arith.cmpf oeq, %select_n3A_157, %eq3A_161 : vector<1024x1024xf32>
    %jit3A_163 = arith.constant 1024 : i32
    %broadcast_in_dim3A_164 = vector.broadcast %jit3A_163 : i32 to vector<1024x1024xi32>
    %select_n3A_165 = arith.select %eq3A_162, %iota3A, %broadcast_in_dim3A_164 : vector<1024x1024xi1>, vector<1024x1024xi32>
    %reduce_min3A_166 = arith.constant dense<2147483647> : vector<1024xi32>
    %reduce_min3A_167 = vector.multi_reduction <minsi>, %select_n3A_165, %reduce_min3A_166 [1] : vector<1024x1024xi32> to vector<1024xi32>
    %eq3A_168 = arith.constant 6 : i32
    %eq3A_169 = vector.broadcast %eq3A_168 : i32 to vector<1024x16xi32>
    %eq3A_170 = arith.cmpi eq, %iota3A_21, %eq3A_169 : vector<1024x16xi32>
    %broadcast_in_dim3A_171 = vector.shape_cast %reduce_min3A_167 : vector<1024xi32> to vector<1024x1xi32>
    %broadcast_in_dim3A_172 = vector.shape_cast %broadcast_in_dim3A_171 : vector<1024x1xi32> to vector<1024x1xi32>
    %broadcast_in_dim3A_173 = vector.broadcast %broadcast_in_dim3A_172 : vector<1024x1xi32> to vector<1024x16xi32>
    %select_n3A_174 = arith.select %eq3A_170, %broadcast_in_dim3A_173, %select_n3A_151 : vector<1024x16xi1>, vector<1024x16xi32>
    %broadcast_in_dim3A_175 = vector.shape_cast %reduce_min3A_167 : vector<1024xi32> to vector<1024x1xi32>
    %eq3A_176 = vector.broadcast %broadcast_in_dim3A_175 : vector<1024x1xi32> to vector<1024x1024xi32>
    %eq3A_177 = arith.cmpi eq, %iota3A, %eq3A_176 : vector<1024x1024xi32>
    %jit3A_178 = arith.constant 0x7F800000 : f32
    %broadcast_in_dim3A_179 = vector.broadcast %jit3A_178 : f32 to vector<1024x1024xf32>
    %select_n3A_180 = arith.select %eq3A_177, %broadcast_in_dim3A_179, %select_n3A_157 : vector<1024x1024xi1>, vector<1024x1024xf32>
    %reduce_min3A_181 = arith.constant dense<0x7F800000> : vector<1024xf32>
    %reduce_min3A_182 = vector.multi_reduction <minimumf>, %select_n3A_180, %reduce_min3A_181 [1] : vector<1024x1024xf32> to vector<1024xf32>
    %broadcast_in_dim3A_183 = vector.shape_cast %reduce_min3A_182 : vector<1024xf32> to vector<1024x1xf32>
    %eq3A_184 = vector.broadcast %broadcast_in_dim3A_183 : vector<1024x1xf32> to vector<1024x1024xf32>
    %eq3A_185 = arith.cmpf oeq, %select_n3A_180, %eq3A_184 : vector<1024x1024xf32>
    %jit3A_186 = arith.constant 1024 : i32
    %broadcast_in_dim3A_187 = vector.broadcast %jit3A_186 : i32 to vector<1024x1024xi32>
    %select_n3A_188 = arith.select %eq3A_185, %iota3A, %broadcast_in_dim3A_187 : vector<1024x1024xi1>, vector<1024x1024xi32>
    %reduce_min3A_189 = arith.constant dense<2147483647> : vector<1024xi32>
    %reduce_min3A_190 = vector.multi_reduction <minsi>, %select_n3A_188, %reduce_min3A_189 [1] : vector<1024x1024xi32> to vector<1024xi32>
    %eq3A_191 = arith.constant 7 : i32
    %eq3A_192 = vector.broadcast %eq3A_191 : i32 to vector<1024x16xi32>
    %eq3A_193 = arith.cmpi eq, %iota3A_21, %eq3A_192 : vector<1024x16xi32>
    %broadcast_in_dim3A_194 = vector.shape_cast %reduce_min3A_190 : vector<1024xi32> to vector<1024x1xi32>
    %broadcast_in_dim3A_195 = vector.shape_cast %broadcast_in_dim3A_194 : vector<1024x1xi32> to vector<1024x1xi32>
    %broadcast_in_dim3A_196 = vector.broadcast %broadcast_in_dim3A_195 : vector<1024x1xi32> to vector<1024x16xi32>
    %select_n3A_197 = arith.select %eq3A_193, %broadcast_in_dim3A_196, %select_n3A_174 : vector<1024x16xi1>, vector<1024x16xi32>
    %broadcast_in_dim3A_198 = vector.shape_cast %reduce_min3A_190 : vector<1024xi32> to vector<1024x1xi32>
    %eq3A_199 = vector.broadcast %broadcast_in_dim3A_198 : vector<1024x1xi32> to vector<1024x1024xi32>
    %eq3A_200 = arith.cmpi eq, %iota3A, %eq3A_199 : vector<1024x1024xi32>
    %jit3A_201 = arith.constant 0x7F800000 : f32
    %broadcast_in_dim3A_202 = vector.broadcast %jit3A_201 : f32 to vector<1024x1024xf32>
    %select_n3A_203 = arith.select %eq3A_200, %broadcast_in_dim3A_202, %select_n3A_180 : vector<1024x1024xi1>, vector<1024x1024xf32>
    %reduce_min3A_204 = arith.constant dense<0x7F800000> : vector<1024xf32>
    %reduce_min3A_205 = vector.multi_reduction <minimumf>, %select_n3A_203, %reduce_min3A_204 [1] : vector<1024x1024xf32> to vector<1024xf32>
    %broadcast_in_dim3A_206 = vector.shape_cast %reduce_min3A_205 : vector<1024xf32> to vector<1024x1xf32>
    %eq3A_207 = vector.broadcast %broadcast_in_dim3A_206 : vector<1024x1xf32> to vector<1024x1024xf32>
    %eq3A_208 = arith.cmpf oeq, %select_n3A_203, %eq3A_207 : vector<1024x1024xf32>
    %jit3A_209 = arith.constant 1024 : i32
    %broadcast_in_dim3A_210 = vector.broadcast %jit3A_209 : i32 to vector<1024x1024xi32>
    %select_n3A_211 = arith.select %eq3A_208, %iota3A, %broadcast_in_dim3A_210 : vector<1024x1024xi1>, vector<1024x1024xi32>
    %reduce_min3A_212 = arith.constant dense<2147483647> : vector<1024xi32>
    %reduce_min3A_213 = vector.multi_reduction <minsi>, %select_n3A_211, %reduce_min3A_212 [1] : vector<1024x1024xi32> to vector<1024xi32>
    %eq3A_214 = arith.constant 8 : i32
    %eq3A_215 = vector.broadcast %eq3A_214 : i32 to vector<1024x16xi32>
    %eq3A_216 = arith.cmpi eq, %iota3A_21, %eq3A_215 : vector<1024x16xi32>
    %broadcast_in_dim3A_217 = vector.shape_cast %reduce_min3A_213 : vector<1024xi32> to vector<1024x1xi32>
    %broadcast_in_dim3A_218 = vector.shape_cast %broadcast_in_dim3A_217 : vector<1024x1xi32> to vector<1024x1xi32>
    %broadcast_in_dim3A_219 = vector.broadcast %broadcast_in_dim3A_218 : vector<1024x1xi32> to vector<1024x16xi32>
    %select_n3A_220 = arith.select %eq3A_216, %broadcast_in_dim3A_219, %select_n3A_197 : vector<1024x16xi1>, vector<1024x16xi32>
    %broadcast_in_dim3A_221 = vector.shape_cast %reduce_min3A_213 : vector<1024xi32> to vector<1024x1xi32>
    %eq3A_222 = vector.broadcast %broadcast_in_dim3A_221 : vector<1024x1xi32> to vector<1024x1024xi32>
    %eq3A_223 = arith.cmpi eq, %iota3A, %eq3A_222 : vector<1024x1024xi32>
    %jit3A_224 = arith.constant 0x7F800000 : f32
    %broadcast_in_dim3A_225 = vector.broadcast %jit3A_224 : f32 to vector<1024x1024xf32>
    %select_n3A_226 = arith.select %eq3A_223, %broadcast_in_dim3A_225, %select_n3A_203 : vector<1024x1024xi1>, vector<1024x1024xf32>
    %reduce_min3A_227 = arith.constant dense<0x7F800000> : vector<1024xf32>
    %reduce_min3A_228 = vector.multi_reduction <minimumf>, %select_n3A_226, %reduce_min3A_227 [1] : vector<1024x1024xf32> to vector<1024xf32>
    %broadcast_in_dim3A_229 = vector.shape_cast %reduce_min3A_228 : vector<1024xf32> to vector<1024x1xf32>
    %eq3A_230 = vector.broadcast %broadcast_in_dim3A_229 : vector<1024x1xf32> to vector<1024x1024xf32>
    %eq3A_231 = arith.cmpf oeq, %select_n3A_226, %eq3A_230 : vector<1024x1024xf32>
    %jit3A_232 = arith.constant 1024 : i32
    %broadcast_in_dim3A_233 = vector.broadcast %jit3A_232 : i32 to vector<1024x1024xi32>
    %select_n3A_234 = arith.select %eq3A_231, %iota3A, %broadcast_in_dim3A_233 : vector<1024x1024xi1>, vector<1024x1024xi32>
    %reduce_min3A_235 = arith.constant dense<2147483647> : vector<1024xi32>
    %reduce_min3A_236 = vector.multi_reduction <minsi>, %select_n3A_234, %reduce_min3A_235 [1] : vector<1024x1024xi32> to vector<1024xi32>
    %eq3A_237 = arith.constant 9 : i32
    %eq3A_238 = vector.broadcast %eq3A_237 : i32 to vector<1024x16xi32>
    %eq3A_239 = arith.cmpi eq, %iota3A_21, %eq3A_238 : vector<1024x16xi32>
    %broadcast_in_dim3A_240 = vector.shape_cast %reduce_min3A_236 : vector<1024xi32> to vector<1024x1xi32>
    %broadcast_in_dim3A_241 = vector.shape_cast %broadcast_in_dim3A_240 : vector<1024x1xi32> to vector<1024x1xi32>
    %broadcast_in_dim3A_242 = vector.broadcast %broadcast_in_dim3A_241 : vector<1024x1xi32> to vector<1024x16xi32>
    %select_n3A_243 = arith.select %eq3A_239, %broadcast_in_dim3A_242, %select_n3A_220 : vector<1024x16xi1>, vector<1024x16xi32>
    %broadcast_in_dim3A_244 = vector.shape_cast %reduce_min3A_236 : vector<1024xi32> to vector<1024x1xi32>
    %eq3A_245 = vector.broadcast %broadcast_in_dim3A_244 : vector<1024x1xi32> to vector<1024x1024xi32>
    %eq3A_246 = arith.cmpi eq, %iota3A, %eq3A_245 : vector<1024x1024xi32>
    %jit3A_247 = arith.constant 0x7F800000 : f32
    %broadcast_in_dim3A_248 = vector.broadcast %jit3A_247 : f32 to vector<1024x1024xf32>
    %select_n3A_249 = arith.select %eq3A_246, %broadcast_in_dim3A_248, %select_n3A_226 : vector<1024x1024xi1>, vector<1024x1024xf32>
    %reduce_min3A_250 = arith.constant dense<0x7F800000> : vector<1024xf32>
    %reduce_min3A_251 = vector.multi_reduction <minimumf>, %select_n3A_249, %reduce_min3A_250 [1] : vector<1024x1024xf32> to vector<1024xf32>
    %broadcast_in_dim3A_252 = vector.shape_cast %reduce_min3A_251 : vector<1024xf32> to vector<1024x1xf32>
    %eq3A_253 = vector.broadcast %broadcast_in_dim3A_252 : vector<1024x1xf32> to vector<1024x1024xf32>
    %eq3A_254 = arith.cmpf oeq, %select_n3A_249, %eq3A_253 : vector<1024x1024xf32>
    %jit3A_255 = arith.constant 1024 : i32
    %broadcast_in_dim3A_256 = vector.broadcast %jit3A_255 : i32 to vector<1024x1024xi32>
    %select_n3A_257 = arith.select %eq3A_254, %iota3A, %broadcast_in_dim3A_256 : vector<1024x1024xi1>, vector<1024x1024xi32>
    %reduce_min3A_258 = arith.constant dense<2147483647> : vector<1024xi32>
    %reduce_min3A_259 = vector.multi_reduction <minsi>, %select_n3A_257, %reduce_min3A_258 [1] : vector<1024x1024xi32> to vector<1024xi32>
    %eq3A_260 = arith.constant 10 : i32
    %eq3A_261 = vector.broadcast %eq3A_260 : i32 to vector<1024x16xi32>
    %eq3A_262 = arith.cmpi eq, %iota3A_21, %eq3A_261 : vector<1024x16xi32>
    %broadcast_in_dim3A_263 = vector.shape_cast %reduce_min3A_259 : vector<1024xi32> to vector<1024x1xi32>
    %broadcast_in_dim3A_264 = vector.shape_cast %broadcast_in_dim3A_263 : vector<1024x1xi32> to vector<1024x1xi32>
    %broadcast_in_dim3A_265 = vector.broadcast %broadcast_in_dim3A_264 : vector<1024x1xi32> to vector<1024x16xi32>
    %select_n3A_266 = arith.select %eq3A_262, %broadcast_in_dim3A_265, %select_n3A_243 : vector<1024x16xi1>, vector<1024x16xi32>
    %broadcast_in_dim3A_267 = vector.shape_cast %reduce_min3A_259 : vector<1024xi32> to vector<1024x1xi32>
    %eq3A_268 = vector.broadcast %broadcast_in_dim3A_267 : vector<1024x1xi32> to vector<1024x1024xi32>
    %eq3A_269 = arith.cmpi eq, %iota3A, %eq3A_268 : vector<1024x1024xi32>
    %jit3A_270 = arith.constant 0x7F800000 : f32
    %broadcast_in_dim3A_271 = vector.broadcast %jit3A_270 : f32 to vector<1024x1024xf32>
    %select_n3A_272 = arith.select %eq3A_269, %broadcast_in_dim3A_271, %select_n3A_249 : vector<1024x1024xi1>, vector<1024x1024xf32>
    %reduce_min3A_273 = arith.constant dense<0x7F800000> : vector<1024xf32>
    %reduce_min3A_274 = vector.multi_reduction <minimumf>, %select_n3A_272, %reduce_min3A_273 [1] : vector<1024x1024xf32> to vector<1024xf32>
    %broadcast_in_dim3A_275 = vector.shape_cast %reduce_min3A_274 : vector<1024xf32> to vector<1024x1xf32>
    %eq3A_276 = vector.broadcast %broadcast_in_dim3A_275 : vector<1024x1xf32> to vector<1024x1024xf32>
    %eq3A_277 = arith.cmpf oeq, %select_n3A_272, %eq3A_276 : vector<1024x1024xf32>
    %jit3A_278 = arith.constant 1024 : i32
    %broadcast_in_dim3A_279 = vector.broadcast %jit3A_278 : i32 to vector<1024x1024xi32>
    %select_n3A_280 = arith.select %eq3A_277, %iota3A, %broadcast_in_dim3A_279 : vector<1024x1024xi1>, vector<1024x1024xi32>
    %reduce_min3A_281 = arith.constant dense<2147483647> : vector<1024xi32>
    %reduce_min3A_282 = vector.multi_reduction <minsi>, %select_n3A_280, %reduce_min3A_281 [1] : vector<1024x1024xi32> to vector<1024xi32>
    %eq3A_283 = arith.constant 11 : i32
    %eq3A_284 = vector.broadcast %eq3A_283 : i32 to vector<1024x16xi32>
    %eq3A_285 = arith.cmpi eq, %iota3A_21, %eq3A_284 : vector<1024x16xi32>
    %broadcast_in_dim3A_286 = vector.shape_cast %reduce_min3A_282 : vector<1024xi32> to vector<1024x1xi32>
    %broadcast_in_dim3A_287 = vector.shape_cast %broadcast_in_dim3A_286 : vector<1024x1xi32> to vector<1024x1xi32>
    %broadcast_in_dim3A_288 = vector.broadcast %broadcast_in_dim3A_287 : vector<1024x1xi32> to vector<1024x16xi32>
    %select_n3A_289 = arith.select %eq3A_285, %broadcast_in_dim3A_288, %select_n3A_266 : vector<1024x16xi1>, vector<1024x16xi32>
    %broadcast_in_dim3A_290 = vector.shape_cast %reduce_min3A_282 : vector<1024xi32> to vector<1024x1xi32>
    %eq3A_291 = vector.broadcast %broadcast_in_dim3A_290 : vector<1024x1xi32> to vector<1024x1024xi32>
    %eq3A_292 = arith.cmpi eq, %iota3A, %eq3A_291 : vector<1024x1024xi32>
    %jit3A_293 = arith.constant 0x7F800000 : f32
    %broadcast_in_dim3A_294 = vector.broadcast %jit3A_293 : f32 to vector<1024x1024xf32>
    %select_n3A_295 = arith.select %eq3A_292, %broadcast_in_dim3A_294, %select_n3A_272 : vector<1024x1024xi1>, vector<1024x1024xf32>
    %reduce_min3A_296 = arith.constant dense<0x7F800000> : vector<1024xf32>
    %reduce_min3A_297 = vector.multi_reduction <minimumf>, %select_n3A_295, %reduce_min3A_296 [1] : vector<1024x1024xf32> to vector<1024xf32>
    %broadcast_in_dim3A_298 = vector.shape_cast %reduce_min3A_297 : vector<1024xf32> to vector<1024x1xf32>
    %eq3A_299 = vector.broadcast %broadcast_in_dim3A_298 : vector<1024x1xf32> to vector<1024x1024xf32>
    %eq3A_300 = arith.cmpf oeq, %select_n3A_295, %eq3A_299 : vector<1024x1024xf32>
    %jit3A_301 = arith.constant 1024 : i32
    %broadcast_in_dim3A_302 = vector.broadcast %jit3A_301 : i32 to vector<1024x1024xi32>
    %select_n3A_303 = arith.select %eq3A_300, %iota3A, %broadcast_in_dim3A_302 : vector<1024x1024xi1>, vector<1024x1024xi32>
    %reduce_min3A_304 = arith.constant dense<2147483647> : vector<1024xi32>
    %reduce_min3A_305 = vector.multi_reduction <minsi>, %select_n3A_303, %reduce_min3A_304 [1] : vector<1024x1024xi32> to vector<1024xi32>
    %eq3A_306 = arith.constant 12 : i32
    %eq3A_307 = vector.broadcast %eq3A_306 : i32 to vector<1024x16xi32>
    %eq3A_308 = arith.cmpi eq, %iota3A_21, %eq3A_307 : vector<1024x16xi32>
    %broadcast_in_dim3A_309 = vector.shape_cast %reduce_min3A_305 : vector<1024xi32> to vector<1024x1xi32>
    %broadcast_in_dim3A_310 = vector.shape_cast %broadcast_in_dim3A_309 : vector<1024x1xi32> to vector<1024x1xi32>
    %broadcast_in_dim3A_311 = vector.broadcast %broadcast_in_dim3A_310 : vector<1024x1xi32> to vector<1024x16xi32>
    %select_n3A_312 = arith.select %eq3A_308, %broadcast_in_dim3A_311, %select_n3A_289 : vector<1024x16xi1>, vector<1024x16xi32>
    %broadcast_in_dim3A_313 = vector.shape_cast %reduce_min3A_305 : vector<1024xi32> to vector<1024x1xi32>
    %eq3A_314 = vector.broadcast %broadcast_in_dim3A_313 : vector<1024x1xi32> to vector<1024x1024xi32>
    %eq3A_315 = arith.cmpi eq, %iota3A, %eq3A_314 : vector<1024x1024xi32>
    %jit3A_316 = arith.constant 0x7F800000 : f32
    %broadcast_in_dim3A_317 = vector.broadcast %jit3A_316 : f32 to vector<1024x1024xf32>
    %select_n3A_318 = arith.select %eq3A_315, %broadcast_in_dim3A_317, %select_n3A_295 : vector<1024x1024xi1>, vector<1024x1024xf32>
    %reduce_min3A_319 = arith.constant dense<0x7F800000> : vector<1024xf32>
    %reduce_min3A_320 = vector.multi_reduction <minimumf>, %select_n3A_318, %reduce_min3A_319 [1] : vector<1024x1024xf32> to vector<1024xf32>
    %broadcast_in_dim3A_321 = vector.shape_cast %reduce_min3A_320 : vector<1024xf32> to vector<1024x1xf32>
    %eq3A_322 = vector.broadcast %broadcast_in_dim3A_321 : vector<1024x1xf32> to vector<1024x1024xf32>
    %eq3A_323 = arith.cmpf oeq, %select_n3A_318, %eq3A_322 : vector<1024x1024xf32>
    %jit3A_324 = arith.constant 1024 : i32
    %broadcast_in_dim3A_325 = vector.broadcast %jit3A_324 : i32 to vector<1024x1024xi32>
    %select_n3A_326 = arith.select %eq3A_323, %iota3A, %broadcast_in_dim3A_325 : vector<1024x1024xi1>, vector<1024x1024xi32>
    %reduce_min3A_327 = arith.constant dense<2147483647> : vector<1024xi32>
    %reduce_min3A_328 = vector.multi_reduction <minsi>, %select_n3A_326, %reduce_min3A_327 [1] : vector<1024x1024xi32> to vector<1024xi32>
    %eq3A_329 = arith.constant 13 : i32
    %eq3A_330 = vector.broadcast %eq3A_329 : i32 to vector<1024x16xi32>
    %eq3A_331 = arith.cmpi eq, %iota3A_21, %eq3A_330 : vector<1024x16xi32>
    %broadcast_in_dim3A_332 = vector.shape_cast %reduce_min3A_328 : vector<1024xi32> to vector<1024x1xi32>
    %broadcast_in_dim3A_333 = vector.shape_cast %broadcast_in_dim3A_332 : vector<1024x1xi32> to vector<1024x1xi32>
    %broadcast_in_dim3A_334 = vector.broadcast %broadcast_in_dim3A_333 : vector<1024x1xi32> to vector<1024x16xi32>
    %select_n3A_335 = arith.select %eq3A_331, %broadcast_in_dim3A_334, %select_n3A_312 : vector<1024x16xi1>, vector<1024x16xi32>
    %broadcast_in_dim3A_336 = vector.shape_cast %reduce_min3A_328 : vector<1024xi32> to vector<1024x1xi32>
    %eq3A_337 = vector.broadcast %broadcast_in_dim3A_336 : vector<1024x1xi32> to vector<1024x1024xi32>
    %eq3A_338 = arith.cmpi eq, %iota3A, %eq3A_337 : vector<1024x1024xi32>
    %jit3A_339 = arith.constant 0x7F800000 : f32
    %broadcast_in_dim3A_340 = vector.broadcast %jit3A_339 : f32 to vector<1024x1024xf32>
    %select_n3A_341 = arith.select %eq3A_338, %broadcast_in_dim3A_340, %select_n3A_318 : vector<1024x1024xi1>, vector<1024x1024xf32>
    %reduce_min3A_342 = arith.constant dense<0x7F800000> : vector<1024xf32>
    %reduce_min3A_343 = vector.multi_reduction <minimumf>, %select_n3A_341, %reduce_min3A_342 [1] : vector<1024x1024xf32> to vector<1024xf32>
    %broadcast_in_dim3A_344 = vector.shape_cast %reduce_min3A_343 : vector<1024xf32> to vector<1024x1xf32>
    %eq3A_345 = vector.broadcast %broadcast_in_dim3A_344 : vector<1024x1xf32> to vector<1024x1024xf32>
    %eq3A_346 = arith.cmpf oeq, %select_n3A_341, %eq3A_345 : vector<1024x1024xf32>
    %jit3A_347 = arith.constant 1024 : i32
    %broadcast_in_dim3A_348 = vector.broadcast %jit3A_347 : i32 to vector<1024x1024xi32>
    %select_n3A_349 = arith.select %eq3A_346, %iota3A, %broadcast_in_dim3A_348 : vector<1024x1024xi1>, vector<1024x1024xi32>
    %reduce_min3A_350 = arith.constant dense<2147483647> : vector<1024xi32>
    %reduce_min3A_351 = vector.multi_reduction <minsi>, %select_n3A_349, %reduce_min3A_350 [1] : vector<1024x1024xi32> to vector<1024xi32>
    %eq3A_352 = arith.constant 14 : i32
    %eq3A_353 = vector.broadcast %eq3A_352 : i32 to vector<1024x16xi32>
    %eq3A_354 = arith.cmpi eq, %iota3A_21, %eq3A_353 : vector<1024x16xi32>
    %broadcast_in_dim3A_355 = vector.shape_cast %reduce_min3A_351 : vector<1024xi32> to vector<1024x1xi32>
    %broadcast_in_dim3A_356 = vector.shape_cast %broadcast_in_dim3A_355 : vector<1024x1xi32> to vector<1024x1xi32>
    %broadcast_in_dim3A_357 = vector.broadcast %broadcast_in_dim3A_356 : vector<1024x1xi32> to vector<1024x16xi32>
    %select_n3A_358 = arith.select %eq3A_354, %broadcast_in_dim3A_357, %select_n3A_335 : vector<1024x16xi1>, vector<1024x16xi32>
    %broadcast_in_dim3A_359 = vector.shape_cast %reduce_min3A_351 : vector<1024xi32> to vector<1024x1xi32>
    %eq3A_360 = vector.broadcast %broadcast_in_dim3A_359 : vector<1024x1xi32> to vector<1024x1024xi32>
    %eq3A_361 = arith.cmpi eq, %iota3A, %eq3A_360 : vector<1024x1024xi32>
    %jit3A_362 = arith.constant 0x7F800000 : f32
    %broadcast_in_dim3A_363 = vector.broadcast %jit3A_362 : f32 to vector<1024x1024xf32>
    %select_n3A_364 = arith.select %eq3A_361, %broadcast_in_dim3A_363, %select_n3A_341 : vector<1024x1024xi1>, vector<1024x1024xf32>
    %reduce_min3A_365 = arith.constant dense<0x7F800000> : vector<1024xf32>
    %reduce_min3A_366 = vector.multi_reduction <minimumf>, %select_n3A_364, %reduce_min3A_365 [1] : vector<1024x1024xf32> to vector<1024xf32>
    %broadcast_in_dim3A_367 = vector.shape_cast %reduce_min3A_366 : vector<1024xf32> to vector<1024x1xf32>
    %eq3A_368 = vector.broadcast %broadcast_in_dim3A_367 : vector<1024x1xf32> to vector<1024x1024xf32>
    %eq3A_369 = arith.cmpf oeq, %select_n3A_364, %eq3A_368 : vector<1024x1024xf32>
    %jit3A_370 = arith.constant 1024 : i32
    %broadcast_in_dim3A_371 = vector.broadcast %jit3A_370 : i32 to vector<1024x1024xi32>
    %select_n3A_372 = arith.select %eq3A_369, %iota3A, %broadcast_in_dim3A_371 : vector<1024x1024xi1>, vector<1024x1024xi32>
    %reduce_min3A_373 = arith.constant dense<2147483647> : vector<1024xi32>
    %reduce_min3A_374 = vector.multi_reduction <minsi>, %select_n3A_372, %reduce_min3A_373 [1] : vector<1024x1024xi32> to vector<1024xi32>
    %eq3A_375 = arith.constant 15 : i32
    %eq3A_376 = vector.broadcast %eq3A_375 : i32 to vector<1024x16xi32>
    %eq3A_377 = arith.cmpi eq, %iota3A_21, %eq3A_376 : vector<1024x16xi32>
    %broadcast_in_dim3A_378 = vector.shape_cast %reduce_min3A_374 : vector<1024xi32> to vector<1024x1xi32>
    %broadcast_in_dim3A_379 = vector.shape_cast %broadcast_in_dim3A_378 : vector<1024x1xi32> to vector<1024x1xi32>
    %broadcast_in_dim3A_380 = vector.broadcast %broadcast_in_dim3A_379 : vector<1024x1xi32> to vector<1024x16xi32>
    %select_n3A_381 = arith.select %eq3A_377, %broadcast_in_dim3A_380, %select_n3A_358 : vector<1024x16xi1>, vector<1024x16xi32>
    %mul3A_382 = arith.constant 1024 : i32
    %mul3A_383 = arith.muli %arg0, %mul3A_382 : i32
    %add3A_384 = vector.broadcast %mul3A_383 : i32 to vector<1024x16xi32>
    %add3A_385 = arith.addi %select_n3A_381, %add3A_384 : vector<1024x16xi32>
    %swap3A = arith.constant 0 : index
    %swap3A_386 = arith.constant 0 : index
    %swap3A_387 = arith.constant 0 : index
    %swap3A_388 = vector.load %arg3[%swap3A, %swap3A_386, %swap3A_387] : memref<1x1024x16xi32, #tpu.memory_space<vmem>>, vector<1x1024x16xi32>
    %swap3A_389 = vector.shape_cast %swap3A_388 : vector<1x1024x16xi32> to vector<1024x16xi32>
    %swap3A_390 = vector.shape_cast %add3A_385 : vector<1024x16xi32> to vector<1x1024x16xi32>
    tpu.vector_store %arg3[%swap3A, %swap3A_386, %swap3A_387], %swap3A_390 {strides = array<i32>} : memref<1x1024x16xi32, #tpu.memory_space<vmem>>, vector<1x1024x16xi32>,
    return
  }
  func.func @transform_0(%arg0: i32) -> (i32, i32, i32) {
    %c0_i32 = arith.constant 0 : i32
    %c0_i32_0 = arith.constant 0 : i32
    %c0_i32_1 = arith.constant 0 : i32
    return %arg0, %c0_i32, %c0_i32_0 : i32, i32, i32
  }
  func.func @transform_1(%arg0: i32) -> (i32, i32, i32) {
    %c0_i32 = arith.constant 0 : i32
    %c0_i32_0 = arith.constant 0 : i32
    %c0_i32_1 = arith.constant 0 : i32
    return %arg0, %c0_i32, %c0_i32_0 : i32, i32, i32
  }
  func.func @transform_2(%arg0: i32) -> (i32, i32, i32) {
    %c0_i32 = arith.constant 0 : i32
    %c0_i32_0 = arith.constant 0 : i32
    %c0_i32_1 = arith.constant 0 : i32
    return %arg0, %c0_i32, %c0_i32_0 : i32, i32, i32
  }
}

module attributes {stable_mosaic.version = 14 : i64} {
  func.func @_dense_body(%arg0: i32, %arg1: memref<256x256xf32, #tpu.memory_space<vmem>>, %arg2: memref<4096x384xf32, #tpu.memory_space<vmem>>, %arg3: memref<256x16xf32, #tpu.memory_space<vmem>>, %arg4: memref<256x256xbf16, #tpu.memory_space<vmem>>, %arg5: memref<256x256xbf16, #tpu.memory_space<vmem>>, %arg6: memref<256x256xbf16, #tpu.memory_space<vmem>>, %arg7: memref<16x16xbf16, #tpu.memory_space<vmem>>, %arg8: memref<16x256xbf16, #tpu.memory_space<vmem>>, %arg9: memref<256x256xbf16, #tpu.memory_space<vmem>>, %arg10: memref<256x1024xbf16, #tpu.memory_space<vmem>>, %arg11: memref<1024x256xbf16, #tpu.memory_space<vmem>>, %arg12: memref<256x256xf32, #tpu.memory_space<vmem>>) attributes {dimension_semantics = [#tpu.dimension_semantics<arbitrary>], iteration_bounds = array<i64: 8>, scalar_prefetch = 0 : i64, scratch_operands = 0 : i64, tpu.core_type = #tpu.core_type<tc>, window_params = [{transform_indices = @transform_0, window_bounds = array<i64: 256, 256>}, {transform_indices = @transform_1, window_bounds = array<i64: 4096, 384>}, {transform_indices = @transform_2, window_bounds = array<i64: 256, 16>}, {pipeline_mode = #tpu.pipeline_mode<synchronous>, transform_indices = @transform_3, window_bounds = array<i64: 256, 256>}, {pipeline_mode = #tpu.pipeline_mode<synchronous>, transform_indices = @transform_4, window_bounds = array<i64: 256, 256>}, {pipeline_mode = #tpu.pipeline_mode<synchronous>, transform_indices = @transform_5, window_bounds = array<i64: 256, 256>}, {pipeline_mode = #tpu.pipeline_mode<synchronous>, transform_indices = @transform_6, window_bounds = array<i64: 16, 16>}, {pipeline_mode = #tpu.pipeline_mode<synchronous>, transform_indices = @transform_7, window_bounds = array<i64: 16, 256>}, {pipeline_mode = #tpu.pipeline_mode<synchronous>, transform_indices = @transform_8, window_bounds = array<i64: 256, 256>}, {pipeline_mode = #tpu.pipeline_mode<synchronous>, transform_indices = @transform_9, window_bounds = array<i64: 256, 1024>}, {pipeline_mode = #tpu.pipeline_mode<synchronous>, transform_indices = @transform_10, window_bounds = array<i64: 1024, 256>}, {transform_indices = @transform_11, window_bounds = array<i64: 256, 256>}]} {
    %get3A = arith.constant 0 : index
    %get3A_0 = arith.constant 0 : index
    %get3A_1 = vector.load %arg3[%get3A, %get3A_0] : memref<256x16xf32, #tpu.memory_space<vmem>>, vector<256x16xf32>
    %get3A_2 = arith.constant 0 : index
    %get3A_3 = arith.constant 256 : index
    %get3A_4 = vector.load %arg2[%get3A_2, %get3A_3] : memref<4096x384xf32, #tpu.memory_space<vmem>>, vector<4096x16xf32>
    %broadcast_in_dim3A = vector.shape_cast %get3A_1 : vector<256x16xf32> to vector<256x1x16xf32>
    %broadcast_in_dim3A_5 = vector.shape_cast %broadcast_in_dim3A : vector<256x1x16xf32> to vector<256x1x16xf32>
    %broadcast_in_dim3A_6 = vector.broadcast %broadcast_in_dim3A_5 : vector<256x1x16xf32> to vector<256x16x16xf32>
    %reshape3A = vector.shape_cast %broadcast_in_dim3A_6 : vector<256x16x16xf32> to vector<4096x16xf32>
    %sub3A = arith.subf %reshape3A, %get3A_4 : vector<4096x16xf32>
    %convert_element_type3A = arith.truncf %sub3A : vector<4096x16xf32> to vector<4096x16xbf16>
    %get3A_7 = arith.constant 0 : index
    %get3A_8 = arith.constant 0 : index
    %get3A_9 = vector.load %arg7[%get3A_7, %get3A_8] : memref<16x16xbf16, #tpu.memory_space<vmem>>, vector<16x16xbf16>
    %dot_general3A = arith.constant dense<0.000000e+00> : vector<4096x16xf32>
    %dot_general3A_10 = tpu.matmul %convert_element_type3A, %get3A_9, %dot_general3A {dimension_numbers = #tpu.dot_dimension_numbers<[1], [0], [0], [1], [0, 0, 1, 1], [], []>, transpose_lhs_hint = false} : vector<4096x16xbf16>, vector<16x16xbf16>, vector<4096x16xf32> -> vector<4096x16xf32>
    %convert_element_type3A_11 = arith.truncf %dot_general3A_10 : vector<4096x16xf32> to vector<4096x16xbf16>
    %get3A_12 = arith.constant 0 : index
    %get3A_13 = arith.constant 0 : index
    %get3A_14 = vector.load %arg8[%get3A_12, %get3A_13] : memref<16x256xbf16, #tpu.memory_space<vmem>>, vector<16x256xbf16>
    %dot_general3A_15 = arith.constant dense<0.000000e+00> : vector<4096x256xf32>
    %dot_general3A_16 = tpu.matmul %convert_element_type3A_11, %get3A_14, %dot_general3A_15 {dimension_numbers = #tpu.dot_dimension_numbers<[1], [0], [0], [1], [0, 0, 1, 1], [], []>, transpose_lhs_hint = false} : vector<4096x16xbf16>, vector<16x256xbf16>, vector<4096x256xf32> -> vector<4096x256xf32>
    %max3A = arith.constant 0.000000e+00 : f32
    %max3A_17 = vector.broadcast %max3A : f32 to vector<4096x256xf32>
    %max3A_18 = arith.maximumf %dot_general3A_16, %max3A_17 : vector<4096x256xf32>
    %convert_element_type3A_19 = arith.truncf %max3A_18 : vector<4096x256xf32> to vector<4096x256xbf16>
    %get3A_20 = arith.constant 0 : index
    %get3A_21 = arith.constant 0 : index
    %get3A_22 = vector.load %arg9[%get3A_20, %get3A_21] : memref<256x256xbf16, #tpu.memory_space<vmem>>, vector<256x256xbf16>
    %dot_general3A_23 = arith.constant dense<0.000000e+00> : vector<4096x256xf32>
    %dot_general3A_24 = tpu.matmul %convert_element_type3A_19, %get3A_22, %dot_general3A_23 {dimension_numbers = #tpu.dot_dimension_numbers<[1], [0], [0], [1], [0, 0, 1, 1], [], []>, transpose_lhs_hint = false} : vector<4096x256xbf16>, vector<256x256xbf16>, vector<4096x256xf32> -> vector<4096x256xf32>
    %get3A_25 = arith.constant 0 : index
    %get3A_26 = arith.constant 0 : index
    %get3A_27 = vector.load %arg2[%get3A_25, %get3A_26] : memref<4096x384xf32, #tpu.memory_space<vmem>>, vector<4096x256xf32>
    %convert_element_type3A_28 = arith.truncf %get3A_27 : vector<4096x256xf32> to vector<4096x256xbf16>
    %get3A_29 = arith.constant 0 : index
    %get3A_30 = arith.constant 0 : index
    %get3A_31 = vector.load %arg5[%get3A_29, %get3A_30] : memref<256x256xbf16, #tpu.memory_space<vmem>>, vector<256x256xbf16>
    %dot_general3A_32 = arith.constant dense<0.000000e+00> : vector<4096x256xf32>
    %dot_general3A_33 = tpu.matmul %convert_element_type3A_28, %get3A_31, %dot_general3A_32 {dimension_numbers = #tpu.dot_dimension_numbers<[1], [0], [0], [1], [0, 0, 1, 1], [], []>, transpose_lhs_hint = false} : vector<4096x256xbf16>, vector<256x256xbf16>, vector<4096x256xf32> -> vector<4096x256xf32>
    %get3A_34 = arith.constant 0 : index
    %get3A_35 = arith.constant 0 : index
    %get3A_36 = vector.load %arg6[%get3A_34, %get3A_35] : memref<256x256xbf16, #tpu.memory_space<vmem>>, vector<256x256xbf16>
    %dot_general3A_37 = arith.constant dense<0.000000e+00> : vector<4096x256xf32>
    %dot_general3A_38 = tpu.matmul %convert_element_type3A_28, %get3A_36, %dot_general3A_37 {dimension_numbers = #tpu.dot_dimension_numbers<[1], [0], [0], [1], [0, 0, 1, 1], [], []>, transpose_lhs_hint = false} : vector<4096x256xbf16>, vector<256x256xbf16>, vector<4096x256xf32> -> vector<4096x256xf32>
    %get3A_39 = arith.constant 0 : index
    %get3A_40 = arith.constant 0 : index
    %get3A_41 = vector.load %arg1[%get3A_39, %get3A_40] : memref<256x256xf32, #tpu.memory_space<vmem>>, vector<256x256xf32>
    %convert_element_type3A_42 = arith.truncf %get3A_41 : vector<256x256xf32> to vector<256x256xbf16>
    %get3A_43 = arith.constant 0 : index
    %get3A_44 = arith.constant 0 : index
    %get3A_45 = vector.load %arg4[%get3A_43, %get3A_44] : memref<256x256xbf16, #tpu.memory_space<vmem>>, vector<256x256xbf16>
    %dot_general3A_46 = arith.constant dense<0.000000e+00> : vector<256x256xf32>
    %dot_general3A_47 = tpu.matmul %convert_element_type3A_42, %get3A_45, %dot_general3A_46 {dimension_numbers = #tpu.dot_dimension_numbers<[1], [0], [0], [1], [0, 0, 1, 1], [], []>, transpose_lhs_hint = false} : vector<256x256xbf16>, vector<256x256xbf16>, vector<256x256xf32> -> vector<256x256xf32>
    %broadcast_in_dim3A_48 = vector.shape_cast %dot_general3A_47 : vector<256x256xf32> to vector<256x1x256xf32>
    %broadcast_in_dim3A_49 = vector.shape_cast %broadcast_in_dim3A_48 : vector<256x1x256xf32> to vector<256x1x256xf32>
    %broadcast_in_dim3A_50 = vector.broadcast %broadcast_in_dim3A_49 : vector<256x1x256xf32> to vector<256x16x256xf32>
    %reshape3A_51 = vector.shape_cast %broadcast_in_dim3A_50 : vector<256x16x256xf32> to vector<4096x256xf32>
    %sub3A_52 = arith.subf %reshape3A_51, %dot_general3A_33 : vector<4096x256xf32>
    %add3A = arith.addf %sub3A_52, %dot_general3A_24 : vector<4096x256xf32>
    %convert_element_type3A_53 = arith.truncf %add3A : vector<4096x256xf32> to vector<4096x256xbf16>
    %get3A_54 = arith.constant 0 : index
    %get3A_55 = arith.constant 0 : index
    %get3A_56 = vector.load %arg10[%get3A_54, %get3A_55] : memref<256x1024xbf16, #tpu.memory_space<vmem>>, vector<256x1024xbf16>
    %dot_general3A_57 = arith.constant dense<0.000000e+00> : vector<4096x1024xf32>
    %dot_general3A_58 = tpu.matmul %convert_element_type3A_53, %get3A_56, %dot_general3A_57 {dimension_numbers = #tpu.dot_dimension_numbers<[1], [0], [0], [1], [0, 0, 1, 1], [], []>, transpose_lhs_hint = false} : vector<4096x256xbf16>, vector<256x1024xbf16>, vector<4096x1024xf32> -> vector<4096x1024xf32>
    %max3A_59 = arith.constant 0.000000e+00 : f32
    %max3A_60 = vector.broadcast %max3A_59 : f32 to vector<4096x1024xf32>
    %max3A_61 = arith.maximumf %dot_general3A_58, %max3A_60 : vector<4096x1024xf32>
    %convert_element_type3A_62 = arith.truncf %max3A_61 : vector<4096x1024xf32> to vector<4096x1024xbf16>
    %get3A_63 = arith.constant 0 : index
    %get3A_64 = arith.constant 0 : index
    %get3A_65 = vector.load %arg11[%get3A_63, %get3A_64] : memref<1024x256xbf16, #tpu.memory_space<vmem>>, vector<1024x256xbf16>
    %dot_general3A_66 = arith.constant dense<0.000000e+00> : vector<4096x256xf32>
    %dot_general3A_67 = tpu.matmul %convert_element_type3A_62, %get3A_65, %dot_general3A_66 {dimension_numbers = #tpu.dot_dimension_numbers<[1], [0], [0], [1], [0, 0, 1, 1], [], []>, transpose_lhs_hint = false} : vector<4096x1024xbf16>, vector<1024x256xbf16>, vector<4096x256xf32> -> vector<4096x256xf32>
    %reshape3A_68 = vector.shape_cast %dot_general3A_67 : vector<4096x256xf32> to vector<256x16x256xf32>
    %reduce_max3A = arith.constant dense<0xFF800000> : vector<256x256xf32>
    %reduce_max3A_69 = vector.multi_reduction <maximumf>, %reshape3A_68, %reduce_max3A [1] : vector<256x16x256xf32> to vector<256x256xf32>
    %broadcast_in_dim3A_70 = vector.shape_cast %reduce_max3A_69 : vector<256x256xf32> to vector<256x1x256xf32>
    %sub3A_71 = vector.broadcast %broadcast_in_dim3A_70 : vector<256x1x256xf32> to vector<256x16x256xf32>
    %sub3A_72 = arith.subf %reshape3A_68, %sub3A_71 : vector<256x16x256xf32>
    %exp3A = math.exp %sub3A_72 : vector<256x16x256xf32>
    %reduce_sum3A = arith.constant dense<0.000000e+00> : vector<256x256xf32>
    %reduce_sum3A_73 = vector.multi_reduction <add>, %exp3A, %reduce_sum3A [1] : vector<256x16x256xf32> to vector<256x256xf32>
    %broadcast_in_dim3A_74 = vector.shape_cast %reduce_sum3A_73 : vector<256x256xf32> to vector<256x1x256xf32>
    %div3A = vector.broadcast %broadcast_in_dim3A_74 : vector<256x1x256xf32> to vector<256x16x256xf32>
    %div3A_75 = arith.divf %exp3A, %div3A : vector<256x16x256xf32>
    %add3A_76 = arith.addf %dot_general3A_38, %dot_general3A_24 : vector<4096x256xf32>
    %reshape3A_77 = vector.shape_cast %add3A_76 : vector<4096x256xf32> to vector<256x16x256xf32>
    %mul3A = arith.mulf %div3A_75, %reshape3A_77 : vector<256x16x256xf32>
    %reduce_sum3A_78 = arith.constant dense<0.000000e+00> : vector<256x256xf32>
    %reduce_sum3A_79 = vector.multi_reduction <add>, %mul3A, %reduce_sum3A_78 [1] : vector<256x16x256xf32> to vector<256x256xf32>
    %swap3A = arith.constant 0 : index
    %swap3A_80 = arith.constant 0 : index
    %swap3A_81 = vector.load %arg12[%swap3A, %swap3A_80] : memref<256x256xf32, #tpu.memory_space<vmem>>, vector<256x256xf32>
    tpu.vector_store %arg12[%swap3A, %swap3A_80], %reduce_sum3A_79 {strides = array<i32>} : memref<256x256xf32, #tpu.memory_space<vmem>>, vector<256x256xf32>,
    return
  }
  func.func @transform_0(%arg0: i32) -> (i32, i32) {
    %c0_i32 = arith.constant 0 : i32
    %c0_i32_0 = arith.constant 0 : i32
    return %arg0, %c0_i32 : i32, i32
  }
  func.func @transform_1(%arg0: i32) -> (i32, i32) {
    %c0_i32 = arith.constant 0 : i32
    %c0_i32_0 = arith.constant 0 : i32
    return %arg0, %c0_i32 : i32, i32
  }
  func.func @transform_2(%arg0: i32) -> (i32, i32) {
    %c0_i32 = arith.constant 0 : i32
    %c0_i32_0 = arith.constant 0 : i32
    return %arg0, %c0_i32 : i32, i32
  }
  func.func @transform_3(%arg0: i32) -> (i32, i32) {
    %c0_i32 = arith.constant 0 : i32
    %c0_i32_0 = arith.constant 0 : i32
    %c0_i32_1 = arith.constant 0 : i32
    return %c0_i32, %c0_i32_0 : i32, i32
  }
  func.func @transform_4(%arg0: i32) -> (i32, i32) {
    %c0_i32 = arith.constant 0 : i32
    %c0_i32_0 = arith.constant 0 : i32
    %c0_i32_1 = arith.constant 0 : i32
    return %c0_i32, %c0_i32_0 : i32, i32
  }
  func.func @transform_5(%arg0: i32) -> (i32, i32) {
    %c0_i32 = arith.constant 0 : i32
    %c0_i32_0 = arith.constant 0 : i32
    %c0_i32_1 = arith.constant 0 : i32
    return %c0_i32, %c0_i32_0 : i32, i32
  }
  func.func @transform_6(%arg0: i32) -> (i32, i32) {
    %c0_i32 = arith.constant 0 : i32
    %c0_i32_0 = arith.constant 0 : i32
    %c0_i32_1 = arith.constant 0 : i32
    return %c0_i32, %c0_i32_0 : i32, i32
  }
  func.func @transform_7(%arg0: i32) -> (i32, i32) {
    %c0_i32 = arith.constant 0 : i32
    %c0_i32_0 = arith.constant 0 : i32
    %c0_i32_1 = arith.constant 0 : i32
    return %c0_i32, %c0_i32_0 : i32, i32
  }
  func.func @transform_8(%arg0: i32) -> (i32, i32) {
    %c0_i32 = arith.constant 0 : i32
    %c0_i32_0 = arith.constant 0 : i32
    %c0_i32_1 = arith.constant 0 : i32
    return %c0_i32, %c0_i32_0 : i32, i32
  }
  func.func @transform_9(%arg0: i32) -> (i32, i32) {
    %c0_i32 = arith.constant 0 : i32
    %c0_i32_0 = arith.constant 0 : i32
    %c0_i32_1 = arith.constant 0 : i32
    return %c0_i32, %c0_i32_0 : i32, i32
  }
  func.func @transform_10(%arg0: i32) -> (i32, i32) {
    %c0_i32 = arith.constant 0 : i32
    %c0_i32_0 = arith.constant 0 : i32
    %c0_i32_1 = arith.constant 0 : i32
    return %c0_i32, %c0_i32_0 : i32, i32
  }
  func.func @transform_11(%arg0: i32) -> (i32, i32) {
    %c0_i32 = arith.constant 0 : i32
    %c0_i32_0 = arith.constant 0 : i32
    return %arg0, %c0_i32 : i32, i32
  }
}

</mosaic_0001>

<sc_bundles>
// kernel: kernel.5.cloned.1.call-start
scs
__scs_entry_jumppad:
0x0: {  	(pc) =	sbr.rel $0x88, $3  }
0x1: {  	(tag) =	ssettag $0x0;
	lr =	simm.s32 $0x1  }
0x2: {  	[smem:$0x3F99] =	sst lr;
	_ =	strace $0xD0000000  }
0x3: {  	_ = 	snop  }
0x4: {  	_ = 	snop  }
0x5: {  	_ = 	snop  }
0x6: {  	_ = 	snop  }
0x7: {  	_ = 	snop  }
__scs_overlays_trampoline_lowered:
0x8: {  	[smem:$0x3FA8] =	sst s0  }
0x9: {  	[smem:$0x3FA9] =	sst s1  }
0xa: {  	[smem:$0x3FAA] =	sst s2  }
0xb: {  	[smem:$0x3FAB] =	sst s3  }
0xc: {  	[smem:$0x3FAC] =	sst s4  }
0xd: {  	[smem:$0x3FAD] =	sst s5  }
0xe: {  	[smem:$0x3FAE] =	sst s6  }
0xf: {  	[smem:$0x3FAF] =	sst s7  }
0x10: {  	[smem:$0x3FB0] =	sst s8  }
0x11: {  	[smem:$0x3FB1] =	sst s9;
	s0 =	simm.s32 @!p0 $0x0  }
0x12: {  	s1 =	sld [smem:$0x3F97];
	s0 =	simm.s32 @p0 $0x1  }
0x13: {  	[smem:$0x3FB2] =	sst s0;
	s0 =	simm.s32 @!p1 $0x0  }
0x14: {  	s2 =	sld [smem:$0x3F96];
	s0 =	simm.s32 @p1 $0x1  }
0x15: {  	[smem:$0x3FB3] =	sst s0;
	s0 =	simm.s32 @!p2 $0x0  }
0x16: {  	s3 =	sld [smem:$0x3FDB];
	s0 =	simm.s32 @p2 $0x1  }
0x17: {  	s4 =	simm.s32 $0x1BF5;
	[smem:$0x3FB5] =	sst s0  }
0x18: {  	s0 =	sld [smem:$0x3F98];
	_ =	swait.ge [sflag:s4], $0x0  }
0x19: {  	s7 =	sld [smem:$0x3F99]  }
0x1a: {  	s8 =	sadd.s32 $0xFFFFE003, lr  }
0x1b: {  	s9 =	sadd.s32 $0xFFFFFEF7, lr;
	s5 =	simm.s32 $0xFFFFFFFF;
	p2 =	slt.u32 s8, $0xFFFFF086  }
0x1c: {  	p1 =	slt.u32 s9, $0xF7A;
	s5 =	simm.s32 @!p2 $0x0  }
0x1d: {  	s5 =	simm.s32 @p1 $0x1;
	p0 =	seq.s32 s7, s2  }
0x1e: {  	s7 =	smul.u32 @!p0 $0xF7A, s2;
	p2 =	seq.s32 @!p0 s5, $0x0  }
0x1f: {  	s9 =	smul.u32 $0xF7A, s1;
	s8 =	simm.s32 @!p0 $0x1BF5;
	p2 =	por !p2, p0  }
0x20: {  	[sflag:s8] =	ssyncset.s32 @!p0 $0xFFFFF086;
	s6 =	sadd.s32 @!p0 s3, s7;
	s7 =	simm.s32 @!p0 $0x108  }
0x21: {  	s3 =	sadd.s32 s3, s9;
	s6 =	sadd.s32 @!p0 $0x88, s6;
	s7 =	simm.s32 @p2 $0x1082  }
0x22: {  	[simem:s7], [sflag:s8] =	dma.local @!p0 [hbm:s6], $0xF7A  }
0x23: {  	s9 =	sor.u32 $0xD0000000, s2;
	s6 =	simm.s32 $0x108;
	_ =	swait.ge @!p0 [sflag:s8], $0x0  }
0x24: {  	s3 =	sadd.s32 $0x88, s3;
	s6 =	simm.s32 @!p1 $0x1082;
	[sflag:s4] =	ssyncset.s32 $0xFFFFF086  }
0x25: {  	[simem:s6], [sflag:s4] =	dma.local [hbm:s3], $0xF7A  }
0x26: {  	[smem:$0x3F99] =	sst s1;
	(tag) =	ssettag s2;
	_ =	strace s9  }
0x27: {  	s1 =	sld [smem:$0x3FA9]  }
0x28: {  	s2 =	sld [smem:$0x3FAA]  }
0x29: {  	s4 =	sld [smem:$0x3FAC]  }
0x2a: {  	p0 =	seq.s32 s5, $0x0;
	s5 =	sld [smem:$0x3FAD]  }
0x2b: {  	s6 =	sld [smem:$0x3FAE]  }
0x2c: {  	s7 =	sld [smem:$0x3FAF]  }
0x2d: {  	s3 =	simm.s32 $0x108;
	s8 =	sld [smem:$0x3FB0]  }
0x2e: {  	s3 =	simm.s32 @!p0 $0x1082;
	s9 =	sld [smem:$0x3FB1]  }
0x2f: {  	lr =	sadd.s32 s0, s3;
	s0 =	sld [smem:$0x3FA8]  }
0x30: {  	s3 =	sld [smem:$0x3FAB]  }
0x31: {  	[smem:$0x3FB4] =	sst s10  }
0x32: {  	s10 =	sld [smem:$0x3FB2];
	_ =	sdelay $0x3  }
0x33: {  	p0 =	seq.s32 s10, $0x1;
	s10 =	sld [smem:$0x3FB4];
	_ =	sdelay $0x3  }
0x34: {  	[smem:$0x3FB4] =	sst s10  }
0x35: {  	s10 =	sld [smem:$0x3FB3];
	_ =	sdelay $0x3  }
0x36: {  	p1 =	seq.s32 s10, $0x1;
	s10 =	sld [smem:$0x3FB4];
	_ =	sdelay $0x3  }
0x37: {  	[smem:$0x3FB4] =	sst s10  }
0x38: {  	s10 =	sld [smem:$0x3FB5]  }
0x39: {  	_ = 	snop;
	(pc) =	sbr.ind lr, $3  }
0x3a: {  	_ = 	snop  }
0x3b: {  	_ = 	snop  }
0x3c: {  	p2 =	seq.s32 s10, $0x1;
	s10 =	sld [smem:$0x3FB4]  }
0x3d: {  	_ =	shalt  }
0x3e: {  	_ =	shalt  }
0x3f: {  	_ =	shalt  }
0x40: {  	_ =	shalt  }
0x41: {  	_ =	shalt  }
0x42: {  	_ =	shalt  }
0x43: {  	_ =	shalt  }
0x44: {  	_ =	shalt  }
0x45: {  	_ =	shalt  }
0x46: {  	_ =	shalt  }
0x47: {  	_ =	shalt  }
0x48: {  	_ =	shalt  }
0x49: {  	_ =	shalt  }
0x4a: {  	_ =	shalt  }
0x4b: {  	_ =	shalt  }
0x4c: {  	_ =	shalt  }
0x4d: {  	_ =	shalt  }
0x4e: {  	_ =	shalt  }
0x4f: {  	_ =	shalt  }
0x50: {  	_ =	shalt  }
0x51: {  	_ =	shalt  }
0x52: {  	_ =	shalt  }
0x53: {  	_ =	shalt  }
0x54: {  	_ =	shalt  }
0x55: {  	_ =	shalt  }
0x56: {  	_ =	shalt  }
0x57: {  	_ =	shalt  }
0x58: {  	_ =	shalt  }
0x59: {  	_ =	shalt  }
0x5a: {  	_ =	shalt  }
0x5b: {  	_ =	shalt  }
0x5c: {  	_ =	shalt  }
0x5d: {  	_ =	shalt  }
0x5e: {  	_ =	shalt  }
0x5f: {  	_ =	shalt  }
0x60: {  	_ =	shalt  }
0x61: {  	_ =	shalt  }
0x62: {  	_ =	shalt  }
0x63: {  	_ =	shalt  }
0x64: {  	_ =	shalt  }
0x65: {  	_ =	shalt  }
0x66: {  	_ =	shalt  }
0x67: {  	_ =	shalt  }
0x68: {  	_ =	shalt  }
0x69: {  	_ =	shalt  }
0x6a: {  	_ =	shalt  }
0x6b: {  	_ =	shalt  }
0x6c: {  	_ =	shalt  }
0x6d: {  	_ =	shalt  }
0x6e: {  	_ =	shalt  }
0x6f: {  	_ =	shalt  }
0x70: {  	_ =	shalt  }
0x71: {  	_ =	shalt  }
0x72: {  	_ =	shalt  }
0x73: {  	_ =	shalt  }
0x74: {  	_ =	shalt  }
0x75: {  	_ =	shalt  }
0x76: {  	_ =	shalt  }
0x77: {  	_ =	shalt  }
0x78: {  	_ =	shalt  }
0x79: {  	_ =	shalt  }
0x7a: {  	_ =	shalt  }
0x7b: {  	_ =	shalt  }
0x7c: {  	_ =	shalt  }
0x7d: {  	_ =	shalt  }
0x7e: {  	_ =	shalt  }
0x7f: {  	_ =	shalt  }
0x80: {  	_ =	shalt  }
0x81: {  	_ =	shalt  }
0x82: {  	_ =	shalt  }
0x83: {  	_ =	shalt  }
0x84: {  	_ =	shalt  }
0x85: {  	_ =	shalt  }
0x86: {  	_ =	shalt  }
0x87: {  	_ =	shalt  }
.Lfunc_end0:
.L_simem_size_0:
called_computation_lowered:
.L_overlay_start_0:
0x88: {  	s2 =	sld [smem:$0x3FD9]  }
0x89: {  	s3 =	sld [smem:$0x3FFE];
	_ =	sdelay $0x1  }
0x8a: {  	s1 =	srdreg.scid  }
0x8b: {  	s0 =	sand.u32 $0x1, s1  }
0x8c: {  	s17 =	sshll.u32 s0, $0xA;
	s2 =	sadd.s32 s3, s2  }
0x8d: {  	s2 =	sadd.s32 s2, s17  }
0x8e: {  	[smem:$0x3FC0] =	sst s2  }
0x8f: {  	_ = 	snop  }
0x90: {  	s2 =	sld [smem:$0x3FD0];
	(tm) =	ssettm $0x1  }
0x91: {  	s18 =	sld [smem:$0x3FFB];
	_ =	sdelay $0x3  }
0x92: {  	_ =	strace s18  }
0x93: {  	s3 =	sld [smem:$0x3FFC];
	_ =	sdelay $0x3  }
0x94: {  	_ =	strace s3  }
0x95: {  	s3 =	sld [smem:$0x3FFD];
	_ =	sdelay $0x3  }
0x96: {  	_ =	strace s3  }
0x97: {  	_ =	strace $0x8FFFFFFF  }
0x98: {  	s19 =	sld [smem:$0x3FDB];
	_ =	sdelay $0x1  }
0x99: {  	s4 =	simm.s32 $_scs_section_size  }
0x9a: {  	s5 =	simm.s32 $_size__tile_overlayer_lowered;
	s6 =	simm.s32 $_tile_overlayer_lowered  }
0x9b: {  	s22 =	simm.s32 $0x1BFF;
	s21 =	sshll.u32 s6, $0x1;
	s3 =	sadd.s32 s4, s19  }
0x9c: {  	s7 =	simm.s32 $0x0;
	s20 =	sshll.u32 s5, $0x1;
	s5 =	sadd.s32 s21, s3  }
0x9d: {  	[timem:s7], [sflag:s22] =	dma.local [hbm:s5], s20  }
0x9e: {  	_ =	swait.ge [sflag:s22], s20  }
0x9f: {  	s4 =	ssub.s32 $0x0, s20;
	[sflag:s22] =	ssyncset.done $0x0  }
0xa0: {  	[sflag:s22] =	ssyncadd.s32 s4;
	_ =	sdelay $0x1  }
0xa1: {  	s23 =	simm.s32 $0x1B8B  }
0xa2: {  	_ =	swait.ge [sflag:s23], $0x1  }
0xa3: {  	[sflag:s23] =	ssyncset.done $0x0  }
0xa4: {  	s25 =	simm.s32 $0x1B8E;
	s24 =	sld [smem:$0x3FFE];
	[sflag:s23] =	ssyncadd.s32 $0xFFFFFFFF  }
0xa5: {  	s26 =	simm.s32 $execute0_lowered;
	[smem:$0x3FD2] =	sst s25  }
0xa6: {  	s5 =	sshll.u32 s26, $0x1;
	_ =	strace $0x80000046;
	[dreg:$0x1] =	wrdreg $0xFFFFFFFF  }
0xa7: {  	s28 =	simm.s32 $_size_execute0_lowered;
	s3 =	sadd.s32 s3, s5;
	[dreg:$0x0] =	wrdreg $0x0  }
0xa8: {  	s5 =	sshll.u32 s28, $0x1;
	[dreg:$0x2] =	wrdreg s3  }
0xa9: {  	[dreg:$0x3] =	wrdreg s5  }
0xaa: {  	[dreg:$0x4] =	wrdreg $0xC0  }
0xab: {  	_ =	task [dreg:s7], $0x5FFFF  }
0xac: {  	[dreg:$0x1] =	wrdreg $0xFFFFFFFF  }
0xad: {  	[dreg:$0x0] =	wrdreg $0x60  }
0xae: {  	[dreg:$0x2] =	wrdreg s24  }
0xaf: {  	[dreg:$0x3] =	wrdreg s2  }
0xb0: {  	[dreg:$0x4] =	wrdreg $0x9  }
0xb1: {  	_ =	task.clear_ibuf [dreg:s7], $0x5FFFF;
	_ =	strace $0x90000046  }
0xb2: {  	s29 =	simm.s32 $0x9;
	_ =	strace $0x80000048  }
0xb3: {  	_ =	swait.ge [sflag:s29], $0x1  }
0xb4: {  	[sflag:s29] =	ssyncadd.s32 $0xFFFFFFFF  }
0xb5: {  	_ =	strace $0x90000048  }
0xb6: {  	_ =	sfence  }
0xb7: {  	s30 =	sld [smem:$0x0];
	_ =	sdelay $0x2  }
0xb8: {  	s31 =	sshll.u32 s1, $0xD;
	s1 =	sshrl.u32 s1, $0x2  }
0xb9: {  	s3 =	sand.u32 $0x4000, s31;
	s1 =	sadd.s32 s1, s30  }
0xba: {  	s0 =	sor.u32 s3, s0;
	s1 =	sshll.u32 s1, $0x11  }
0xbb: {  	s0 =	sor.u32 s1, s0  }
0xbc: {  	s0 =	sadd.s32 $0x8F2B, s0  }
0xbd: {  	[sflag:s0] =	ssyncadd.remote.s32 $0x1  }
0xbe: {  	_ =	sfence.sel $0xFFFF  }
0xbf: {  	[dreg:$0x0] =	wrdreg $0xFFFFFFFF;
	(pc) =	sbr.abs _section_cstart, $3  }
0xc0: {  	[dreg:$0x1] =	wrdreg $0xFFFFFFFF  }
0xc1: {  	_ =	task.clear_ibuf [dreg:s7], $0x2FFFF;
	_ =	strace $0x9FFFFFFF  }
0xc2: {  	(tm) =	ssettm $0x7FFFFFFF  }
0xc3: {  	_ =	shalt  }
tec
execute0_lowered:
.L_overlay_start_1:
0x0: {  	(tag) =	ssettag $0x1  }
0x1: {  	s1 =	rddreg [dreg:$0x0]  }
0x2: {  	s0 =	rddreg [dreg:$0x1];
	s2 =	srdreg.scid  }
0x3: {  	s3 =	simm.s32 $0x0;
	s4 =	stileid.u32;
	s2 =	sand.u32 $0x1, s2  }
0x4: {  	[smem:$0x7FF] =	sst s3;
	s4 =	sshll.u32 s4, $0x8;
	s5 =	sshll.u32 s2, $0x7  }
0x5: {  	s8 =	sadd.s32 $0x18000, s1;
	s2 =	ssub.s32 $0x2, s2;
	s4 =	sor.u32 s5, s4  }
0x6: {  	_ =	strace $0x80000047;
	s9 =	sshrl.u32 s2, $0x1;
	s5 =	sadd.s32 s0, s4  }
0x7: {  	s6 =	sor.u32 $0x10, s4;
	s7 =	smul.u32 $0x180, s4;
	s12 =	sor.u32 $0x20, s4  }
0x8: {  	s15 =	sor.u32 $0x30, s4;
	s18 =	sor.u32 $0x40, s4;
	s21 =	sor.u32 $0x50, s4  }
0x9: {  	s24 =	sor.u32 $0x60, s4;
	[dreg:$0x3] =	wrdreg s5;
	s10 =	sadd.s32 s0, s6  }
0xa: {  	s4 =	sor.u32 $0x70, s4;
	s13 =	sadd.s32 s0, s12;
	[dreg:$0x4] =	wrdreg s10  }
0xb: {  	s2 =	ssub.s32 s2, s9;
	s16 =	sadd.s32 s0, s15;
	[dreg:$0x6] =	wrdreg s13  }
0xc: {  	s6 =	smul.u32 $0x180, s6;
	s19 =	sadd.s32 s0, s18;
	[dreg:$0x8] =	wrdreg s16  }
0xd: {  	s22 =	sadd.s32 s0, s21;
	s25 =	sadd.s32 s0, s24;
	[dreg:$0xa] =	wrdreg s19  }
0xe: {  	s28 =	smul.u32 $0x180, s24;
	s0 =	sadd.s32 s0, s4;
	[dreg:$0xc] =	wrdreg s22  }
0xf: {  	s29 =	smul.u32 $0x180, s4;
	s4 =	sadd.s32 $0x100, s1;
	[dreg:$0xe] =	wrdreg s25  }
0x10: {  	s5 =	smax.u32 s2, $0x1;
	s11 =	sadd.s32 s8, s7;
	[dreg:$0x10] =	wrdreg s0  }
0x11: {  	s24 =	simm.s32 $0x3;
	[dreg:$0x5] =	wrdreg s11;
	s14 =	sadd.s32 s8, s6  }
0x12: {  	s7 =	smul.u32 $0x180, s12;
	s30 =	sadd.s32 s8, s28;
	[dreg:$0x7] =	wrdreg s14  }
0x13: {  	s6 =	smul.u32 $0x180, s15;
	s31 =	sadd.s32 s8, s29;
	[dreg:$0x11] =	wrdreg s30  }
0x14: {  	s17 =	sadd.s32 s8, s7;
	s7 =	smul.u32 $0x180, s18;
	[dreg:$0x12] =	wrdreg s31  }
0x15: {  	[dreg:$0x9] =	wrdreg s17;
	s20 =	sadd.s32 s8, s6;
	s6 =	smul.u32 $0x180, s21  }
0x16: {  	v2 =	vlaneseq.u32;
	s25 =	simm.s32 $0x2;
	[dreg:$0xb] =	wrdreg s20;
	s23 =	sadd.s32 s8, s7  }
0x17: {  	vm0 =	vmmov $0xffff;
	vm1 =	vmmov $0xff;
	v1 =	vshrl.u32 v2, $0x3;
	[dreg:$0xd] =	wrdreg s23;
	s26 =	sadd.s32 s8, s6;
	s6 =	simm.s32 $0x5  }
0x18: {  	v0 =	vand.u32 $0x7, v2;
	v2 =	vor.u32 $0x8, v2;
	v1 =	vmul.u32 $0x8, v1;
	s23 =	simm.s32 $0x1;
	[dreg:$0xf] =	wrdreg s26;
	s26 =	simm.s32 $0x4  }
.LBB2_1:
0x19: {  	s28 =	rddreg [dreg:$0x3]  }
0x1a: {  	[tilespmem:s3], [sflag:$0x5] =	stream.linear.gather [hbm4b:s28+s3], $0x80, $0x38;
	[tilespmem:$0x18100] =	vst v63  }
0x1b: {  	_ =	swait.ge [sflag:s6], $0x80  }
0x1c: {  	[sflag:s6] =	ssyncset.done $0x0  }
0x1d: {  	[sflag:s6] =	ssyncadd.s32 $0xFFFFFF80  }
0x1e: {  	v3 =	vld [tilespmem:$0x0];
	_ =	sdelay $0x4  }
0x1f: {  	v4 =	vshrl.u32 v3, $0x3  }
0x20: {  	v4 =	vmul.u32 $0x18, v4  }
0x21: {  	v3 =	vand.u32 $0x7, v3  }
0x22: {  	v3 =	vor.u32 v3, v4  }
0x23: {  	v4 =	vperm.xlane v3, v0;
	_ =	sdelay $0x1  }
0x24: {  	v4 =	vadd.s32 v1, v4;
	_ =	sdelay $0x1  }
0x25: {  	v3 =	vperm.xlane v3, v2;
	_ =	sdelay $0x1  }
0x26: {  	s0 =	simm.s32 $0x100;
	v3 =	vadd.s32 v1, v3  }
0x27: {  	[tilespmem:s0], [sflag:$0x1] =	stream.indirect_vreg.gather [hbm4b:s1+s3], $0x80, v4, vm0, $0xb8;
	[tilespmem:$0x18100] =	vst v63  }
0x28: {  	s19 =	simm.s32 $0x900  }
0x29: {  	[tilespmem:s19], [sflag:$0x1] =	stream.indirect_vreg.gather [hbm4b:s4+s3], $0x80, v4, vm1, $0xb8;
	[tilespmem:$0x18100] =	vst v63  }
0x2a: {  	s20 =	simm.s32 $0xD00  }
0x2b: {  	[tilespmem:s20], [sflag:$0x1] =	stream.indirect_vreg.gather [hbm4b:s1+s3], $0x80, v3, vm0, $0xb8;
	[tilespmem:$0x18100] =	vst v63  }
0x2c: {  	s21 =	simm.s32 $0x1500  }
0x2d: {  	[tilespmem:s21], [sflag:$0x1] =	stream.indirect_vreg.gather [hbm4b:s4+s3], $0x80, v3, vm1, $0xb8;
	[tilespmem:$0x18100] =	vst v63  }
0x2e: {  	v3 =	vld [tilespmem:$0x10];
	_ =	sdelay $0x4  }
0x2f: {  	v57 =	vshrl.u32 v3, $0x3  }
0x30: {  	v4 =	vmul.u32 $0x18, v57  }
0x31: {  	v3 =	vand.u32 $0x7, v3  }
0x32: {  	v3 =	vor.u32 v3, v4  }
0x33: {  	v4 =	vperm.xlane v3, v0;
	_ =	sdelay $0x1  }
0x34: {  	v4 =	vadd.s32 v1, v4;
	_ =	sdelay $0x1  }
0x35: {  	v3 =	vperm.xlane v3, v2;
	_ =	sdelay $0x1  }
0x36: {  	s22 =	simm.s32 $0x1900;
	v3 =	vadd.s32 v1, v3  }
0x37: {  	[tilespmem:s22], [sflag:$0x1] =	stream.indirect_vreg.gather [hbm4b:s1+s3], $0x80, v4, vm0, $0xb8;
	[tilespmem:$0x18100] =	vst v63  }
0x38: {  	s28 =	simm.s32 $0x2100  }
0x39: {  	[tilespmem:s28], [sflag:$0x1] =	stream.indirect_vreg.gather [hbm4b:s4+s3], $0x80, v4, vm1, $0xb8;
	[tilespmem:$0x18100] =	vst v63  }
0x3a: {  	s29 =	simm.s32 $0x2500  }
0x3b: {  	[tilespmem:s29], [sflag:$0x1] =	stream.indirect_vreg.gather [hbm4b:s1+s3], $0x80, v3, vm0, $0xb8;
	[tilespmem:$0x18100] =	vst v63  }
0x3c: {  	s30 =	simm.s32 $0x2D00  }
0x3d: {  	[tilespmem:s30], [sflag:$0x1] =	stream.indirect_vreg.gather [hbm4b:s4+s3], $0x80, v3, vm1, $0xb8;
	[tilespmem:$0x18100] =	vst v63  }
0x3e: {  	v3 =	vld [tilespmem:$0x20];
	_ =	sdelay $0x4  }
0x3f: {  	v58 =	vshrl.u32 v3, $0x3  }
0x40: {  	v4 =	vmul.u32 $0x18, v58  }
0x41: {  	v3 =	vand.u32 $0x7, v3  }
0x42: {  	v3 =	vor.u32 v3, v4  }
0x43: {  	v4 =	vperm.xlane v3, v0;
	_ =	sdelay $0x1  }
0x44: {  	v4 =	vadd.s32 v1, v4;
	_ =	sdelay $0x1  }
0x45: {  	v3 =	vperm.xlane v3, v2;
	_ =	sdelay $0x1  }
0x46: {  	s31 =	simm.s32 $0x3100;
	v3 =	vadd.s32 v1, v3  }
0x47: {  	[tilespmem:s31], [sflag:$0x1] =	stream.indirect_vreg.gather [hbm4b:s1+s3], $0x80, v4, vm0, $0xb8;
	[tilespmem:$0x18100] =	vst v63  }
0x48: {  	s2 =	simm.s32 $0x3900  }
0x49: {  	[tilespmem:s2], [sflag:$0x1] =	stream.indirect_vreg.gather [hbm4b:s4+s3], $0x80, v4, vm1, $0xb8;
	[tilespmem:$0x18100] =	vst v63  }
0x4a: {  	s9 =	simm.s32 $0x3D00  }
0x4b: {  	[tilespmem:s9], [sflag:$0x1] =	stream.indirect_vreg.gather [hbm4b:s1+s3], $0x80, v3, vm0, $0xb8;
	[tilespmem:$0x18100] =	vst v63  }
0x4c: {  	s10 =	simm.s32 $0x4500  }
0x4d: {  	[tilespmem:s10], [sflag:$0x1] =	stream.indirect_vreg.gather [hbm4b:s4+s3], $0x80, v3, vm1, $0xb8;
	[tilespmem:$0x18100] =	vst v63  }
0x4e: {  	v3 =	vld [tilespmem:$0x30];
	_ =	sdelay $0x4  }
0x4f: {  	v59 =	vshrl.u32 v3, $0x3  }
0x50: {  	v4 =	vmul.u32 $0x18, v59  }
0x51: {  	v3 =	vand.u32 $0x7, v3  }
0x52: {  	v3 =	vor.u32 v3, v4  }
0x53: {  	v4 =	vperm.xlane v3, v0;
	_ =	sdelay $0x1  }
0x54: {  	v4 =	vadd.s32 v1, v4;
	_ =	sdelay $0x1  }
0x55: {  	v3 =	vperm.xlane v3, v2;
	_ =	sdelay $0x1  }
0x56: {  	s11 =	simm.s32 $0x4900;
	v3 =	vadd.s32 v1, v3  }
0x57: {  	[tilespmem:s11], [sflag:$0x1] =	stream.indirect_vreg.gather [hbm4b:s1+s3], $0x80, v4, vm0, $0xb8;
	[tilespmem:$0x18100] =	vst v63  }
0x58: {  	s12 =	simm.s32 $0x5100  }
0x59: {  	[tilespmem:s12], [sflag:$0x1] =	stream.indirect_vreg.gather [hbm4b:s4+s3], $0x80, v4, vm1, $0xb8;
	[tilespmem:$0x18100] =	vst v63  }
0x5a: {  	s13 =	simm.s32 $0x5500  }
0x5b: {  	[tilespmem:s13], [sflag:$0x1] =	stream.indirect_vreg.gather [hbm4b:s1+s3], $0x80, v3, vm0, $0xb8;
	[tilespmem:$0x18100] =	vst v63  }
0x5c: {  	s14 =	simm.s32 $0x5D00  }
0x5d: {  	[tilespmem:s14], [sflag:$0x1] =	stream.indirect_vreg.gather [hbm4b:s4+s3], $0x80, v3, vm1, $0xb8;
	[tilespmem:$0x18100] =	vst v63  }
0x5e: {  	v3 =	vld [tilespmem:$0x40];
	_ =	sdelay $0x4  }
0x5f: {  	v60 =	vshrl.u32 v3, $0x3  }
0x60: {  	v4 =	vmul.u32 $0x18, v60  }
0x61: {  	v3 =	vand.u32 $0x7, v3  }
0x62: {  	v3 =	vor.u32 v3, v4  }
0x63: {  	v4 =	vperm.xlane v3, v0;
	_ =	sdelay $0x1  }
0x64: {  	v4 =	vadd.s32 v1, v4;
	_ =	sdelay $0x1  }
0x65: {  	v3 =	vperm.xlane v3, v2;
	_ =	sdelay $0x1  }
0x66: {  	s15 =	simm.s32 $0x6100;
	v3 =	vadd.s32 v1, v3  }
0x67: {  	[tilespmem:s15], [sflag:$0x1] =	stream.indirect_vreg.gather [hbm4b:s1+s3], $0x80, v4, vm0, $0xb8;
	[tilespmem:$0x18100] =	vst v63  }
0x68: {  	s16 =	simm.s32 $0x6900  }
0x69: {  	[tilespmem:s16], [sflag:$0x1] =	stream.indirect_vreg.gather [hbm4b:s4+s3], $0x80, v4, vm1, $0xb8;
	[tilespmem:$0x18100] =	vst v63  }
0x6a: {  	s17 =	simm.s32 $0x6D00  }
0x6b: {  	[tilespmem:s17], [sflag:$0x1] =	stream.indirect_vreg.gather [hbm4b:s1+s3], $0x80, v3, vm0, $0xb8;
	[tilespmem:$0x18100] =	vst v63  }
0x6c: {  	s18 =	simm.s32 $0x7500  }
0x6d: {  	[tilespmem:s18], [sflag:$0x1] =	stream.indirect_vreg.gather [hbm4b:s4+s3], $0x80, v3, vm1, $0xb8;
	[tilespmem:$0x18100] =	vst v63  }
0x6e: {  	v3 =	vld [tilespmem:$0x50];
	_ =	sdelay $0x4  }
0x6f: {  	v61 =	vshrl.u32 v3, $0x3  }
0x70: {  	v4 =	vmul.u32 $0x18, v61  }
0x71: {  	v3 =	vand.u32 $0x7, v3  }
0x72: {  	v3 =	vor.u32 v3, v4  }
0x73: {  	v4 =	vperm.xlane v3, v0;
	_ =	sdelay $0x1  }
0x74: {  	v4 =	vadd.s32 v1, v4;
	_ =	sdelay $0x1  }
0x75: {  	v3 =	vperm.xlane v3, v2;
	_ =	sdelay $0x1  }
0x76: {  	s19 =	simm.s32 $0x7900;
	v3 =	vadd.s32 v1, v3  }
0x77: {  	[tilespmem:s19], [sflag:$0x1] =	stream.indirect_vreg.gather [hbm4b:s1+s3], $0x80, v4, vm0, $0xb8;
	[tilespmem:$0x18100] =	vst v63  }
0x78: {  	s20 =	simm.s32 $0x8100  }
0x79: {  	[tilespmem:s20], [sflag:$0x1] =	stream.indirect_vreg.gather [hbm4b:s4+s3], $0x80, v4, vm1, $0xb8;
	[tilespmem:$0x18100] =	vst v63  }
0x7a: {  	s21 =	simm.s32 $0x8500  }
0x7b: {  	[tilespmem:s21], [sflag:$0x1] =	stream.indirect_vreg.gather [hbm4b:s1+s3], $0x80, v3, vm0, $0xb8;
	[tilespmem:$0x18100] =	vst v63  }
0x7c: {  	s22 =	simm.s32 $0x8D00  }
0x7d: {  	[tilespmem:s22], [sflag:$0x1] =	stream.indirect_vreg.gather [hbm4b:s4+s3], $0x80, v3, vm1, $0xb8;
	[tilespmem:$0x18100] =	vst v63  }
0x7e: {  	v3 =	vld [tilespmem:$0x60];
	_ =	sdelay $0x4  }
0x7f: {  	v62 =	vshrl.u32 v3, $0x3  }
0x80: {  	v4 =	vmul.u32 $0x18, v62  }
0x81: {  	v3 =	vand.u32 $0x7, v3  }
0x82: {  	v3 =	vor.u32 v3, v4  }
0x83: {  	v4 =	vperm.xlane v3, v0;
	_ =	sdelay $0x1  }
0x84: {  	v4 =	vadd.s32 v1, v4;
	_ =	sdelay $0x1  }
0x85: {  	v3 =	vperm.xlane v3, v2;
	_ =	sdelay $0x1  }
0x86: {  	s28 =	simm.s32 $0x9100;
	v3 =	vadd.s32 v1, v3  }
0x87: {  	[tilespmem:s28], [sflag:$0x1] =	stream.indirect_vreg.gather [hbm4b:s1+s3], $0x80, v4, vm0, $0xb8;
	[tilespmem:$0x18100] =	vst v63  }
0x88: {  	s29 =	simm.s32 $0x9900  }
0x89: {  	[tilespmem:s29], [sflag:$0x1] =	stream.indirect_vreg.gather [hbm4b:s4+s3], $0x80, v4, vm1, $0xb8;
	[tilespmem:$0x18100] =	vst v63  }
0x8a: {  	s30 =	simm.s32 $0x9D00  }
0x8b: {  	[tilespmem:s30], [sflag:$0x1] =	stream.indirect_vreg.gather [hbm4b:s1+s3], $0x80, v3, vm0, $0xb8;
	[tilespmem:$0x18100] =	vst v63  }
0x8c: {  	s31 =	simm.s32 $0xA500  }
0x8d: {  	[tilespmem:s31], [sflag:$0x1] =	stream.indirect_vreg.gather [hbm4b:s4+s3], $0x80, v3, vm1, $0xb8;
	[tilespmem:$0x18100] =	vst v63  }
0x8e: {  	v3 =	vld [tilespmem:$0x70];
	_ =	sdelay $0x4  }
0x8f: {  	v63 =	vshrl.u32 v3, $0x3  }
0x90: {  	v4 =	vmul.u32 $0x18, v63  }
0x91: {  	v3 =	vand.u32 $0x7, v3  }
0x92: {  	v3 =	vor.u32 v3, v4  }
0x93: {  	v4 =	vperm.xlane v3, v0;
	_ =	sdelay $0x1  }
0x94: {  	v4 =	vadd.s32 v1, v4;
	_ =	sdelay $0x1  }
0x95: {  	v3 =	vperm.xlane v3, v2;
	_ =	sdelay $0x1  }
0x96: {  	s2 =	simm.s32 $0xA900;
	v3 =	vadd.s32 v1, v3  }
0x97: {  	[tilespmem:s2], [sflag:$0x1] =	stream.indirect_vreg.gather [hbm4b:s1+s3], $0x80, v4, vm0, $0xb8;
	[tilespmem:$0x18100] =	vst v63  }
0x98: {  	s12 =	simm.s32 $0xB100  }
0x99: {  	[tilespmem:s12], [sflag:$0x1] =	stream.indirect_vreg.gather [hbm4b:s4+s3], $0x80, v4, vm1, $0xb8;
	[tilespmem:$0x18100] =	vst v63  }
0x9a: {  	s13 =	simm.s32 $0xB500  }
0x9b: {  	[tilespmem:s13], [sflag:$0x1] =	stream.indirect_vreg.gather [hbm4b:s1+s3], $0x80, v3, vm0, $0xb8;
	[tilespmem:$0x18100] =	vst v63  }
0x9c: {  	s16 =	simm.s32 $0xBD00  }
0x9d: {  	[tilespmem:s16], [sflag:$0x1] =	stream.indirect_vreg.gather [hbm4b:s4+s3], $0x80, v3, vm1, $0xb8;
	[tilespmem:$0x18100] =	vst v63  }
0x9e: {  	s15 =	rddreg [dreg:$0x4];
	s2 =	simm.s32 $0x80  }
0x9f: {  	[tilespmem:s2], [sflag:$0x5] =	stream.linear.gather [hbm4b:s15+s3], $0x80, $0x38;
	[tilespmem:$0x18100] =	vst v63  }
0xa0: {  	_ =	swait.ge [sflag:s6], $0x80  }
0xa1: {  	[sflag:s6] =	ssyncset.done $0x0  }
0xa2: {  	[sflag:s6] =	ssyncadd.s32 $0xFFFFFF80  }
0xa3: {  	v3 =	vld [tilespmem:$0x80];
	_ =	sdelay $0x4  }
0xa4: {  	v8 =	vshrl.u32 v3, $0x3  }
0xa5: {  	v4 =	vmul.u32 $0x18, v8  }
0xa6: {  	v3 =	vand.u32 $0x7, v3  }
0xa7: {  	v3 =	vor.u32 v3, v4  }
0xa8: {  	v4 =	vperm.xlane v3, v0;
	_ =	sdelay $0x1  }
0xa9: {  	v4 =	vadd.s32 v1, v4;
	_ =	sdelay $0x1  }
0xaa: {  	v3 =	vperm.xlane v3, v2;
	_ =	sdelay $0x1  }
0xab: {  	s17 =	simm.s32 $0xC100;
	v3 =	vadd.s32 v1, v3  }
0xac: {  	[tilespmem:s17], [sflag:$0x2] =	stream.indirect_vreg.gather [hbm4b:s1+s3], $0x80, v4, vm0, $0xb8;
	[tilespmem:$0x18100] =	vst v63  }
0xad: {  	s18 =	simm.s32 $0xC900  }
0xae: {  	[tilespmem:s18], [sflag:$0x2] =	stream.indirect_vreg.gather [hbm4b:s4+s3], $0x80, v4, vm1, $0xb8;
	[tilespmem:$0x18100] =	vst v63  }
0xaf: {  	s19 =	simm.s32 $0xCD00  }
0xb0: {  	[tilespmem:s19], [sflag:$0x2] =	stream.indirect_vreg.gather [hbm4b:s1+s3], $0x80, v3, vm0, $0xb8;
	[tilespmem:$0x18100] =	vst v63  }
0xb1: {  	s20 =	simm.s32 $0xD500  }
0xb2: {  	[tilespmem:s20], [sflag:$0x2] =	stream.indirect_vreg.gather [hbm4b:s4+s3], $0x80, v3, vm1, $0xb8;
	[tilespmem:$0x18100] =	vst v63  }
0xb3: {  	v3 =	vld [tilespmem:$0x90];
	_ =	sdelay $0x4  }
0xb4: {  	v9 =	vshrl.u32 v3, $0x3  }
0xb5: {  	v4 =	vmul.u32 $0x18, v9  }
0xb6: {  	v3 =	vand.u32 $0x7, v3  }
0xb7: {  	v3 =	vor.u32 v3, v4  }
0xb8: {  	v4 =	vperm.xlane v3, v0;
	_ =	sdelay $0x1  }
0xb9: {  	v4 =	vadd.s32 v1, v4;
	_ =	sdelay $0x1  }
0xba: {  	v3 =	vperm.xlane v3, v2;
	_ =	sdelay $0x1  }
0xbb: {  	s21 =	simm.s32 $0xD900;
	v3 =	vadd.s32 v1, v3  }
0xbc: {  	[tilespmem:s21], [sflag:$0x2] =	stream.indirect_vreg.gather [hbm4b:s1+s3], $0x80, v4, vm0, $0xb8;
	[tilespmem:$0x18100] =	vst v63  }
0xbd: {  	s22 =	simm.s32 $0xE100  }
0xbe: {  	[tilespmem:s22], [sflag:$0x2] =	stream.indirect_vreg.gather [hbm4b:s4+s3], $0x80, v4, vm1, $0xb8;
	[tilespmem:$0x18100] =	vst v63  }
0xbf: {  	s29 =	simm.s32 $0xE500  }
0xc0: {  	[tilespmem:s29], [sflag:$0x2] =	stream.indirect_vreg.gather [hbm4b:s1+s3], $0x80, v3, vm0, $0xb8;
	[tilespmem:$0x18100] =	vst v63  }
0xc1: {  	s30 =	simm.s32 $0xED00  }
0xc2: {  	[tilespmem:s30], [sflag:$0x2] =	stream.indirect_vreg.gather [hbm4b:s4+s3], $0x80, v3, vm1, $0xb8;
	[tilespmem:$0x18100] =	vst v63  }
0xc3: {  	v3 =	vld [tilespmem:$0xA0];
	_ =	sdelay $0x4  }
0xc4: {  	v10 =	vshrl.u32 v3, $0x3  }
0xc5: {  	v4 =	vmul.u32 $0x18, v10  }
0xc6: {  	v3 =	vand.u32 $0x7, v3  }
0xc7: {  	v3 =	vor.u32 v3, v4  }
0xc8: {  	v4 =	vperm.xlane v3, v0;
	_ =	sdelay $0x1  }
0xc9: {  	v4 =	vadd.s32 v1, v4;
	_ =	sdelay $0x1  }
0xca: {  	v3 =	vperm.xlane v3, v2;
	_ =	sdelay $0x1  }
0xcb: {  	s31 =	simm.s32 $0xF100;
	v3 =	vadd.s32 v1, v3  }
0xcc: {  	[tilespmem:s31], [sflag:$0x2] =	stream.indirect_vreg.gather [hbm4b:s1+s3], $0x80, v4, vm0, $0xb8;
	[tilespmem:$0x18100] =	vst v63  }
0xcd: {  	s0 =	simm.s32 $0xF900  }
0xce: {  	[tilespmem:s0], [sflag:$0x2] =	stream.indirect_vreg.gather [hbm4b:s4+s3], $0x80, v4, vm1, $0xb8;
	[tilespmem:$0x18100] =	vst v63  }
0xcf: {  	s2 =	simm.s32 $0xFD00  }
0xd0: {  	[tilespmem:s2], [sflag:$0x2] =	stream.indirect_vreg.gather [hbm4b:s1+s3], $0x80, v3, vm0, $0xb8;
	[tilespmem:$0x18100] =	vst v63  }
0xd1: {  	s12 =	simm.s32 $0x10500  }
0xd2: {  	[tilespmem:s12], [sflag:$0x2] =	stream.indirect_vreg.gather [hbm4b:s4+s3], $0x80, v3, vm1, $0xb8;
	[tilespmem:$0x18100] =	vst v63  }
0xd3: {  	v3 =	vld [tilespmem:$0xB0];
	_ =	sdelay $0x4  }
0xd4: {  	v11 =	vshrl.u32 v3, $0x3  }
0xd5: {  	v4 =	vmul.u32 $0x18, v11  }
0xd6: {  	v3 =	vand.u32 $0x7, v3  }
0xd7: {  	v3 =	vor.u32 v3, v4  }
0xd8: {  	v4 =	vperm.xlane v3, v0;
	_ =	sdelay $0x1  }
0xd9: {  	v4 =	vadd.s32 v1, v4;
	_ =	sdelay $0x1  }
0xda: {  	v3 =	vperm.xlane v3, v2;
	_ =	sdelay $0x1  }
0xdb: {  	s13 =	simm.s32 $0x10900;
	v3 =	vadd.s32 v1, v3  }
0xdc: {  	[tilespmem:s13], [sflag:$0x2] =	stream.indirect_vreg.gather [hbm4b:s1+s3], $0x80, v4, vm0, $0xb8;
	[tilespmem:$0x18100] =	vst v63  }
0xdd: {  	s15 =	simm.s32 $0x11100  }
0xde: {  	[tilespmem:s15], [sflag:$0x2] =	stream.indirect_vreg.gather [hbm4b:s4+s3], $0x80, v4, vm1, $0xb8;
	[tilespmem:$0x18100] =	vst v63  }
0xdf: {  	s16 =	simm.s32 $0x11500  }
0xe0: {  	[tilespmem:s16], [sflag:$0x2] =	stream.indirect_vreg.gather [hbm4b:s1+s3], $0x80, v3, vm0, $0xb8;
	[tilespmem:$0x18100] =	vst v63  }
0xe1: {  	s17 =	simm.s32 $0x11D00  }
0xe2: {  	[tilespmem:s17], [sflag:$0x2] =	stream.indirect_vreg.gather [hbm4b:s4+s3], $0x80, v3, vm1, $0xb8;
	[tilespmem:$0x18100] =	vst v63  }
0xe3: {  	v3 =	vld [tilespmem:$0xC0];
	_ =	sdelay $0x4  }
0xe4: {  	v12 =	vshrl.u32 v3, $0x3  }
0xe5: {  	v4 =	vmul.u32 $0x18, v12  }
0xe6: {  	v3 =	vand.u32 $0x7, v3  }
0xe7: {  	v3 =	vor.u32 v3, v4  }
0xe8: {  	v4 =	vperm.xlane v3, v0;
	_ =	sdelay $0x1  }
0xe9: {  	v4 =	vadd.s32 v1, v4;
	_ =	sdelay $0x1  }
0xea: {  	v3 =	vperm.xlane v3, v2;
	_ =	sdelay $0x1  }
0xeb: {  	s18 =	simm.s32 $0x12100;
	v3 =	vadd.s32 v1, v3  }
0xec: {  	[tilespmem:s18], [sflag:$0x2] =	stream.indirect_vreg.gather [hbm4b:s1+s3], $0x80, v4, vm0, $0xb8;
	[tilespmem:$0x18100] =	vst v63  }
0xed: {  	s19 =	simm.s32 $0x12900  }
0xee: {  	[tilespmem:s19], [sflag:$0x2] =	stream.indirect_vreg.gather [hbm4b:s4+s3], $0x80, v4, vm1, $0xb8;
	[tilespmem:$0x18100] =	vst v63  }
0xef: {  	s20 =	simm.s32 $0x12D00  }
0xf0: {  	[tilespmem:s20], [sflag:$0x2] =	stream.indirect_vreg.gather [hbm4b:s1+s3], $0x80, v3, vm0, $0xb8;
	[tilespmem:$0x18100] =	vst v63  }
0xf1: {  	s21 =	simm.s32 $0x13500  }
0xf2: {  	[tilespmem:s21], [sflag:$0x2] =	stream.indirect_vreg.gather [hbm4b:s4+s3], $0x80, v3, vm1, $0xb8;
	[tilespmem:$0x18100] =	vst v63  }
0xf3: {  	v3 =	vld [tilespmem:$0xD0];
	_ =	sdelay $0x4  }
0xf4: {  	v13 =	vshrl.u32 v3, $0x3  }
0xf5: {  	v4 =	vmul.u32 $0x18, v13  }
0xf6: {  	v3 =	vand.u32 $0x7, v3  }
0xf7: {  	v3 =	vor.u32 v3, v4  }
0xf8: {  	v4 =	vperm.xlane v3, v0;
	_ =	sdelay $0x1  }
0xf9: {  	v4 =	vadd.s32 v1, v4;
	_ =	sdelay $0x1  }
0xfa: {  	v3 =	vperm.xlane v3, v2;
	_ =	sdelay $0x1  }
0xfb: {  	s22 =	simm.s32 $0x13900;
	v3 =	vadd.s32 v1, v3  }
0xfc: {  	[tilespmem:s22], [sflag:$0x2] =	stream.indirect_vreg.gather [hbm4b:s1+s3], $0x80, v4, vm0, $0xb8;
	[tilespmem:$0x18100] =	vst v63  }
0xfd: {  	s29 =	simm.s32 $0x14100  }
0xfe: {  	[tilespmem:s29], [sflag:$0x2] =	stream.indirect_vreg.gather [hbm4b:s4+s3], $0x80, v4, vm1, $0xb8;
	[tilespmem:$0x18100] =	vst v63  }
0xff: {  	s30 =	simm.s32 $0x14500  }
0x100: {  	[tilespmem:s30], [sflag:$0x2] =	stream.indirect_vreg.gather [hbm4b:s1+s3], $0x80, v3, vm0, $0xb8;
	[tilespmem:$0x18100] =	vst v63  }
0x101: {  	s31 =	simm.s32 $0x14D00  }
0x102: {  	[tilespmem:s31], [sflag:$0x2] =	stream.indirect_vreg.gather [hbm4b:s4+s3], $0x80, v3, vm1, $0xb8;
	[tilespmem:$0x18100] =	vst v63  }
0x103: {  	v3 =	vld [tilespmem:$0xE0];
	_ =	sdelay $0x4  }
0x104: {  	v14 =	vshrl.u32 v3, $0x3  }
0x105: {  	v4 =	vmul.u32 $0x18, v14  }
0x106: {  	v3 =	vand.u32 $0x7, v3  }
0x107: {  	v3 =	vor.u32 v3, v4  }
0x108: {  	v4 =	vperm.xlane v3, v0;
	_ =	sdelay $0x1  }
0x109: {  	v4 =	vadd.s32 v1, v4;
	_ =	sdelay $0x1  }
0x10a: {  	v3 =	vperm.xlane v3, v2;
	_ =	sdelay $0x1  }
0x10b: {  	s0 =	simm.s32 $0x15100;
	v3 =	vadd.s32 v1, v3  }
0x10c: {  	[tilespmem:s0], [sflag:$0x2] =	stream.indirect_vreg.gather [hbm4b:s1+s3], $0x80, v4, vm0, $0xb8;
	[tilespmem:$0x18100] =	vst v63  }
0x10d: {  	s2 =	simm.s32 $0x15900  }
0x10e: {  	[tilespmem:s2], [sflag:$0x2] =	stream.indirect_vreg.gather [hbm4b:s4+s3], $0x80, v4, vm1, $0xb8;
	[tilespmem:$0x18100] =	vst v63  }
0x10f: {  	s12 =	simm.s32 $0x15D00  }
0x110: {  	[tilespmem:s12], [sflag:$0x2] =	stream.indirect_vreg.gather [hbm4b:s1+s3], $0x80, v3, vm0, $0xb8;
	[tilespmem:$0x18100] =	vst v63  }
0x111: {  	s13 =	simm.s32 $0x16500  }
0x112: {  	[tilespmem:s13], [sflag:$0x2] =	stream.indirect_vreg.gather [hbm4b:s4+s3], $0x80, v3, vm1, $0xb8;
	[tilespmem:$0x18100] =	vst v63  }
0x113: {  	v3 =	vld [tilespmem:$0xF0];
	_ =	sdelay $0x4  }
0x114: {  	v15 =	vshrl.u32 v3, $0x3  }
0x115: {  	v4 =	vmul.u32 $0x18, v15  }
0x116: {  	v3 =	vand.u32 $0x7, v3  }
0x117: {  	v3 =	vor.u32 v3, v4  }
0x118: {  	v4 =	vperm.xlane v3, v0;
	_ =	sdelay $0x1  }
0x119: {  	v4 =	vadd.s32 v1, v4;
	_ =	sdelay $0x1  }
0x11a: {  	v3 =	vperm.xlane v3, v2;
	_ =	sdelay $0x1  }
0x11b: {  	s15 =	simm.s32 $0x16900;
	v3 =	vadd.s32 v1, v3  }
0x11c: {  	[tilespmem:s15], [sflag:$0x2] =	stream.indirect_vreg.gather [hbm4b:s1+s3], $0x80, v4, vm0, $0xb8;
	[tilespmem:$0x18100] =	vst v63  }
0x11d: {  	s16 =	simm.s32 $0x17100  }
0x11e: {  	[tilespmem:s16], [sflag:$0x2] =	stream.indirect_vreg.gather [hbm4b:s4+s3], $0x80, v4, vm1, $0xb8;
	[tilespmem:$0x18100] =	vst v63  }
0x11f: {  	s17 =	simm.s32 $0x17500  }
0x120: {  	[tilespmem:s17], [sflag:$0x2] =	stream.indirect_vreg.gather [hbm4b:s1+s3], $0x80, v3, vm0, $0xb8;
	[tilespmem:$0x18100] =	vst v63  }
0x121: {  	s18 =	simm.s32 $0x17D00  }
0x122: {  	[tilespmem:s18], [sflag:$0x2] =	stream.indirect_vreg.gather [hbm4b:s4+s3], $0x80, v3, vm1, $0xb8;
	[tilespmem:$0x18100] =	vst v63  }
0x123: {  	_ =	swait.ge [sflag:s23], $0xC000  }
0x124: {  	[sflag:s23] =	ssyncset.done $0x0  }
0x125: {  	s20 =	simm.s32 $0x100;
	s19 =	rddreg [dreg:$0x5];
	[sflag:s23] =	ssyncadd.s32 $0xFFFF4000  }
0x126: {  	[hbm4b:s19+s3] =	stream.linear.scatter [tilespmem:s20], [sflag:$0x3], $0xC000, $0x38;
	[tilespmem:$0x18100] =	vst v63  }
0x127: {  	_ =	swait.ge [sflag:s24], $0xC000  }
0x128: {  	[sflag:s24] =	ssyncset.done $0x0  }
0x129: {  	s21 =	rddreg [dreg:$0x6];
	[sflag:s24] =	ssyncadd.s32 $0xFFFF4000  }
0x12a: {  	[tilespmem:s3], [sflag:$0x5] =	stream.linear.gather [hbm4b:s21+s3], $0x80, $0x38;
	[tilespmem:$0x18100] =	vst v63  }
0x12b: {  	_ =	swait.ge [sflag:s6], $0x80  }
0x12c: {  	[sflag:s6] =	ssyncset.done $0x0  }
0x12d: {  	[sflag:s6] =	ssyncadd.s32 $0xFFFFFF80  }
0x12e: {  	v3 =	vld [tilespmem:$0x0];
	_ =	sdelay $0x4  }
0x12f: {  	v16 =	vshrl.u32 v3, $0x3  }
0x130: {  	v4 =	vmul.u32 $0x18, v16  }
0x131: {  	v3 =	vand.u32 $0x7, v3  }
0x132: {  	v3 =	vor.u32 v3, v4  }
0x133: {  	v4 =	vperm.xlane v3, v0;
	_ =	sdelay $0x1  }
0x134: {  	v4 =	vadd.s32 v1, v4;
	_ =	sdelay $0x1  }
0x135: {  	v3 =	vperm.xlane v3, v2;
	_ =	sdelay $0x1  }
0x136: {  	v3 =	vadd.s32 v1, v3  }
0x137: {  	[tilespmem:s20], [sflag:$0x1] =	stream.indirect_vreg.gather [hbm4b:s1+s3], $0x80, v4, vm0, $0xb8;
	[tilespmem:$0x18100] =	vst v63  }
0x138: {  	s22 =	simm.s32 $0x900  }
0x139: {  	[tilespmem:s22], [sflag:$0x1] =	stream.indirect_vreg.gather [hbm4b:s4+s3], $0x80, v4, vm1, $0xb8;
	[tilespmem:$0x18100] =	vst v63  }
0x13a: {  	s15 =	simm.s32 $0xD00  }
0x13b: {  	[tilespmem:s15], [sflag:$0x1] =	stream.indirect_vreg.gather [hbm4b:s1+s3], $0x80, v3, vm0, $0xb8;
	[tilespmem:$0x18100] =	vst v63  }
0x13c: {  	s7 =	simm.s32 $0x1500  }
0x13d: {  	[tilespmem:s7], [sflag:$0x1] =	stream.indirect_vreg.gather [hbm4b:s4+s3], $0x80, v3, vm1, $0xb8;
	[tilespmem:$0x18100] =	vst v63  }
0x13e: {  	v3 =	vld [tilespmem:$0x10];
	_ =	sdelay $0x4  }
0x13f: {  	v17 =	vshrl.u32 v3, $0x3  }
0x140: {  	v4 =	vmul.u32 $0x18, v17  }
0x141: {  	v3 =	vand.u32 $0x7, v3  }
0x142: {  	v3 =	vor.u32 v3, v4  }
0x143: {  	v4 =	vperm.xlane v3, v0;
	_ =	sdelay $0x1  }
0x144: {  	v4 =	vadd.s32 v1, v4;
	_ =	sdelay $0x1  }
0x145: {  	v3 =	vperm.xlane v3, v2;
	_ =	sdelay $0x1  }
0x146: {  	s17 =	simm.s32 $0x1900;
	v3 =	vadd.s32 v1, v3  }
0x147: {  	[tilespmem:s17], [sflag:$0x1] =	stream.indirect_vreg.gather [hbm4b:s1+s3], $0x80, v4, vm0, $0xb8;
	[tilespmem:$0x18100] =	vst v63  }
0x148: {  	s18 =	simm.s32 $0x2100  }
0x149: {  	[tilespmem:s18], [sflag:$0x1] =	stream.indirect_vreg.gather [hbm4b:s4+s3], $0x80, v4, vm1, $0xb8;
	[tilespmem:$0x18100] =	vst v63  }
0x14a: {  	s19 =	simm.s32 $0x2500  }
0x14b: {  	[tilespmem:s19], [sflag:$0x1] =	stream.indirect_vreg.gather [hbm4b:s1+s3], $0x80, v3, vm0, $0xb8;
	[tilespmem:$0x18100] =	vst v63  }
0x14c: {  	s8 =	simm.s32 $0x2D00  }
0x14d: {  	[tilespmem:s8], [sflag:$0x1] =	stream.indirect_vreg.gather [hbm4b:s4+s3], $0x80, v3, vm1, $0xb8;
	[tilespmem:$0x18100] =	vst v63  }
0x14e: {  	v3 =	vld [tilespmem:$0x20];
	_ =	sdelay $0x4  }
0x14f: {  	v18 =	vshrl.u32 v3, $0x3  }
0x150: {  	v4 =	vmul.u32 $0x18, v18  }
0x151: {  	v3 =	vand.u32 $0x7, v3  }
0x152: {  	v3 =	vor.u32 v3, v4  }
0x153: {  	v4 =	vperm.xlane v3, v0;
	_ =	sdelay $0x1  }
0x154: {  	v4 =	vadd.s32 v1, v4;
	_ =	sdelay $0x1  }
0x155: {  	v3 =	vperm.xlane v3, v2;
	_ =	sdelay $0x1  }
0x156: {  	s20 =	simm.s32 $0x3100;
	v3 =	vadd.s32 v1, v3  }
0x157: {  	[tilespmem:s20], [sflag:$0x1] =	stream.indirect_vreg.gather [hbm4b:s1+s3], $0x80, v4, vm0, $0xb8;
	[tilespmem:$0x18100] =	vst v63  }
0x158: {  	s21 =	simm.s32 $0x3900  }
0x159: {  	[tilespmem:s21], [sflag:$0x1] =	stream.indirect_vreg.gather [hbm4b:s4+s3], $0x80, v4, vm1, $0xb8;
	[tilespmem:$0x18100] =	vst v63  }
0x15a: {  	s22 =	simm.s32 $0x3D00  }
0x15b: {  	[tilespmem:s22], [sflag:$0x1] =	stream.indirect_vreg.gather [hbm4b:s1+s3], $0x80, v3, vm0, $0xb8;
	[tilespmem:$0x18100] =	vst v63  }
0x15c: {  	s9 =	simm.s32 $0x4500  }
0x15d: {  	[tilespmem:s9], [sflag:$0x1] =	stream.indirect_vreg.gather [hbm4b:s4+s3], $0x80, v3, vm1, $0xb8;
	[tilespmem:$0x18100] =	vst v63  }
0x15e: {  	v3 =	vld [tilespmem:$0x30];
	_ =	sdelay $0x4  }
0x15f: {  	v19 =	vshrl.u32 v3, $0x3  }
0x160: {  	v4 =	vmul.u32 $0x18, v19  }
0x161: {  	v3 =	vand.u32 $0x7, v3  }
0x162: {  	v3 =	vor.u32 v3, v4  }
0x163: {  	v4 =	vperm.xlane v3, v0;
	_ =	sdelay $0x1  }
0x164: {  	v4 =	vadd.s32 v1, v4;
	_ =	sdelay $0x1  }
0x165: {  	v3 =	vperm.xlane v3, v2;
	_ =	sdelay $0x1  }
0x166: {  	s29 =	simm.s32 $0x4900;
	v3 =	vadd.s32 v1, v3  }
0x167: {  	[tilespmem:s29], [sflag:$0x1] =	stream.indirect_vreg.gather [hbm4b:s1+s3], $0x80, v4, vm0, $0xb8;
	[tilespmem:$0x18100] =	vst v63  }
0x168: {  	s30 =	simm.s32 $0x5100  }
0x169: {  	[tilespmem:s30], [sflag:$0x1] =	stream.indirect_vreg.gather [hbm4b:s4+s3], $0x80, v4, vm1, $0xb8;
	[tilespmem:$0x18100] =	vst v63  }
0x16a: {  	s31 =	simm.s32 $0x5500  }
0x16b: {  	[tilespmem:s31], [sflag:$0x1] =	stream.indirect_vreg.gather [hbm4b:s1+s3], $0x80, v3, vm0, $0xb8;
	[tilespmem:$0x18100] =	vst v63  }
0x16c: {  	s10 =	simm.s32 $0x5D00  }
0x16d: {  	[tilespmem:s10], [sflag:$0x1] =	stream.indirect_vreg.gather [hbm4b:s4+s3], $0x80, v3, vm1, $0xb8;
	[tilespmem:$0x18100] =	vst v63  }
0x16e: {  	v3 =	vld [tilespmem:$0x40];
	_ =	sdelay $0x4  }
0x16f: {  	v20 =	vshrl.u32 v3, $0x3  }
0x170: {  	v4 =	vmul.u32 $0x18, v20  }
0x171: {  	v3 =	vand.u32 $0x7, v3  }
0x172: {  	v3 =	vor.u32 v3, v4  }
0x173: {  	v4 =	vperm.xlane v3, v0;
	_ =	sdelay $0x1  }
0x174: {  	v4 =	vadd.s32 v1, v4;
	_ =	sdelay $0x1  }
0x175: {  	v3 =	vperm.xlane v3, v2;
	_ =	sdelay $0x1  }
0x176: {  	s8 =	simm.s32 $0x6100;
	v3 =	vadd.s32 v1, v3  }
0x177: {  	[tilespmem:s8], [sflag:$0x1] =	stream.indirect_vreg.gather [hbm4b:s1+s3], $0x80, v4, vm0, $0xb8;
	[tilespmem:$0x18100] =	vst v63  }
0x178: {  	s9 =	simm.s32 $0x6900  }
0x179: {  	[tilespmem:s9], [sflag:$0x1] =	stream.indirect_vreg.gather [hbm4b:s4+s3], $0x80, v4, vm1, $0xb8;
	[tilespmem:$0x18100] =	vst v63  }
0x17a: {  	s10 =	simm.s32 $0x6D00  }
0x17b: {  	[tilespmem:s10], [sflag:$0x1] =	stream.indirect_vreg.gather [hbm4b:s1+s3], $0x80, v3, vm0, $0xb8;
	[tilespmem:$0x18100] =	vst v63  }
0x17c: {  	s11 =	simm.s32 $0x7500  }
0x17d: {  	[tilespmem:s11], [sflag:$0x1] =	stream.indirect_vreg.gather [hbm4b:s4+s3], $0x80, v3, vm1, $0xb8;
	[tilespmem:$0x18100] =	vst v63  }
0x17e: {  	v3 =	vld [tilespmem:$0x50];
	_ =	sdelay $0x4  }
0x17f: {  	v21 =	vshrl.u32 v3, $0x3  }
0x180: {  	v4 =	vmul.u32 $0x18, v21  }
0x181: {  	v3 =	vand.u32 $0x7, v3  }
0x182: {  	v3 =	vor.u32 v3, v4  }
0x183: {  	v4 =	vperm.xlane v3, v0;
	_ =	sdelay $0x1  }
0x184: {  	v4 =	vadd.s32 v1, v4;
	_ =	sdelay $0x1  }
0x185: {  	v3 =	vperm.xlane v3, v2;
	_ =	sdelay $0x1  }
0x186: {  	s11 =	simm.s32 $0x7900;
	v3 =	vadd.s32 v1, v3  }
0x187: {  	[tilespmem:s11], [sflag:$0x1] =	stream.indirect_vreg.gather [hbm4b:s1+s3], $0x80, v4, vm0, $0xb8;
	[tilespmem:$0x18100] =	vst v63  }
0x188: {  	s12 =	simm.s32 $0x8100  }
0x189: {  	[tilespmem:s12], [sflag:$0x1] =	stream.indirect_vreg.gather [hbm4b:s4+s3], $0x80, v4, vm1, $0xb8;
	[tilespmem:$0x18100] =	vst v63  }
0x18a: {  	s13 =	simm.s32 $0x8500  }
0x18b: {  	[tilespmem:s13], [sflag:$0x1] =	stream.indirect_vreg.gather [hbm4b:s1+s3], $0x80, v3, vm0, $0xb8;
	[tilespmem:$0x18100] =	vst v63  }
0x18c: {  	s14 =	simm.s32 $0x8D00  }
0x18d: {  	[tilespmem:s14], [sflag:$0x1] =	stream.indirect_vreg.gather [hbm4b:s4+s3], $0x80, v3, vm1, $0xb8;
	[tilespmem:$0x18100] =	vst v63  }
0x18e: {  	v3 =	vld [tilespmem:$0x60];
	_ =	sdelay $0x4  }
0x18f: {  	v22 =	vshrl.u32 v3, $0x3  }
0x190: {  	v4 =	vmul.u32 $0x18, v22  }
0x191: {  	v3 =	vand.u32 $0x7, v3  }
0x192: {  	v3 =	vor.u32 v3, v4  }
0x193: {  	v4 =	vperm.xlane v3, v0;
	_ =	sdelay $0x1  }
0x194: {  	v4 =	vadd.s32 v1, v4;
	_ =	sdelay $0x1  }
0x195: {  	v3 =	vperm.xlane v3, v2;
	_ =	sdelay $0x1  }
0x196: {  	s14 =	simm.s32 $0x9100;
	v3 =	vadd.s32 v1, v3  }
0x197: {  	[tilespmem:s14], [sflag:$0x1] =	stream.indirect_vreg.gather [hbm4b:s1+s3], $0x80, v4, vm0, $0xb8;
	[tilespmem:$0x18100] =	vst v63  }
0x198: {  	s16 =	simm.s32 $0x9900  }
0x199: {  	[tilespmem:s16], [sflag:$0x1] =	stream.indirect_vreg.gather [hbm4b:s4+s3], $0x80, v4, vm1, $0xb8;
	[tilespmem:$0x18100] =	vst v63  }
0x19a: {  	s7 =	simm.s32 $0x9D00  }
0x19b: {  	[tilespmem:s7], [sflag:$0x1] =	stream.indirect_vreg.gather [hbm4b:s1+s3], $0x80, v3, vm0, $0xb8;
	[tilespmem:$0x18100] =	vst v63  }
0x19c: {  	s28 =	simm.s32 $0xA500  }
0x19d: {  	[tilespmem:s28], [sflag:$0x1] =	stream.indirect_vreg.gather [hbm4b:s4+s3], $0x80, v3, vm1, $0xb8;
	[tilespmem:$0x18100] =	vst v63  }
0x19e: {  	v3 =	vld [tilespmem:$0x70];
	_ =	sdelay $0x4  }
0x19f: {  	v23 =	vshrl.u32 v3, $0x3  }
0x1a0: {  	v4 =	vmul.u32 $0x18, v23  }
0x1a1: {  	v3 =	vand.u32 $0x7, v3  }
0x1a2: {  	v3 =	vor.u32 v3, v4  }
0x1a3: {  	v4 =	vperm.xlane v3, v0;
	_ =	sdelay $0x1  }
0x1a4: {  	v4 =	vadd.s32 v1, v4;
	_ =	sdelay $0x1  }
0x1a5: {  	v3 =	vperm.xlane v3, v2;
	_ =	sdelay $0x1  }
0x1a6: {  	s2 =	simm.s32 $0xA900;
	v3 =	vadd.s32 v1, v3  }
0x1a7: {  	[tilespmem:s2], [sflag:$0x1] =	stream.indirect_vreg.gather [hbm4b:s1+s3], $0x80, v4, vm0, $0xb8;
	[tilespmem:$0x18100] =	vst v63  }
0x1a8: {  	s28 =	simm.s32 $0xB100  }
0x1a9: {  	[tilespmem:s28], [sflag:$0x1] =	stream.indirect_vreg.gather [hbm4b:s4+s3], $0x80, v4, vm1, $0xb8;
	[tilespmem:$0x18100] =	vst v63  }
0x1aa: {  	s2 =	simm.s32 $0xB500  }
0x1ab: {  	[tilespmem:s2], [sflag:$0x1] =	stream.indirect_vreg.gather [hbm4b:s1+s3], $0x80, v3, vm0, $0xb8;
	[tilespmem:$0x18100] =	vst v63  }
0x1ac: {  	s28 =	simm.s32 $0xBD00  }
0x1ad: {  	[tilespmem:s28], [sflag:$0x1] =	stream.indirect_vreg.gather [hbm4b:s4+s3], $0x80, v3, vm1, $0xb8;
	[tilespmem:$0x18100] =	vst v63  }
0x1ae: {  	_ =	swait.ge [sflag:s25], $0xC000  }
0x1af: {  	[sflag:s25] =	ssyncset.done $0x0  }
0x1b0: {  	s0 =	simm.s32 $0xC100;
	s2 =	rddreg [dreg:$0x7];
	[sflag:s25] =	ssyncadd.s32 $0xFFFF4000  }
0x1b1: {  	[hbm4b:s2+s3] =	stream.linear.scatter [tilespmem:s0], [sflag:$0x4], $0xC000, $0x38;
	[tilespmem:$0x18100] =	vst v63  }
0x1b2: {  	_ =	swait.ge [sflag:s26], $0xC000  }
0x1b3: {  	[sflag:s26] =	ssyncset.done $0x0  }
0x1b4: {  	s2 =	simm.s32 $0x80;
	s28 =	rddreg [dreg:$0x8];
	[sflag:s26] =	ssyncadd.s32 $0xFFFF4000  }
0x1b5: {  	[tilespmem:s2], [sflag:$0x5] =	stream.linear.gather [hbm4b:s28+s3], $0x80, $0x38;
	[tilespmem:$0x18100] =	vst v63  }
0x1b6: {  	_ =	swait.ge [sflag:s6], $0x80  }
0x1b7: {  	[sflag:s6] =	ssyncset.done $0x0  }
0x1b8: {  	[sflag:s6] =	ssyncadd.s32 $0xFFFFFF80  }
0x1b9: {  	v3 =	vld [tilespmem:$0x80];
	_ =	sdelay $0x4  }
0x1ba: {  	v24 =	vshrl.u32 v3, $0x3  }
0x1bb: {  	v4 =	vmul.u32 $0x18, v24  }
0x1bc: {  	v3 =	vand.u32 $0x7, v3  }
0x1bd: {  	v3 =	vor.u32 v3, v4  }
0x1be: {  	v4 =	vperm.xlane v3, v0;
	_ =	sdelay $0x1  }
0x1bf: {  	v4 =	vadd.s32 v1, v4;
	_ =	sdelay $0x1  }
0x1c0: {  	v3 =	vperm.xlane v3, v2;
	_ =	sdelay $0x1  }
0x1c1: {  	v3 =	vadd.s32 v1, v3  }
0x1c2: {  	[tilespmem:s0], [sflag:$0x2] =	stream.indirect_vreg.gather [hbm4b:s1+s3], $0x80, v4, vm0, $0xb8;
	[tilespmem:$0x18100] =	vst v63  }
0x1c3: {  	s28 =	simm.s32 $0xC900  }
0x1c4: {  	[tilespmem:s28], [sflag:$0x2] =	stream.indirect_vreg.gather [hbm4b:s4+s3], $0x80, v4, vm1, $0xb8;
	[tilespmem:$0x18100] =	vst v63  }
0x1c5: {  	s28 =	simm.s32 $0xCD00  }
0x1c6: {  	[tilespmem:s28], [sflag:$0x2] =	stream.indirect_vreg.gather [hbm4b:s1+s3], $0x80, v3, vm0, $0xb8;
	[tilespmem:$0x18100] =	vst v63  }
0x1c7: {  	s28 =	simm.s32 $0xD500  }
0x1c8: {  	[tilespmem:s28], [sflag:$0x2] =	stream.indirect_vreg.gather [hbm4b:s4+s3], $0x80, v3, vm1, $0xb8;
	[tilespmem:$0x18100] =	vst v63  }
0x1c9: {  	v3 =	vld [tilespmem:$0x90];
	_ =	sdelay $0x4  }
0x1ca: {  	v25 =	vshrl.u32 v3, $0x3  }
0x1cb: {  	v4 =	vmul.u32 $0x18, v25  }
0x1cc: {  	v3 =	vand.u32 $0x7, v3  }
0x1cd: {  	v3 =	vor.u32 v3, v4  }
0x1ce: {  	v4 =	vperm.xlane v3, v0;
	_ =	sdelay $0x1  }
0x1cf: {  	v4 =	vadd.s32 v1, v4;
	_ =	sdelay $0x1  }
0x1d0: {  	v3 =	vperm.xlane v3, v2;
	_ =	sdelay $0x1  }
0x1d1: {  	s28 =	simm.s32 $0xD900;
	v3 =	vadd.s32 v1, v3  }
0x1d2: {  	[tilespmem:s28], [sflag:$0x2] =	stream.indirect_vreg.gather [hbm4b:s1+s3], $0x80, v4, vm0, $0xb8;
	[tilespmem:$0x18100] =	vst v63  }
0x1d3: {  	s28 =	simm.s32 $0xE100  }
0x1d4: {  	[tilespmem:s28], [sflag:$0x2] =	stream.indirect_vreg.gather [hbm4b:s4+s3], $0x80, v4, vm1, $0xb8;
	[tilespmem:$0x18100] =	vst v63  }
0x1d5: {  	s28 =	simm.s32 $0xE500  }
0x1d6: {  	[tilespmem:s28], [sflag:$0x2] =	stream.indirect_vreg.gather [hbm4b:s1+s3], $0x80, v3, vm0, $0xb8;
	[tilespmem:$0x18100] =	vst v63  }
0x1d7: {  	s28 =	simm.s32 $0xED00  }
0x1d8: {  	[tilespmem:s28], [sflag:$0x2] =	stream.indirect_vreg.gather [hbm4b:s4+s3], $0x80, v3, vm1, $0xb8;
	[tilespmem:$0x18100] =	vst v63  }
0x1d9: {  	v3 =	vld [tilespmem:$0xA0];
	_ =	sdelay $0x4  }
0x1da: {  	v26 =	vshrl.u32 v3, $0x3  }
0x1db: {  	v4 =	vmul.u32 $0x18, v26  }
0x1dc: {  	v3 =	vand.u32 $0x7, v3  }
0x1dd: {  	v3 =	vor.u32 v3, v4  }
0x1de: {  	v4 =	vperm.xlane v3, v0;
	_ =	sdelay $0x1  }
0x1df: {  	v4 =	vadd.s32 v1, v4;
	_ =	sdelay $0x1  }
0x1e0: {  	v3 =	vperm.xlane v3, v2;
	_ =	sdelay $0x1  }
0x1e1: {  	s28 =	simm.s32 $0xF100;
	v3 =	vadd.s32 v1, v3  }
0x1e2: {  	[tilespmem:s28], [sflag:$0x2] =	stream.indirect_vreg.gather [hbm4b:s1+s3], $0x80, v4, vm0, $0xb8;
	[tilespmem:$0x18100] =	vst v63  }
0x1e3: {  	s28 =	simm.s32 $0xF900  }
0x1e4: {  	[tilespmem:s28], [sflag:$0x2] =	stream.indirect_vreg.gather [hbm4b:s4+s3], $0x80, v4, vm1, $0xb8;
	[tilespmem:$0x18100] =	vst v63  }
0x1e5: {  	s28 =	simm.s32 $0xFD00  }
0x1e6: {  	[tilespmem:s28], [sflag:$0x2] =	stream.indirect_vreg.gather [hbm4b:s1+s3], $0x80, v3, vm0, $0xb8;
	[tilespmem:$0x18100] =	vst v63  }
0x1e7: {  	s28 =	simm.s32 $0x10500  }
0x1e8: {  	[tilespmem:s28], [sflag:$0x2] =	stream.indirect_vreg.gather [hbm4b:s4+s3], $0x80, v3, vm1, $0xb8;
	[tilespmem:$0x18100] =	vst v63  }
0x1e9: {  	v3 =	vld [tilespmem:$0xB0];
	_ =	sdelay $0x4  }
0x1ea: {  	v27 =	vshrl.u32 v3, $0x3  }
0x1eb: {  	v4 =	vmul.u32 $0x18, v27  }
0x1ec: {  	v3 =	vand.u32 $0x7, v3  }
0x1ed: {  	v3 =	vor.u32 v3, v4  }
0x1ee: {  	v4 =	vperm.xlane v3, v0;
	_ =	sdelay $0x1  }
0x1ef: {  	v4 =	vadd.s32 v1, v4;
	_ =	sdelay $0x1  }
0x1f0: {  	v3 =	vperm.xlane v3, v2;
	_ =	sdelay $0x1  }
0x1f1: {  	s28 =	simm.s32 $0x10900;
	v3 =	vadd.s32 v1, v3  }
0x1f2: {  	[tilespmem:s28], [sflag:$0x2] =	stream.indirect_vreg.gather [hbm4b:s1+s3], $0x80, v4, vm0, $0xb8;
	[tilespmem:$0x18100] =	vst v63  }
0x1f3: {  	s28 =	simm.s32 $0x11100  }
0x1f4: {  	[tilespmem:s28], [sflag:$0x2] =	stream.indirect_vreg.gather [hbm4b:s4+s3], $0x80, v4, vm1, $0xb8;
	[tilespmem:$0x18100] =	vst v63  }
0x1f5: {  	s28 =	simm.s32 $0x11500  }
0x1f6: {  	[tilespmem:s28], [sflag:$0x2] =	stream.indirect_vreg.gather [hbm4b:s1+s3], $0x80, v3, vm0, $0xb8;
	[tilespmem:$0x18100] =	vst v63  }
0x1f7: {  	s28 =	simm.s32 $0x11D00  }
0x1f8: {  	[tilespmem:s28], [sflag:$0x2] =	stream.indirect_vreg.gather [hbm4b:s4+s3], $0x80, v3, vm1, $0xb8;
	[tilespmem:$0x18100] =	vst v63  }
0x1f9: {  	v3 =	vld [tilespmem:$0xC0];
	_ =	sdelay $0x4  }
0x1fa: {  	v28 =	vshrl.u32 v3, $0x3  }
0x1fb: {  	v4 =	vmul.u32 $0x18, v28  }
0x1fc: {  	v3 =	vand.u32 $0x7, v3  }
0x1fd: {  	v3 =	vor.u32 v3, v4  }
0x1fe: {  	v4 =	vperm.xlane v3, v0;
	_ =	sdelay $0x1  }
0x1ff: {  	v4 =	vadd.s32 v1, v4;
	_ =	sdelay $0x1  }
0x200: {  	v3 =	vperm.xlane v3, v2;
	_ =	sdelay $0x1  }
0x201: {  	s28 =	simm.s32 $0x12100;
	v3 =	vadd.s32 v1, v3  }
0x202: {  	[tilespmem:s28], [sflag:$0x2] =	stream.indirect_vreg.gather [hbm4b:s1+s3], $0x80, v4, vm0, $0xb8;
	[tilespmem:$0x18100] =	vst v63  }
0x203: {  	s28 =	simm.s32 $0x12900  }
0x204: {  	[tilespmem:s28], [sflag:$0x2] =	stream.indirect_vreg.gather [hbm4b:s4+s3], $0x80, v4, vm1, $0xb8;
	[tilespmem:$0x18100] =	vst v63  }
0x205: {  	s28 =	simm.s32 $0x12D00  }
0x206: {  	[tilespmem:s28], [sflag:$0x2] =	stream.indirect_vreg.gather [hbm4b:s1+s3], $0x80, v3, vm0, $0xb8;
	[tilespmem:$0x18100] =	vst v63  }
0x207: {  	s28 =	simm.s32 $0x13500  }
0x208: {  	[tilespmem:s28], [sflag:$0x2] =	stream.indirect_vreg.gather [hbm4b:s4+s3], $0x80, v3, vm1, $0xb8;
	[tilespmem:$0x18100] =	vst v63  }
0x209: {  	v3 =	vld [tilespmem:$0xD0];
	_ =	sdelay $0x4  }
0x20a: {  	v29 =	vshrl.u32 v3, $0x3  }
0x20b: {  	v4 =	vmul.u32 $0x18, v29  }
0x20c: {  	v3 =	vand.u32 $0x7, v3  }
0x20d: {  	v3 =	vor.u32 v3, v4  }
0x20e: {  	v4 =	vperm.xlane v3, v0;
	_ =	sdelay $0x1  }
0x20f: {  	v4 =	vadd.s32 v1, v4;
	_ =	sdelay $0x1  }
0x210: {  	v3 =	vperm.xlane v3, v2;
	_ =	sdelay $0x1  }
0x211: {  	s28 =	simm.s32 $0x13900;
	v3 =	vadd.s32 v1, v3  }
0x212: {  	[tilespmem:s28], [sflag:$0x2] =	stream.indirect_vreg.gather [hbm4b:s1+s3], $0x80, v4, vm0, $0xb8;
	[tilespmem:$0x18100] =	vst v63  }
0x213: {  	s28 =	simm.s32 $0x14100  }
0x214: {  	[tilespmem:s28], [sflag:$0x2] =	stream.indirect_vreg.gather [hbm4b:s4+s3], $0x80, v4, vm1, $0xb8;
	[tilespmem:$0x18100] =	vst v63  }
0x215: {  	s28 =	simm.s32 $0x14500  }
0x216: {  	[tilespmem:s28], [sflag:$0x2] =	stream.indirect_vreg.gather [hbm4b:s1+s3], $0x80, v3, vm0, $0xb8;
	[tilespmem:$0x18100] =	vst v63  }
0x217: {  	s28 =	simm.s32 $0x14D00  }
0x218: {  	[tilespmem:s28], [sflag:$0x2] =	stream.indirect_vreg.gather [hbm4b:s4+s3], $0x80, v3, vm1, $0xb8;
	[tilespmem:$0x18100] =	vst v63  }
0x219: {  	v3 =	vld [tilespmem:$0xE0];
	_ =	sdelay $0x4  }
0x21a: {  	v30 =	vshrl.u32 v3, $0x3  }
0x21b: {  	v4 =	vmul.u32 $0x18, v30  }
0x21c: {  	v3 =	vand.u32 $0x7, v3  }
0x21d: {  	v3 =	vor.u32 v3, v4  }
0x21e: {  	v4 =	vperm.xlane v3, v0;
	_ =	sdelay $0x1  }
0x21f: {  	v4 =	vadd.s32 v1, v4;
	_ =	sdelay $0x1  }
0x220: {  	v3 =	vperm.xlane v3, v2;
	_ =	sdelay $0x1  }
0x221: {  	s28 =	simm.s32 $0x15100;
	v3 =	vadd.s32 v1, v3  }
0x222: {  	[tilespmem:s28], [sflag:$0x2] =	stream.indirect_vreg.gather [hbm4b:s1+s3], $0x80, v4, vm0, $0xb8;
	[tilespmem:$0x18100] =	vst v63  }
0x223: {  	s28 =	simm.s32 $0x15900  }
0x224: {  	[tilespmem:s28], [sflag:$0x2] =	stream.indirect_vreg.gather [hbm4b:s4+s3], $0x80, v4, vm1, $0xb8;
	[tilespmem:$0x18100] =	vst v63  }
0x225: {  	s28 =	simm.s32 $0x15D00  }
0x226: {  	[tilespmem:s28], [sflag:$0x2] =	stream.indirect_vreg.gather [hbm4b:s1+s3], $0x80, v3, vm0, $0xb8;
	[tilespmem:$0x18100] =	vst v63  }
0x227: {  	s28 =	simm.s32 $0x16500  }
0x228: {  	[tilespmem:s28], [sflag:$0x2] =	stream.indirect_vreg.gather [hbm4b:s4+s3], $0x80, v3, vm1, $0xb8;
	[tilespmem:$0x18100] =	vst v63  }
0x229: {  	v3 =	vld [tilespmem:$0xF0];
	_ =	sdelay $0x4  }
0x22a: {  	v31 =	vshrl.u32 v3, $0x3  }
0x22b: {  	v4 =	vmul.u32 $0x18, v31  }
0x22c: {  	v3 =	vand.u32 $0x7, v3  }
0x22d: {  	v3 =	vor.u32 v3, v4  }
0x22e: {  	v4 =	vperm.xlane v3, v0;
	_ =	sdelay $0x1  }
0x22f: {  	v4 =	vadd.s32 v1, v4;
	_ =	sdelay $0x1  }
0x230: {  	v3 =	vperm.xlane v3, v2;
	_ =	sdelay $0x1  }
0x231: {  	s28 =	simm.s32 $0x16900;
	v3 =	vadd.s32 v1, v3  }
0x232: {  	[tilespmem:s28], [sflag:$0x2] =	stream.indirect_vreg.gather [hbm4b:s1+s3], $0x80, v4, vm0, $0xb8;
	[tilespmem:$0x18100] =	vst v63  }
0x233: {  	s28 =	simm.s32 $0x17100  }
0x234: {  	[tilespmem:s28], [sflag:$0x2] =	stream.indirect_vreg.gather [hbm4b:s4+s3], $0x80, v4, vm1, $0xb8;
	[tilespmem:$0x18100] =	vst v63  }
0x235: {  	s28 =	simm.s32 $0x17500  }
0x236: {  	[tilespmem:s28], [sflag:$0x2] =	stream.indirect_vreg.gather [hbm4b:s1+s3], $0x80, v3, vm0, $0xb8;
	[tilespmem:$0x18100] =	vst v63  }
0x237: {  	s28 =	simm.s32 $0x17D00  }
0x238: {  	[tilespmem:s28], [sflag:$0x2] =	stream.indirect_vreg.gather [hbm4b:s4+s3], $0x80, v3, vm1, $0xb8;
	[tilespmem:$0x18100] =	vst v63  }
0x239: {  	_ =	swait.ge [sflag:s23], $0xC000  }
0x23a: {  	[sflag:s23] =	ssyncset.done $0x0  }
0x23b: {  	s0 =	simm.s32 $0x100;
	s28 =	rddreg [dreg:$0x9];
	[sflag:s23] =	ssyncadd.s32 $0xFFFF4000  }
0x23c: {  	[hbm4b:s28+s3] =	stream.linear.scatter [tilespmem:s0], [sflag:$0x3], $0xC000, $0x38;
	[tilespmem:$0x18100] =	vst v63  }
0x23d: {  	_ =	swait.ge [sflag:s24], $0xC000  }
0x23e: {  	[sflag:s24] =	ssyncset.done $0x0  }
0x23f: {  	s28 =	rddreg [dreg:$0xa];
	[sflag:s24] =	ssyncadd.s32 $0xFFFF4000  }
0x240: {  	[tilespmem:s3], [sflag:$0x5] =	stream.linear.gather [hbm4b:s28+s3], $0x80, $0x38;
	[tilespmem:$0x18100] =	vst v63  }
0x241: {  	_ =	swait.ge [sflag:s6], $0x80  }
0x242: {  	[sflag:s6] =	ssyncset.done $0x0  }
0x243: {  	[sflag:s6] =	ssyncadd.s32 $0xFFFFFF80  }
0x244: {  	v3 =	vld [tilespmem:$0x0];
	_ =	sdelay $0x4  }
0x245: {  	v32 =	vshrl.u32 v3, $0x3  }
0x246: {  	v4 =	vmul.u32 $0x18, v32  }
0x247: {  	v3 =	vand.u32 $0x7, v3  }
0x248: {  	v3 =	vor.u32 v3, v4  }
0x249: {  	v4 =	vperm.xlane v3, v0;
	_ =	sdelay $0x1  }
0x24a: {  	v4 =	vadd.s32 v1, v4;
	_ =	sdelay $0x1  }
0x24b: {  	v3 =	vperm.xlane v3, v2;
	_ =	sdelay $0x1  }
0x24c: {  	v3 =	vadd.s32 v1, v3  }
0x24d: {  	[tilespmem:s0], [sflag:$0x1] =	stream.indirect_vreg.gather [hbm4b:s1+s3], $0x80, v4, vm0, $0xb8;
	[tilespmem:$0x18100] =	vst v63  }
0x24e: {  	s28 =	simm.s32 $0x900  }
0x24f: {  	[tilespmem:s28], [sflag:$0x1] =	stream.indirect_vreg.gather [hbm4b:s4+s3], $0x80, v4, vm1, $0xb8;
	[tilespmem:$0x18100] =	vst v63  }
0x250: {  	_ = 	snop  }
0x251: {  	[tilespmem:s15], [sflag:$0x1] =	stream.indirect_vreg.gather [hbm4b:s1+s3], $0x80, v3, vm0, $0xb8;
	[tilespmem:$0x18100] =	vst v63  }
0x252: {  	s15 =	simm.s32 $0x1500  }
0x253: {  	[tilespmem:s15], [sflag:$0x1] =	stream.indirect_vreg.gather [hbm4b:s4+s3], $0x80, v3, vm1, $0xb8;
	[tilespmem:$0x18100] =	vst v63  }
0x254: {  	v3 =	vld [tilespmem:$0x10];
	_ =	sdelay $0x4  }
0x255: {  	v33 =	vshrl.u32 v3, $0x3  }
0x256: {  	v4 =	vmul.u32 $0x18, v33  }
0x257: {  	v3 =	vand.u32 $0x7, v3  }
0x258: {  	v3 =	vor.u32 v3, v4  }
0x259: {  	v4 =	vperm.xlane v3, v0;
	_ =	sdelay $0x1  }
0x25a: {  	v4 =	vadd.s32 v1, v4;
	_ =	sdelay $0x1  }
0x25b: {  	v3 =	vperm.xlane v3, v2;
	_ =	sdelay $0x1  }
0x25c: {  	v3 =	vadd.s32 v1, v3  }
0x25d: {  	[tilespmem:s17], [sflag:$0x1] =	stream.indirect_vreg.gather [hbm4b:s1+s3], $0x80, v4, vm0, $0xb8;
	[tilespmem:$0x18100] =	vst v63  }
0x25e: {  	_ = 	snop  }
0x25f: {  	[tilespmem:s18], [sflag:$0x1] =	stream.indirect_vreg.gather [hbm4b:s4+s3], $0x80, v4, vm1, $0xb8;
	[tilespmem:$0x18100] =	vst v63  }
0x260: {  	_ = 	snop  }
0x261: {  	[tilespmem:s19], [sflag:$0x1] =	stream.indirect_vreg.gather [hbm4b:s1+s3], $0x80, v3, vm0, $0xb8;
	[tilespmem:$0x18100] =	vst v63  }
0x262: {  	s19 =	simm.s32 $0x2D00  }
0x263: {  	[tilespmem:s19], [sflag:$0x1] =	stream.indirect_vreg.gather [hbm4b:s4+s3], $0x80, v3, vm1, $0xb8;
	[tilespmem:$0x18100] =	vst v63  }
0x264: {  	v3 =	vld [tilespmem:$0x20];
	_ =	sdelay $0x4  }
0x265: {  	v34 =	vshrl.u32 v3, $0x3  }
0x266: {  	v4 =	vmul.u32 $0x18, v34  }
0x267: {  	v3 =	vand.u32 $0x7, v3  }
0x268: {  	v3 =	vor.u32 v3, v4  }
0x269: {  	v4 =	vperm.xlane v3, v0;
	_ =	sdelay $0x1  }
0x26a: {  	v4 =	vadd.s32 v1, v4;
	_ =	sdelay $0x1  }
0x26b: {  	v3 =	vperm.xlane v3, v2;
	_ =	sdelay $0x1  }
0x26c: {  	v3 =	vadd.s32 v1, v3  }
0x26d: {  	[tilespmem:s20], [sflag:$0x1] =	stream.indirect_vreg.gather [hbm4b:s1+s3], $0x80, v4, vm0, $0xb8;
	[tilespmem:$0x18100] =	vst v63  }
0x26e: {  	_ = 	snop  }
0x26f: {  	[tilespmem:s21], [sflag:$0x1] =	stream.indirect_vreg.gather [hbm4b:s4+s3], $0x80, v4, vm1, $0xb8;
	[tilespmem:$0x18100] =	vst v63  }
0x270: {  	_ = 	snop  }
0x271: {  	[tilespmem:s22], [sflag:$0x1] =	stream.indirect_vreg.gather [hbm4b:s1+s3], $0x80, v3, vm0, $0xb8;
	[tilespmem:$0x18100] =	vst v63  }
0x272: {  	s28 =	simm.s32 $0x4500  }
0x273: {  	[tilespmem:s28], [sflag:$0x1] =	stream.indirect_vreg.gather [hbm4b:s4+s3], $0x80, v3, vm1, $0xb8;
	[tilespmem:$0x18100] =	vst v63  }
0x274: {  	v3 =	vld [tilespmem:$0x30];
	_ =	sdelay $0x4  }
0x275: {  	v35 =	vshrl.u32 v3, $0x3  }
0x276: {  	v4 =	vmul.u32 $0x18, v35  }
0x277: {  	v3 =	vand.u32 $0x7, v3  }
0x278: {  	v3 =	vor.u32 v3, v4  }
0x279: {  	v4 =	vperm.xlane v3, v0;
	_ =	sdelay $0x1  }
0x27a: {  	v4 =	vadd.s32 v1, v4;
	_ =	sdelay $0x1  }
0x27b: {  	v3 =	vperm.xlane v3, v2;
	_ =	sdelay $0x1  }
0x27c: {  	v3 =	vadd.s32 v1, v3  }
0x27d: {  	[tilespmem:s29], [sflag:$0x1] =	stream.indirect_vreg.gather [hbm4b:s1+s3], $0x80, v4, vm0, $0xb8;
	[tilespmem:$0x18100] =	vst v63  }
0x27e: {  	_ = 	snop  }
0x27f: {  	[tilespmem:s30], [sflag:$0x1] =	stream.indirect_vreg.gather [hbm4b:s4+s3], $0x80, v4, vm1, $0xb8;
	[tilespmem:$0x18100] =	vst v63  }
0x280: {  	_ = 	snop  }
0x281: {  	[tilespmem:s31], [sflag:$0x1] =	stream.indirect_vreg.gather [hbm4b:s1+s3], $0x80, v3, vm0, $0xb8;
	[tilespmem:$0x18100] =	vst v63  }
0x282: {  	s31 =	simm.s32 $0x5D00  }
0x283: {  	[tilespmem:s31], [sflag:$0x1] =	stream.indirect_vreg.gather [hbm4b:s4+s3], $0x80, v3, vm1, $0xb8;
	[tilespmem:$0x18100] =	vst v63  }
0x284: {  	v3 =	vld [tilespmem:$0x40];
	_ =	sdelay $0x4  }
0x285: {  	v36 =	vshrl.u32 v3, $0x3  }
0x286: {  	v4 =	vmul.u32 $0x18, v36  }
0x287: {  	v3 =	vand.u32 $0x7, v3  }
0x288: {  	v3 =	vor.u32 v3, v4  }
0x289: {  	v4 =	vperm.xlane v3, v0;
	_ =	sdelay $0x1  }
0x28a: {  	v4 =	vadd.s32 v1, v4;
	_ =	sdelay $0x1  }
0x28b: {  	v3 =	vperm.xlane v3, v2;
	_ =	sdelay $0x1  }
0x28c: {  	v3 =	vadd.s32 v1, v3  }
0x28d: {  	[tilespmem:s8], [sflag:$0x1] =	stream.indirect_vreg.gather [hbm4b:s1+s3], $0x80, v4, vm0, $0xb8;
	[tilespmem:$0x18100] =	vst v63  }
0x28e: {  	_ = 	snop  }
0x28f: {  	[tilespmem:s9], [sflag:$0x1] =	stream.indirect_vreg.gather [hbm4b:s4+s3], $0x80, v4, vm1, $0xb8;
	[tilespmem:$0x18100] =	vst v63  }
0x290: {  	_ = 	snop  }
0x291: {  	[tilespmem:s10], [sflag:$0x1] =	stream.indirect_vreg.gather [hbm4b:s1+s3], $0x80, v3, vm0, $0xb8;
	[tilespmem:$0x18100] =	vst v63  }
0x292: {  	s28 =	simm.s32 $0x7500  }
0x293: {  	[tilespmem:s28], [sflag:$0x1] =	stream.indirect_vreg.gather [hbm4b:s4+s3], $0x80, v3, vm1, $0xb8;
	[tilespmem:$0x18100] =	vst v63  }
0x294: {  	v3 =	vld [tilespmem:$0x50];
	_ =	sdelay $0x4  }
0x295: {  	v37 =	vshrl.u32 v3, $0x3  }
0x296: {  	v4 =	vmul.u32 $0x18, v37  }
0x297: {  	v3 =	vand.u32 $0x7, v3  }
0x298: {  	v3 =	vor.u32 v3, v4  }
0x299: {  	v4 =	vperm.xlane v3, v0;
	_ =	sdelay $0x1  }
0x29a: {  	v4 =	vadd.s32 v1, v4;
	_ =	sdelay $0x1  }
0x29b: {  	v3 =	vperm.xlane v3, v2;
	_ =	sdelay $0x1  }
0x29c: {  	v3 =	vadd.s32 v1, v3  }
0x29d: {  	[tilespmem:s11], [sflag:$0x1] =	stream.indirect_vreg.gather [hbm4b:s1+s3], $0x80, v4, vm0, $0xb8;
	[tilespmem:$0x18100] =	vst v63  }
0x29e: {  	_ = 	snop  }
0x29f: {  	[tilespmem:s12], [sflag:$0x1] =	stream.indirect_vreg.gather [hbm4b:s4+s3], $0x80, v4, vm1, $0xb8;
	[tilespmem:$0x18100] =	vst v63  }
0x2a0: {  	_ = 	snop  }
0x2a1: {  	[tilespmem:s13], [sflag:$0x1] =	stream.indirect_vreg.gather [hbm4b:s1+s3], $0x80, v3, vm0, $0xb8;
	[tilespmem:$0x18100] =	vst v63  }
0x2a2: {  	s31 =	simm.s32 $0x8D00  }
0x2a3: {  	[tilespmem:s31], [sflag:$0x1] =	stream.indirect_vreg.gather [hbm4b:s4+s3], $0x80, v3, vm1, $0xb8;
	[tilespmem:$0x18100] =	vst v63  }
0x2a4: {  	v3 =	vld [tilespmem:$0x60];
	_ =	sdelay $0x4  }
0x2a5: {  	v38 =	vshrl.u32 v3, $0x3  }
0x2a6: {  	v4 =	vmul.u32 $0x18, v38  }
0x2a7: {  	v3 =	vand.u32 $0x7, v3  }
0x2a8: {  	v3 =	vor.u32 v3, v4  }
0x2a9: {  	v4 =	vperm.xlane v3, v0;
	_ =	sdelay $0x1  }
0x2aa: {  	v4 =	vadd.s32 v1, v4;
	_ =	sdelay $0x1  }
0x2ab: {  	v3 =	vperm.xlane v3, v2;
	_ =	sdelay $0x1  }
0x2ac: {  	v3 =	vadd.s32 v1, v3  }
0x2ad: {  	[tilespmem:s14], [sflag:$0x1] =	stream.indirect_vreg.gather [hbm4b:s1+s3], $0x80, v4, vm0, $0xb8;
	[tilespmem:$0x18100] =	vst v63  }
0x2ae: {  	_ = 	snop  }
0x2af: {  	[tilespmem:s16], [sflag:$0x1] =	stream.indirect_vreg.gather [hbm4b:s4+s3], $0x80, v4, vm1, $0xb8;
	[tilespmem:$0x18100] =	vst v63  }
0x2b0: {  	_ = 	snop  }
0x2b1: {  	[tilespmem:s7], [sflag:$0x1] =	stream.indirect_vreg.gather [hbm4b:s1+s3], $0x80, v3, vm0, $0xb8;
	[tilespmem:$0x18100] =	vst v63  }
0x2b2: {  	s7 =	simm.s32 $0xA500  }
0x2b3: {  	[tilespmem:s7], [sflag:$0x1] =	stream.indirect_vreg.gather [hbm4b:s4+s3], $0x80, v3, vm1, $0xb8;
	[tilespmem:$0x18100] =	vst v63  }
0x2b4: {  	v3 =	vld [tilespmem:$0x70];
	_ =	sdelay $0x4  }
0x2b5: {  	v39 =	vshrl.u32 v3, $0x3  }
0x2b6: {  	v4 =	vmul.u32 $0x18, v39  }
0x2b7: {  	v3 =	vand.u32 $0x7, v3  }
0x2b8: {  	v3 =	vor.u32 v3, v4  }
0x2b9: {  	v4 =	vperm.xlane v3, v0;
	_ =	sdelay $0x1  }
0x2ba: {  	v4 =	vadd.s32 v1, v4;
	_ =	sdelay $0x1  }
0x2bb: {  	v3 =	vperm.xlane v3, v2;
	_ =	sdelay $0x1  }
0x2bc: {  	s31 =	simm.s32 $0xA900;
	v3 =	vadd.s32 v1, v3  }
0x2bd: {  	[tilespmem:s31], [sflag:$0x1] =	stream.indirect_vreg.gather [hbm4b:s1+s3], $0x80, v4, vm0, $0xb8;
	[tilespmem:$0x18100] =	vst v63  }
0x2be: {  	s7 =	simm.s32 $0xB100  }
0x2bf: {  	[tilespmem:s7], [sflag:$0x1] =	stream.indirect_vreg.gather [hbm4b:s4+s3], $0x80, v4, vm1, $0xb8;
	[tilespmem:$0x18100] =	vst v63  }
0x2c0: {  	s8 =	simm.s32 $0xB500  }
0x2c1: {  	[tilespmem:s8], [sflag:$0x1] =	stream.indirect_vreg.gather [hbm4b:s1+s3], $0x80, v3, vm0, $0xb8;
	[tilespmem:$0x18100] =	vst v63  }
0x2c2: {  	s28 =	simm.s32 $0xBD00  }
0x2c3: {  	[tilespmem:s28], [sflag:$0x1] =	stream.indirect_vreg.gather [hbm4b:s4+s3], $0x80, v3, vm1, $0xb8;
	[tilespmem:$0x18100] =	vst v63  }
0x2c4: {  	_ =	swait.ge [sflag:s25], $0xC000  }
0x2c5: {  	[sflag:s25] =	ssyncset.done $0x0  }
0x2c6: {  	s2 =	simm.s32 $0xC100;
	s8 =	rddreg [dreg:$0xb];
	[sflag:s25] =	ssyncadd.s32 $0xFFFF4000  }
0x2c7: {  	[hbm4b:s8+s3] =	stream.linear.scatter [tilespmem:s2], [sflag:$0x4], $0xC000, $0x38;
	[tilespmem:$0x18100] =	vst v63  }
0x2c8: {  	_ =	swait.ge [sflag:s26], $0xC000  }
0x2c9: {  	[sflag:s26] =	ssyncset.done $0x0  }
0x2ca: {  	s8 =	simm.s32 $0x80;
	s0 =	rddreg [dreg:$0xc];
	[sflag:s26] =	ssyncadd.s32 $0xFFFF4000  }
0x2cb: {  	[tilespmem:s8], [sflag:$0x5] =	stream.linear.gather [hbm4b:s0+s3], $0x80, $0x38;
	[tilespmem:$0x18100] =	vst v63  }
0x2cc: {  	_ =	swait.ge [sflag:s6], $0x80  }
0x2cd: {  	[sflag:s6] =	ssyncset.done $0x0  }
0x2ce: {  	[sflag:s6] =	ssyncadd.s32 $0xFFFFFF80  }
0x2cf: {  	v3 =	vld [tilespmem:$0x80];
	_ =	sdelay $0x4  }
0x2d0: {  	v40 =	vshrl.u32 v3, $0x3  }
0x2d1: {  	v4 =	vmul.u32 $0x18, v40  }
0x2d2: {  	v3 =	vand.u32 $0x7, v3  }
0x2d3: {  	v3 =	vor.u32 v3, v4  }
0x2d4: {  	v4 =	vperm.xlane v3, v0;
	_ =	sdelay $0x1  }
0x2d5: {  	v4 =	vadd.s32 v1, v4;
	_ =	sdelay $0x1  }
0x2d6: {  	v3 =	vperm.xlane v3, v2;
	_ =	sdelay $0x1  }
0x2d7: {  	v3 =	vadd.s32 v1, v3  }
0x2d8: {  	[tilespmem:s2], [sflag:$0x2] =	stream.indirect_vreg.gather [hbm4b:s1+s3], $0x80, v4, vm0, $0xb8;
	[tilespmem:$0x18100] =	vst v63  }
0x2d9: {  	s28 =	simm.s32 $0xC900  }
0x2da: {  	[tilespmem:s28], [sflag:$0x2] =	stream.indirect_vreg.gather [hbm4b:s4+s3], $0x80, v4, vm1, $0xb8;
	[tilespmem:$0x18100] =	vst v63  }
0x2db: {  	s8 =	simm.s32 $0xCD00  }
0x2dc: {  	[tilespmem:s8], [sflag:$0x2] =	stream.indirect_vreg.gather [hbm4b:s1+s3], $0x80, v3, vm0, $0xb8;
	[tilespmem:$0x18100] =	vst v63  }
0x2dd: {  	s28 =	simm.s32 $0xD500  }
0x2de: {  	[tilespmem:s28], [sflag:$0x2] =	stream.indirect_vreg.gather [hbm4b:s4+s3], $0x80, v3, vm1, $0xb8;
	[tilespmem:$0x18100] =	vst v63  }
0x2df: {  	v3 =	vld [tilespmem:$0x90];
	_ =	sdelay $0x4  }
0x2e0: {  	v41 =	vshrl.u32 v3, $0x3  }
0x2e1: {  	v4 =	vmul.u32 $0x18, v41  }
0x2e2: {  	v3 =	vand.u32 $0x7, v3  }
0x2e3: {  	v3 =	vor.u32 v3, v4  }
0x2e4: {  	v4 =	vperm.xlane v3, v0;
	_ =	sdelay $0x1  }
0x2e5: {  	v4 =	vadd.s32 v1, v4;
	_ =	sdelay $0x1  }
0x2e6: {  	v3 =	vperm.xlane v3, v2;
	_ =	sdelay $0x1  }
0x2e7: {  	s8 =	simm.s32 $0xD900;
	v3 =	vadd.s32 v1, v3  }
0x2e8: {  	[tilespmem:s8], [sflag:$0x2] =	stream.indirect_vreg.gather [hbm4b:s1+s3], $0x80, v4, vm0, $0xb8;
	[tilespmem:$0x18100] =	vst v63  }
0x2e9: {  	s28 =	simm.s32 $0xE100  }
0x2ea: {  	[tilespmem:s28], [sflag:$0x2] =	stream.indirect_vreg.gather [hbm4b:s4+s3], $0x80, v4, vm1, $0xb8;
	[tilespmem:$0x18100] =	vst v63  }
0x2eb: {  	s8 =	simm.s32 $0xE500  }
0x2ec: {  	[tilespmem:s8], [sflag:$0x2] =	stream.indirect_vreg.gather [hbm4b:s1+s3], $0x80, v3, vm0, $0xb8;
	[tilespmem:$0x18100] =	vst v63  }
0x2ed: {  	s28 =	simm.s32 $0xED00  }
0x2ee: {  	[tilespmem:s28], [sflag:$0x2] =	stream.indirect_vreg.gather [hbm4b:s4+s3], $0x80, v3, vm1, $0xb8;
	[tilespmem:$0x18100] =	vst v63  }
0x2ef: {  	v3 =	vld [tilespmem:$0xA0];
	_ =	sdelay $0x4  }
0x2f0: {  	v42 =	vshrl.u32 v3, $0x3  }
0x2f1: {  	v4 =	vmul.u32 $0x18, v42  }
0x2f2: {  	v3 =	vand.u32 $0x7, v3  }
0x2f3: {  	v3 =	vor.u32 v3, v4  }
0x2f4: {  	v4 =	vperm.xlane v3, v0;
	_ =	sdelay $0x1  }
0x2f5: {  	v4 =	vadd.s32 v1, v4;
	_ =	sdelay $0x1  }
0x2f6: {  	v3 =	vperm.xlane v3, v2;
	_ =	sdelay $0x1  }
0x2f7: {  	s8 =	simm.s32 $0xF100;
	v3 =	vadd.s32 v1, v3  }
0x2f8: {  	[tilespmem:s8], [sflag:$0x2] =	stream.indirect_vreg.gather [hbm4b:s1+s3], $0x80, v4, vm0, $0xb8;
	[tilespmem:$0x18100] =	vst v63  }
0x2f9: {  	s28 =	simm.s32 $0xF900  }
0x2fa: {  	[tilespmem:s28], [sflag:$0x2] =	stream.indirect_vreg.gather [hbm4b:s4+s3], $0x80, v4, vm1, $0xb8;
	[tilespmem:$0x18100] =	vst v63  }
0x2fb: {  	s8 =	simm.s32 $0xFD00  }
0x2fc: {  	[tilespmem:s8], [sflag:$0x2] =	stream.indirect_vreg.gather [hbm4b:s1+s3], $0x80, v3, vm0, $0xb8;
	[tilespmem:$0x18100] =	vst v63  }
0x2fd: {  	s28 =	simm.s32 $0x10500  }
0x2fe: {  	[tilespmem:s28], [sflag:$0x2] =	stream.indirect_vreg.gather [hbm4b:s4+s3], $0x80, v3, vm1, $0xb8;
	[tilespmem:$0x18100] =	vst v63  }
0x2ff: {  	v3 =	vld [tilespmem:$0xB0];
	_ =	sdelay $0x4  }
0x300: {  	v43 =	vshrl.u32 v3, $0x3  }
0x301: {  	v4 =	vmul.u32 $0x18, v43  }
0x302: {  	v3 =	vand.u32 $0x7, v3  }
0x303: {  	v3 =	vor.u32 v3, v4  }
0x304: {  	v4 =	vperm.xlane v3, v0;
	_ =	sdelay $0x1  }
0x305: {  	v4 =	vadd.s32 v1, v4;
	_ =	sdelay $0x1  }
0x306: {  	v3 =	vperm.xlane v3, v2;
	_ =	sdelay $0x1  }
0x307: {  	s8 =	simm.s32 $0x10900;
	v3 =	vadd.s32 v1, v3  }
0x308: {  	[tilespmem:s8], [sflag:$0x2] =	stream.indirect_vreg.gather [hbm4b:s1+s3], $0x80, v4, vm0, $0xb8;
	[tilespmem:$0x18100] =	vst v63  }
0x309: {  	s28 =	simm.s32 $0x11100  }
0x30a: {  	[tilespmem:s28], [sflag:$0x2] =	stream.indirect_vreg.gather [hbm4b:s4+s3], $0x80, v4, vm1, $0xb8;
	[tilespmem:$0x18100] =	vst v63  }
0x30b: {  	s8 =	simm.s32 $0x11500  }
0x30c: {  	[tilespmem:s8], [sflag:$0x2] =	stream.indirect_vreg.gather [hbm4b:s1+s3], $0x80, v3, vm0, $0xb8;
	[tilespmem:$0x18100] =	vst v63  }
0x30d: {  	s28 =	simm.s32 $0x11D00  }
0x30e: {  	[tilespmem:s28], [sflag:$0x2] =	stream.indirect_vreg.gather [hbm4b:s4+s3], $0x80, v3, vm1, $0xb8;
	[tilespmem:$0x18100] =	vst v63  }
0x30f: {  	v3 =	vld [tilespmem:$0xC0];
	_ =	sdelay $0x4  }
0x310: {  	v44 =	vshrl.u32 v3, $0x3  }
0x311: {  	v4 =	vmul.u32 $0x18, v44  }
0x312: {  	v3 =	vand.u32 $0x7, v3  }
0x313: {  	v3 =	vor.u32 v3, v4  }
0x314: {  	v4 =	vperm.xlane v3, v0;
	_ =	sdelay $0x1  }
0x315: {  	v4 =	vadd.s32 v1, v4;
	_ =	sdelay $0x1  }
0x316: {  	v3 =	vperm.xlane v3, v2;
	_ =	sdelay $0x1  }
0x317: {  	s8 =	simm.s32 $0x12100;
	v3 =	vadd.s32 v1, v3  }
0x318: {  	[tilespmem:s8], [sflag:$0x2] =	stream.indirect_vreg.gather [hbm4b:s1+s3], $0x80, v4, vm0, $0xb8;
	[tilespmem:$0x18100] =	vst v63  }
0x319: {  	s28 =	simm.s32 $0x12900  }
0x31a: {  	[tilespmem:s28], [sflag:$0x2] =	stream.indirect_vreg.gather [hbm4b:s4+s3], $0x80, v4, vm1, $0xb8;
	[tilespmem:$0x18100] =	vst v63  }
0x31b: {  	s8 =	simm.s32 $0x12D00  }
0x31c: {  	[tilespmem:s8], [sflag:$0x2] =	stream.indirect_vreg.gather [hbm4b:s1+s3], $0x80, v3, vm0, $0xb8;
	[tilespmem:$0x18100] =	vst v63  }
0x31d: {  	s28 =	simm.s32 $0x13500  }
0x31e: {  	[tilespmem:s28], [sflag:$0x2] =	stream.indirect_vreg.gather [hbm4b:s4+s3], $0x80, v3, vm1, $0xb8;
	[tilespmem:$0x18100] =	vst v63  }
0x31f: {  	v3 =	vld [tilespmem:$0xD0];
	_ =	sdelay $0x4  }
0x320: {  	v45 =	vshrl.u32 v3, $0x3  }
0x321: {  	v4 =	vmul.u32 $0x18, v45  }
0x322: {  	v3 =	vand.u32 $0x7, v3  }
0x323: {  	v3 =	vor.u32 v3, v4  }
0x324: {  	v4 =	vperm.xlane v3, v0;
	_ =	sdelay $0x1  }
0x325: {  	v4 =	vadd.s32 v1, v4;
	_ =	sdelay $0x1  }
0x326: {  	v3 =	vperm.xlane v3, v2;
	_ =	sdelay $0x1  }
0x327: {  	s8 =	simm.s32 $0x13900;
	v3 =	vadd.s32 v1, v3  }
0x328: {  	[tilespmem:s8], [sflag:$0x2] =	stream.indirect_vreg.gather [hbm4b:s1+s3], $0x80, v4, vm0, $0xb8;
	[tilespmem:$0x18100] =	vst v63  }
0x329: {  	s28 =	simm.s32 $0x14100  }
0x32a: {  	[tilespmem:s28], [sflag:$0x2] =	stream.indirect_vreg.gather [hbm4b:s4+s3], $0x80, v4, vm1, $0xb8;
	[tilespmem:$0x18100] =	vst v63  }
0x32b: {  	s8 =	simm.s32 $0x14500  }
0x32c: {  	[tilespmem:s8], [sflag:$0x2] =	stream.indirect_vreg.gather [hbm4b:s1+s3], $0x80, v3, vm0, $0xb8;
	[tilespmem:$0x18100] =	vst v63  }
0x32d: {  	s28 =	simm.s32 $0x14D00  }
0x32e: {  	[tilespmem:s28], [sflag:$0x2] =	stream.indirect_vreg.gather [hbm4b:s4+s3], $0x80, v3, vm1, $0xb8;
	[tilespmem:$0x18100] =	vst v63  }
0x32f: {  	v3 =	vld [tilespmem:$0xE0];
	_ =	sdelay $0x4  }
0x330: {  	v46 =	vshrl.u32 v3, $0x3  }
0x331: {  	v4 =	vmul.u32 $0x18, v46  }
0x332: {  	v3 =	vand.u32 $0x7, v3  }
0x333: {  	v3 =	vor.u32 v3, v4  }
0x334: {  	v4 =	vperm.xlane v3, v0;
	_ =	sdelay $0x1  }
0x335: {  	v4 =	vadd.s32 v1, v4;
	_ =	sdelay $0x1  }
0x336: {  	v3 =	vperm.xlane v3, v2;
	_ =	sdelay $0x1  }
0x337: {  	s8 =	simm.s32 $0x15100;
	v3 =	vadd.s32 v1, v3  }
0x338: {  	[tilespmem:s8], [sflag:$0x2] =	stream.indirect_vreg.gather [hbm4b:s1+s3], $0x80, v4, vm0, $0xb8;
	[tilespmem:$0x18100] =	vst v63  }
0x339: {  	s28 =	simm.s32 $0x15900  }
0x33a: {  	[tilespmem:s28], [sflag:$0x2] =	stream.indirect_vreg.gather [hbm4b:s4+s3], $0x80, v4, vm1, $0xb8;
	[tilespmem:$0x18100] =	vst v63  }
0x33b: {  	s8 =	simm.s32 $0x15D00  }
0x33c: {  	[tilespmem:s8], [sflag:$0x2] =	stream.indirect_vreg.gather [hbm4b:s1+s3], $0x80, v3, vm0, $0xb8;
	[tilespmem:$0x18100] =	vst v63  }
0x33d: {  	s28 =	simm.s32 $0x16500  }
0x33e: {  	[tilespmem:s28], [sflag:$0x2] =	stream.indirect_vreg.gather [hbm4b:s4+s3], $0x80, v3, vm1, $0xb8;
	[tilespmem:$0x18100] =	vst v63  }
0x33f: {  	v3 =	vld [tilespmem:$0xF0];
	_ =	sdelay $0x4  }
0x340: {  	v47 =	vshrl.u32 v3, $0x3  }
0x341: {  	v4 =	vmul.u32 $0x18, v47  }
0x342: {  	v3 =	vand.u32 $0x7, v3  }
0x343: {  	v3 =	vor.u32 v3, v4  }
0x344: {  	v4 =	vperm.xlane v3, v0;
	_ =	sdelay $0x1  }
0x345: {  	v4 =	vadd.s32 v1, v4;
	_ =	sdelay $0x1  }
0x346: {  	v3 =	vperm.xlane v3, v2;
	_ =	sdelay $0x1  }
0x347: {  	s8 =	simm.s32 $0x16900;
	v3 =	vadd.s32 v1, v3  }
0x348: {  	[tilespmem:s8], [sflag:$0x2] =	stream.indirect_vreg.gather [hbm4b:s1+s3], $0x80, v4, vm0, $0xb8;
	[tilespmem:$0x18100] =	vst v63  }
0x349: {  	s28 =	simm.s32 $0x17100  }
0x34a: {  	[tilespmem:s28], [sflag:$0x2] =	stream.indirect_vreg.gather [hbm4b:s4+s3], $0x80, v4, vm1, $0xb8;
	[tilespmem:$0x18100] =	vst v63  }
0x34b: {  	s8 =	simm.s32 $0x17500  }
0x34c: {  	[tilespmem:s8], [sflag:$0x2] =	stream.indirect_vreg.gather [hbm4b:s1+s3], $0x80, v3, vm0, $0xb8;
	[tilespmem:$0x18100] =	vst v63  }
0x34d: {  	s28 =	simm.s32 $0x17D00  }
0x34e: {  	[tilespmem:s28], [sflag:$0x2] =	stream.indirect_vreg.gather [hbm4b:s4+s3], $0x80, v3, vm1, $0xb8;
	[tilespmem:$0x18100] =	vst v63  }
0x34f: {  	_ =	swait.ge [sflag:s23], $0xC000  }
0x350: {  	[sflag:s23] =	ssyncset.done $0x0  }
0x351: {  	s2 =	simm.s32 $0x100;
	s8 =	rddreg [dreg:$0xd];
	[sflag:s23] =	ssyncadd.s32 $0xFFFF4000  }
0x352: {  	[hbm4b:s8+s3] =	stream.linear.scatter [tilespmem:s2], [sflag:$0x3], $0xC000, $0x38;
	[tilespmem:$0x18100] =	vst v63  }
0x353: {  	_ =	swait.ge [sflag:s24], $0xC000  }
0x354: {  	[sflag:s24] =	ssyncset.done $0x0  }
0x355: {  	s8 =	rddreg [dreg:$0xe];
	[sflag:s24] =	ssyncadd.s32 $0xFFFF4000  }
0x356: {  	[tilespmem:s3], [sflag:$0x5] =	stream.linear.gather [hbm4b:s8+s3], $0x80, $0x38;
	[tilespmem:$0x18100] =	vst v63  }
0x357: {  	_ =	swait.ge [sflag:s6], $0x80  }
0x358: {  	[sflag:s6] =	ssyncset.done $0x0  }
0x359: {  	[sflag:s6] =	ssyncadd.s32 $0xFFFFFF80  }
0x35a: {  	v3 =	vld [tilespmem:$0x0];
	_ =	sdelay $0x4  }
0x35b: {  	v48 =	vshrl.u32 v3, $0x3  }
0x35c: {  	v4 =	vmul.u32 $0x18, v48  }
0x35d: {  	v3 =	vand.u32 $0x7, v3  }
0x35e: {  	v3 =	vor.u32 v3, v4  }
0x35f: {  	v4 =	vperm.xlane v3, v0;
	_ =	sdelay $0x1  }
0x360: {  	v4 =	vadd.s32 v1, v4;
	_ =	sdelay $0x1  }
0x361: {  	v3 =	vperm.xlane v3, v2;
	_ =	sdelay $0x1  }
0x362: {  	v3 =	vadd.s32 v1, v3  }
0x363: {  	[tilespmem:s2], [sflag:$0x1] =	stream.indirect_vreg.gather [hbm4b:s1+s3], $0x80, v4, vm0, $0xb8;
	[tilespmem:$0x18100] =	vst v63  }
0x364: {  	s28 =	simm.s32 $0x900  }
0x365: {  	[tilespmem:s28], [sflag:$0x1] =	stream.indirect_vreg.gather [hbm4b:s4+s3], $0x80, v4, vm1, $0xb8;
	[tilespmem:$0x18100] =	vst v63  }
0x366: {  	s28 =	simm.s32 $0xD00  }
0x367: {  	[tilespmem:s28], [sflag:$0x1] =	stream.indirect_vreg.gather [hbm4b:s1+s3], $0x80, v3, vm0, $0xb8;
	[tilespmem:$0x18100] =	vst v63  }
0x368: {  	s28 =	simm.s32 $0x1500  }
0x369: {  	[tilespmem:s28], [sflag:$0x1] =	stream.indirect_vreg.gather [hbm4b:s4+s3], $0x80, v3, vm1, $0xb8;
	[tilespmem:$0x18100] =	vst v63  }
0x36a: {  	v3 =	vld [tilespmem:$0x10];
	_ =	sdelay $0x4  }
0x36b: {  	v49 =	vshrl.u32 v3, $0x3  }
0x36c: {  	v4 =	vmul.u32 $0x18, v49  }
0x36d: {  	v3 =	vand.u32 $0x7, v3  }
0x36e: {  	v3 =	vor.u32 v3, v4  }
0x36f: {  	v4 =	vperm.xlane v3, v0;
	_ =	sdelay $0x1  }
0x370: {  	v4 =	vadd.s32 v1, v4;
	_ =	sdelay $0x1  }
0x371: {  	v3 =	vperm.xlane v3, v2;
	_ =	sdelay $0x1  }
0x372: {  	s15 =	simm.s32 $0x1900;
	v3 =	vadd.s32 v1, v3  }
0x373: {  	[tilespmem:s15], [sflag:$0x1] =	stream.indirect_vreg.gather [hbm4b:s1+s3], $0x80, v4, vm0, $0xb8;
	[tilespmem:$0x18100] =	vst v63  }
0x374: {  	s17 =	simm.s32 $0x2100  }
0x375: {  	[tilespmem:s17], [sflag:$0x1] =	stream.indirect_vreg.gather [hbm4b:s4+s3], $0x80, v4, vm1, $0xb8;
	[tilespmem:$0x18100] =	vst v63  }
0x376: {  	s18 =	simm.s32 $0x2500  }
0x377: {  	[tilespmem:s18], [sflag:$0x1] =	stream.indirect_vreg.gather [hbm4b:s1+s3], $0x80, v3, vm0, $0xb8;
	[tilespmem:$0x18100] =	vst v63  }
0x378: {  	s18 =	simm.s32 $0x2D00  }
0x379: {  	[tilespmem:s18], [sflag:$0x1] =	stream.indirect_vreg.gather [hbm4b:s4+s3], $0x80, v3, vm1, $0xb8;
	[tilespmem:$0x18100] =	vst v63  }
0x37a: {  	v3 =	vld [tilespmem:$0x20];
	_ =	sdelay $0x4  }
0x37b: {  	v50 =	vshrl.u32 v3, $0x3  }
0x37c: {  	v4 =	vmul.u32 $0x18, v50  }
0x37d: {  	v3 =	vand.u32 $0x7, v3  }
0x37e: {  	v3 =	vor.u32 v3, v4  }
0x37f: {  	v4 =	vperm.xlane v3, v0;
	_ =	sdelay $0x1  }
0x380: {  	v4 =	vadd.s32 v1, v4;
	_ =	sdelay $0x1  }
0x381: {  	v3 =	vperm.xlane v3, v2;
	_ =	sdelay $0x1  }
0x382: {  	s19 =	simm.s32 $0x3100;
	v3 =	vadd.s32 v1, v3  }
0x383: {  	[tilespmem:s19], [sflag:$0x1] =	stream.indirect_vreg.gather [hbm4b:s1+s3], $0x80, v4, vm0, $0xb8;
	[tilespmem:$0x18100] =	vst v63  }
0x384: {  	s20 =	simm.s32 $0x3900  }
0x385: {  	[tilespmem:s20], [sflag:$0x1] =	stream.indirect_vreg.gather [hbm4b:s4+s3], $0x80, v4, vm1, $0xb8;
	[tilespmem:$0x18100] =	vst v63  }
0x386: {  	s21 =	simm.s32 $0x3D00  }
0x387: {  	[tilespmem:s21], [sflag:$0x1] =	stream.indirect_vreg.gather [hbm4b:s1+s3], $0x80, v3, vm0, $0xb8;
	[tilespmem:$0x18100] =	vst v63  }
0x388: {  	s19 =	simm.s32 $0x4500  }
0x389: {  	[tilespmem:s19], [sflag:$0x1] =	stream.indirect_vreg.gather [hbm4b:s4+s3], $0x80, v3, vm1, $0xb8;
	[tilespmem:$0x18100] =	vst v63  }
0x38a: {  	v3 =	vld [tilespmem:$0x30];
	_ =	sdelay $0x4  }
0x38b: {  	v51 =	vshrl.u32 v3, $0x3  }
0x38c: {  	v4 =	vmul.u32 $0x18, v51  }
0x38d: {  	v3 =	vand.u32 $0x7, v3  }
0x38e: {  	v3 =	vor.u32 v3, v4  }
0x38f: {  	v4 =	vperm.xlane v3, v0;
	_ =	sdelay $0x1  }
0x390: {  	v4 =	vadd.s32 v1, v4;
	_ =	sdelay $0x1  }
0x391: {  	v3 =	vperm.xlane v3, v2;
	_ =	sdelay $0x1  }
0x392: {  	s22 =	simm.s32 $0x4900;
	v3 =	vadd.s32 v1, v3  }
0x393: {  	[tilespmem:s22], [sflag:$0x1] =	stream.indirect_vreg.gather [hbm4b:s1+s3], $0x80, v4, vm0, $0xb8;
	[tilespmem:$0x18100] =	vst v63  }
0x394: {  	s29 =	simm.s32 $0x5100  }
0x395: {  	[tilespmem:s29], [sflag:$0x1] =	stream.indirect_vreg.gather [hbm4b:s4+s3], $0x80, v4, vm1, $0xb8;
	[tilespmem:$0x18100] =	vst v63  }
0x396: {  	s30 =	simm.s32 $0x5500  }
0x397: {  	[tilespmem:s30], [sflag:$0x1] =	stream.indirect_vreg.gather [hbm4b:s1+s3], $0x80, v3, vm0, $0xb8;
	[tilespmem:$0x18100] =	vst v63  }
0x398: {  	s20 =	simm.s32 $0x5D00  }
0x399: {  	[tilespmem:s20], [sflag:$0x1] =	stream.indirect_vreg.gather [hbm4b:s4+s3], $0x80, v3, vm1, $0xb8;
	[tilespmem:$0x18100] =	vst v63  }
0x39a: {  	v3 =	vld [tilespmem:$0x40];
	_ =	sdelay $0x4  }
0x39b: {  	v52 =	vshrl.u32 v3, $0x3  }
0x39c: {  	v4 =	vmul.u32 $0x18, v52  }
0x39d: {  	v3 =	vand.u32 $0x7, v3  }
0x39e: {  	v3 =	vor.u32 v3, v4  }
0x39f: {  	v4 =	vperm.xlane v3, v0;
	_ =	sdelay $0x1  }
0x3a0: {  	v4 =	vadd.s32 v1, v4;
	_ =	sdelay $0x1  }
0x3a1: {  	v3 =	vperm.xlane v3, v2;
	_ =	sdelay $0x1  }
0x3a2: {  	s21 =	simm.s32 $0x6100;
	v3 =	vadd.s32 v1, v3  }
0x3a3: {  	[tilespmem:s21], [sflag:$0x1] =	stream.indirect_vreg.gather [hbm4b:s1+s3], $0x80, v4, vm0, $0xb8;
	[tilespmem:$0x18100] =	vst v63  }
0x3a4: {  	s9 =	simm.s32 $0x6900  }
0x3a5: {  	[tilespmem:s9], [sflag:$0x1] =	stream.indirect_vreg.gather [hbm4b:s4+s3], $0x80, v4, vm1, $0xb8;
	[tilespmem:$0x18100] =	vst v63  }
0x3a6: {  	s10 =	simm.s32 $0x6D00  }
0x3a7: {  	[tilespmem:s10], [sflag:$0x1] =	stream.indirect_vreg.gather [hbm4b:s1+s3], $0x80, v3, vm0, $0xb8;
	[tilespmem:$0x18100] =	vst v63  }
0x3a8: {  	s22 =	simm.s32 $0x7500  }
0x3a9: {  	[tilespmem:s22], [sflag:$0x1] =	stream.indirect_vreg.gather [hbm4b:s4+s3], $0x80, v3, vm1, $0xb8;
	[tilespmem:$0x18100] =	vst v63  }
0x3aa: {  	v3 =	vld [tilespmem:$0x50];
	_ =	sdelay $0x4  }
0x3ab: {  	v53 =	vshrl.u32 v3, $0x3  }
0x3ac: {  	v4 =	vmul.u32 $0x18, v53  }
0x3ad: {  	v3 =	vand.u32 $0x7, v3  }
0x3ae: {  	v3 =	vor.u32 v3, v4  }
0x3af: {  	v4 =	vperm.xlane v3, v0;
	_ =	sdelay $0x1  }
0x3b0: {  	v4 =	vadd.s32 v1, v4;
	_ =	sdelay $0x1  }
0x3b1: {  	v3 =	vperm.xlane v3, v2;
	_ =	sdelay $0x1  }
0x3b2: {  	s11 =	simm.s32 $0x7900;
	v3 =	vadd.s32 v1, v3  }
0x3b3: {  	[tilespmem:s11], [sflag:$0x1] =	stream.indirect_vreg.gather [hbm4b:s1+s3], $0x80, v4, vm0, $0xb8;
	[tilespmem:$0x18100] =	vst v63  }
0x3b4: {  	s12 =	simm.s32 $0x8100  }
0x3b5: {  	[tilespmem:s12], [sflag:$0x1] =	stream.indirect_vreg.gather [hbm4b:s4+s3], $0x80, v4, vm1, $0xb8;
	[tilespmem:$0x18100] =	vst v63  }
0x3b6: {  	s13 =	simm.s32 $0x8500  }
0x3b7: {  	[tilespmem:s13], [sflag:$0x1] =	stream.indirect_vreg.gather [hbm4b:s1+s3], $0x80, v3, vm0, $0xb8;
	[tilespmem:$0x18100] =	vst v63  }
0x3b8: {  	s28 =	simm.s32 $0x8D00  }
0x3b9: {  	[tilespmem:s28], [sflag:$0x1] =	stream.indirect_vreg.gather [hbm4b:s4+s3], $0x80, v3, vm1, $0xb8;
	[tilespmem:$0x18100] =	vst v63  }
0x3ba: {  	v3 =	vld [tilespmem:$0x60];
	_ =	sdelay $0x4  }
0x3bb: {  	v54 =	vshrl.u32 v3, $0x3  }
0x3bc: {  	v4 =	vmul.u32 $0x18, v54  }
0x3bd: {  	v3 =	vand.u32 $0x7, v3  }
0x3be: {  	v3 =	vor.u32 v3, v4  }
0x3bf: {  	v4 =	vperm.xlane v3, v0;
	_ =	sdelay $0x1  }
0x3c0: {  	v4 =	vadd.s32 v1, v4;
	_ =	sdelay $0x1  }
0x3c1: {  	v3 =	vperm.xlane v3, v2;
	_ =	sdelay $0x1  }
0x3c2: {  	s14 =	simm.s32 $0x9100;
	v3 =	vadd.s32 v1, v3  }
0x3c3: {  	[tilespmem:s14], [sflag:$0x1] =	stream.indirect_vreg.gather [hbm4b:s1+s3], $0x80, v4, vm0, $0xb8;
	[tilespmem:$0x18100] =	vst v63  }
0x3c4: {  	s16 =	simm.s32 $0x9900  }
0x3c5: {  	[tilespmem:s16], [sflag:$0x1] =	stream.indirect_vreg.gather [hbm4b:s4+s3], $0x80, v4, vm1, $0xb8;
	[tilespmem:$0x18100] =	vst v63  }
0x3c6: {  	s29 =	simm.s32 $0x9D00  }
0x3c7: {  	[tilespmem:s29], [sflag:$0x1] =	stream.indirect_vreg.gather [hbm4b:s1+s3], $0x80, v3, vm0, $0xb8;
	[tilespmem:$0x18100] =	vst v63  }
0x3c8: {  	s30 =	simm.s32 $0xA500  }
0x3c9: {  	[tilespmem:s30], [sflag:$0x1] =	stream.indirect_vreg.gather [hbm4b:s4+s3], $0x80, v3, vm1, $0xb8;
	[tilespmem:$0x18100] =	vst v63  }
0x3ca: {  	v3 =	vld [tilespmem:$0x70];
	_ =	sdelay $0x4  }
0x3cb: {  	v55 =	vshrl.u32 v3, $0x3  }
0x3cc: {  	v4 =	vmul.u32 $0x18, v55  }
0x3cd: {  	v3 =	vand.u32 $0x7, v3  }
0x3ce: {  	v3 =	vor.u32 v3, v4  }
0x3cf: {  	v4 =	vperm.xlane v3, v0;
	_ =	sdelay $0x1  }
0x3d0: {  	v4 =	vadd.s32 v1, v4;
	_ =	sdelay $0x1  }
0x3d1: {  	v3 =	vperm.xlane v3, v2;
	_ =	sdelay $0x1  }
0x3d2: {  	v3 =	vadd.s32 v1, v3  }
0x3d3: {  	[tilespmem:s31], [sflag:$0x1] =	stream.indirect_vreg.gather [hbm4b:s1+s3], $0x80, v4, vm0, $0xb8;
	[tilespmem:$0x18100] =	vst v63  }
0x3d4: {  	_ = 	snop  }
0x3d5: {  	[tilespmem:s7], [sflag:$0x1] =	stream.indirect_vreg.gather [hbm4b:s4+s3], $0x80, v4, vm1, $0xb8;
	[tilespmem:$0x18100] =	vst v63  }
0x3d6: {  	s7 =	simm.s32 $0xB500  }
0x3d7: {  	[tilespmem:s7], [sflag:$0x1] =	stream.indirect_vreg.gather [hbm4b:s1+s3], $0x80, v3, vm0, $0xb8;
	[tilespmem:$0x18100] =	vst v63  }
0x3d8: {  	s9 =	simm.s32 $0xBD00  }
0x3d9: {  	[tilespmem:s9], [sflag:$0x1] =	stream.indirect_vreg.gather [hbm4b:s4+s3], $0x80, v3, vm1, $0xb8;
	[tilespmem:$0x18100] =	vst v63  }
0x3da: {  	_ =	swait.ge [sflag:s25], $0xC000  }
0x3db: {  	[sflag:s25] =	ssyncset.done $0x0  }
0x3dc: {  	s11 =	simm.s32 $0xC100;
	s10 =	rddreg [dreg:$0xf];
	[sflag:s25] =	ssyncadd.s32 $0xFFFF4000  }
0x3dd: {  	[hbm4b:s10+s3] =	stream.linear.scatter [tilespmem:s11], [sflag:$0x4], $0xC000, $0x38;
	[tilespmem:$0x18100] =	vst v63  }
0x3de: {  	_ =	swait.ge [sflag:s26], $0xC000  }
0x3df: {  	[sflag:s26] =	ssyncset.done $0x0  }
0x3e0: {  	s0 =	simm.s32 $0x80;
	s12 =	rddreg [dreg:$0x10];
	[sflag:s26] =	ssyncadd.s32 $0xFFFF4000  }
0x3e1: {  	[tilespmem:s0], [sflag:$0x5] =	stream.linear.gather [hbm4b:s12+s3], $0x80, $0x38;
	[tilespmem:$0x18100] =	vst v63  }
0x3e2: {  	_ =	swait.ge [sflag:s6], $0x80  }
0x3e3: {  	[sflag:s6] =	ssyncset.done $0x0  }
0x3e4: {  	[sflag:s6] =	ssyncadd.s32 $0xFFFFFF80  }
0x3e5: {  	v3 =	vld [tilespmem:$0x80];
	_ =	sdelay $0x4  }
0x3e6: {  	v56 =	vshrl.u32 v3, $0x3  }
0x3e7: {  	v4 =	vmul.u32 $0x18, v56  }
0x3e8: {  	v3 =	vand.u32 $0x7, v3  }
0x3e9: {  	v3 =	vor.u32 v3, v4  }
0x3ea: {  	v4 =	vperm.xlane v3, v0;
	_ =	sdelay $0x1  }
0x3eb: {  	v4 =	vadd.s32 v1, v4;
	_ =	sdelay $0x1  }
0x3ec: {  	v3 =	vperm.xlane v3, v2;
	_ =	sdelay $0x1  }
0x3ed: {  	v3 =	vadd.s32 v1, v3  }
0x3ee: {  	[tilespmem:s11], [sflag:$0x2] =	stream.indirect_vreg.gather [hbm4b:s1+s3], $0x80, v4, vm0, $0xb8;
	[tilespmem:$0x18100] =	vst v63  }
0x3ef: {  	s13 =	simm.s32 $0xC900  }
0x3f0: {  	[tilespmem:s13], [sflag:$0x2] =	stream.indirect_vreg.gather [hbm4b:s4+s3], $0x80, v4, vm1, $0xb8;
	[tilespmem:$0x18100] =	vst v63  }
0x3f1: {  	s14 =	simm.s32 $0xCD00  }
0x3f2: {  	[tilespmem:s14], [sflag:$0x2] =	stream.indirect_vreg.gather [hbm4b:s1+s3], $0x80, v3, vm0, $0xb8;
	[tilespmem:$0x18100] =	vst v63  }
0x3f3: {  	s15 =	simm.s32 $0xD500  }
0x3f4: {  	[tilespmem:s15], [sflag:$0x2] =	stream.indirect_vreg.gather [hbm4b:s4+s3], $0x80, v3, vm1, $0xb8;
	[tilespmem:$0x18100] =	vst v63  }
0x3f5: {  	v3 =	vld [tilespmem:$0x90];
	_ =	sdelay $0x4  }
0x3f6: {  	v57 =	vshrl.u32 v3, $0x3  }
0x3f7: {  	v4 =	vmul.u32 $0x18, v57  }
0x3f8: {  	v3 =	vand.u32 $0x7, v3  }
0x3f9: {  	v3 =	vor.u32 v3, v4  }
0x3fa: {  	v4 =	vperm.xlane v3, v0;
	_ =	sdelay $0x1  }
0x3fb: {  	v4 =	vadd.s32 v1, v4;
	_ =	sdelay $0x1  }
0x3fc: {  	v3 =	vperm.xlane v3, v2;
	_ =	sdelay $0x1  }
0x3fd: {  	s16 =	simm.s32 $0xD900;
	v3 =	vadd.s32 v1, v3  }
0x3fe: {  	[tilespmem:s16], [sflag:$0x2] =	stream.indirect_vreg.gather [hbm4b:s1+s3], $0x80, v4, vm0, $0xb8;
	[tilespmem:$0x18100] =	vst v63  }
0x3ff: {  	s17 =	simm.s32 $0xE100  }
0x400: {  	[tilespmem:s17], [sflag:$0x2] =	stream.indirect_vreg.gather [hbm4b:s4+s3], $0x80, v4, vm1, $0xb8;
	[tilespmem:$0x18100] =	vst v63  }
0x401: {  	s18 =	simm.s32 $0xE500  }
0x402: {  	[tilespmem:s18], [sflag:$0x2] =	stream.indirect_vreg.gather [hbm4b:s1+s3], $0x80, v3, vm0, $0xb8;
	[tilespmem:$0x18100] =	vst v63  }
0x403: {  	s19 =	simm.s32 $0xED00  }
0x404: {  	[tilespmem:s19], [sflag:$0x2] =	stream.indirect_vreg.gather [hbm4b:s4+s3], $0x80, v3, vm1, $0xb8;
	[tilespmem:$0x18100] =	vst v63  }
0x405: {  	v3 =	vld [tilespmem:$0xA0];
	_ =	sdelay $0x4  }
0x406: {  	v58 =	vshrl.u32 v3, $0x3  }
0x407: {  	v4 =	vmul.u32 $0x18, v58  }
0x408: {  	v3 =	vand.u32 $0x7, v3  }
0x409: {  	v3 =	vor.u32 v3, v4  }
0x40a: {  	v4 =	vperm.xlane v3, v0;
	_ =	sdelay $0x1  }
0x40b: {  	v4 =	vadd.s32 v1, v4;
	_ =	sdelay $0x1  }
0x40c: {  	v3 =	vperm.xlane v3, v2;
	_ =	sdelay $0x1  }
0x40d: {  	s20 =	simm.s32 $0xF100;
	v3 =	vadd.s32 v1, v3  }
0x40e: {  	[tilespmem:s20], [sflag:$0x2] =	stream.indirect_vreg.gather [hbm4b:s1+s3], $0x80, v4, vm0, $0xb8;
	[tilespmem:$0x18100] =	vst v63  }
0x40f: {  	s21 =	simm.s32 $0xF900  }
0x410: {  	[tilespmem:s21], [sflag:$0x2] =	stream.indirect_vreg.gather [hbm4b:s4+s3], $0x80, v4, vm1, $0xb8;
	[tilespmem:$0x18100] =	vst v63  }
0x411: {  	s22 =	simm.s32 $0xFD00  }
0x412: {  	[tilespmem:s22], [sflag:$0x2] =	stream.indirect_vreg.gather [hbm4b:s1+s3], $0x80, v3, vm0, $0xb8;
	[tilespmem:$0x18100] =	vst v63  }
0x413: {  	s28 =	simm.s32 $0x10500  }
0x414: {  	[tilespmem:s28], [sflag:$0x2] =	stream.indirect_vreg.gather [hbm4b:s4+s3], $0x80, v3, vm1, $0xb8;
	[tilespmem:$0x18100] =	vst v63  }
0x415: {  	v3 =	vld [tilespmem:$0xB0];
	_ =	sdelay $0x4  }
0x416: {  	v59 =	vshrl.u32 v3, $0x3  }
0x417: {  	v4 =	vmul.u32 $0x18, v59  }
0x418: {  	v3 =	vand.u32 $0x7, v3  }
0x419: {  	v3 =	vor.u32 v3, v4  }
0x41a: {  	v4 =	vperm.xlane v3, v0;
	_ =	sdelay $0x1  }
0x41b: {  	v4 =	vadd.s32 v1, v4;
	_ =	sdelay $0x1  }
0x41c: {  	v3 =	vperm.xlane v3, v2;
	_ =	sdelay $0x1  }
0x41d: {  	s29 =	simm.s32 $0x10900;
	v3 =	vadd.s32 v1, v3  }
0x41e: {  	[tilespmem:s29], [sflag:$0x2] =	stream.indirect_vreg.gather [hbm4b:s1+s3], $0x80, v4, vm0, $0xb8;
	[tilespmem:$0x18100] =	vst v63  }
0x41f: {  	s30 =	simm.s32 $0x11100  }
0x420: {  	[tilespmem:s30], [sflag:$0x2] =	stream.indirect_vreg.gather [hbm4b:s4+s3], $0x80, v4, vm1, $0xb8;
	[tilespmem:$0x18100] =	vst v63  }
0x421: {  	s31 =	simm.s32 $0x11500  }
0x422: {  	[tilespmem:s31], [sflag:$0x2] =	stream.indirect_vreg.gather [hbm4b:s1+s3], $0x80, v3, vm0, $0xb8;
	[tilespmem:$0x18100] =	vst v63  }
0x423: {  	s7 =	simm.s32 $0x11D00  }
0x424: {  	[tilespmem:s7], [sflag:$0x2] =	stream.indirect_vreg.gather [hbm4b:s4+s3], $0x80, v3, vm1, $0xb8;
	[tilespmem:$0x18100] =	vst v63  }
0x425: {  	v3 =	vld [tilespmem:$0xC0];
	_ =	sdelay $0x4  }
0x426: {  	v60 =	vshrl.u32 v3, $0x3  }
0x427: {  	v4 =	vmul.u32 $0x18, v60  }
0x428: {  	v3 =	vand.u32 $0x7, v3  }
0x429: {  	v3 =	vor.u32 v3, v4  }
0x42a: {  	v4 =	vperm.xlane v3, v0;
	_ =	sdelay $0x1  }
0x42b: {  	v4 =	vadd.s32 v1, v4;
	_ =	sdelay $0x1  }
0x42c: {  	v3 =	vperm.xlane v3, v2;
	_ =	sdelay $0x1  }
0x42d: {  	s9 =	simm.s32 $0x12100;
	v3 =	vadd.s32 v1, v3  }
0x42e: {  	[tilespmem:s9], [sflag:$0x2] =	stream.indirect_vreg.gather [hbm4b:s1+s3], $0x80, v4, vm0, $0xb8;
	[tilespmem:$0x18100] =	vst v63  }
0x42f: {  	s10 =	simm.s32 $0x12900  }
0x430: {  	[tilespmem:s10], [sflag:$0x2] =	stream.indirect_vreg.gather [hbm4b:s4+s3], $0x80, v4, vm1, $0xb8;
	[tilespmem:$0x18100] =	vst v63  }
0x431: {  	s11 =	simm.s32 $0x12D00  }
0x432: {  	[tilespmem:s11], [sflag:$0x2] =	stream.indirect_vreg.gather [hbm4b:s1+s3], $0x80, v3, vm0, $0xb8;
	[tilespmem:$0x18100] =	vst v63  }
0x433: {  	s12 =	simm.s32 $0x13500  }
0x434: {  	[tilespmem:s12], [sflag:$0x2] =	stream.indirect_vreg.gather [hbm4b:s4+s3], $0x80, v3, vm1, $0xb8;
	[tilespmem:$0x18100] =	vst v63  }
0x435: {  	v3 =	vld [tilespmem:$0xD0];
	_ =	sdelay $0x4  }
0x436: {  	v61 =	vshrl.u32 v3, $0x3  }
0x437: {  	v4 =	vmul.u32 $0x18, v61  }
0x438: {  	v3 =	vand.u32 $0x7, v3  }
0x439: {  	v3 =	vor.u32 v3, v4  }
0x43a: {  	v4 =	vperm.xlane v3, v0;
	_ =	sdelay $0x1  }
0x43b: {  	v4 =	vadd.s32 v1, v4;
	_ =	sdelay $0x1  }
0x43c: {  	v3 =	vperm.xlane v3, v2;
	_ =	sdelay $0x1  }
0x43d: {  	s13 =	simm.s32 $0x13900;
	v3 =	vadd.s32 v1, v3  }
0x43e: {  	[tilespmem:s13], [sflag:$0x2] =	stream.indirect_vreg.gather [hbm4b:s1+s3], $0x80, v4, vm0, $0xb8;
	[tilespmem:$0x18100] =	vst v63  }
0x43f: {  	s14 =	simm.s32 $0x14100  }
0x440: {  	[tilespmem:s14], [sflag:$0x2] =	stream.indirect_vreg.gather [hbm4b:s4+s3], $0x80, v4, vm1, $0xb8;
	[tilespmem:$0x18100] =	vst v63  }
0x441: {  	s15 =	simm.s32 $0x14500  }
0x442: {  	[tilespmem:s15], [sflag:$0x2] =	stream.indirect_vreg.gather [hbm4b:s1+s3], $0x80, v3, vm0, $0xb8;
	[tilespmem:$0x18100] =	vst v63  }
0x443: {  	s16 =	simm.s32 $0x14D00  }
0x444: {  	[tilespmem:s16], [sflag:$0x2] =	stream.indirect_vreg.gather [hbm4b:s4+s3], $0x80, v3, vm1, $0xb8;
	[tilespmem:$0x18100] =	vst v63  }
0x445: {  	v3 =	vld [tilespmem:$0xE0];
	_ =	sdelay $0x4  }
0x446: {  	v62 =	vshrl.u32 v3, $0x3  }
0x447: {  	v4 =	vmul.u32 $0x18, v62  }
0x448: {  	v3 =	vand.u32 $0x7, v3  }
0x449: {  	v3 =	vor.u32 v3, v4  }
0x44a: {  	v4 =	vperm.xlane v3, v0;
	_ =	sdelay $0x1  }
0x44b: {  	v4 =	vadd.s32 v1, v4;
	_ =	sdelay $0x1  }
0x44c: {  	v3 =	vperm.xlane v3, v2;
	_ =	sdelay $0x1  }
0x44d: {  	s17 =	simm.s32 $0x15100;
	v3 =	vadd.s32 v1, v3  }
0x44e: {  	[tilespmem:s17], [sflag:$0x2] =	stream.indirect_vreg.gather [hbm4b:s1+s3], $0x80, v4, vm0, $0xb8;
	[tilespmem:$0x18100] =	vst v63  }
0x44f: {  	s18 =	simm.s32 $0x15900  }
0x450: {  	[tilespmem:s18], [sflag:$0x2] =	stream.indirect_vreg.gather [hbm4b:s4+s3], $0x80, v4, vm1, $0xb8;
	[tilespmem:$0x18100] =	vst v63  }
0x451: {  	s19 =	simm.s32 $0x15D00  }
0x452: {  	[tilespmem:s19], [sflag:$0x2] =	stream.indirect_vreg.gather [hbm4b:s1+s3], $0x80, v3, vm0, $0xb8;
	[tilespmem:$0x18100] =	vst v63  }
0x453: {  	s20 =	simm.s32 $0x16500  }
0x454: {  	[tilespmem:s20], [sflag:$0x2] =	stream.indirect_vreg.gather [hbm4b:s4+s3], $0x80, v3, vm1, $0xb8;
	[tilespmem:$0x18100] =	vst v63  }
0x455: {  	v3 =	vld [tilespmem:$0xF0];
	_ =	sdelay $0x4  }
0x456: {  	v63 =	vshrl.u32 v3, $0x3  }
0x457: {  	v4 =	vmul.u32 $0x18, v63  }
0x458: {  	v3 =	vand.u32 $0x7, v3  }
0x459: {  	v3 =	vor.u32 v3, v4  }
0x45a: {  	v4 =	vperm.xlane v3, v0;
	_ =	sdelay $0x1  }
0x45b: {  	v4 =	vadd.s32 v1, v4;
	_ =	sdelay $0x1  }
0x45c: {  	v3 =	vperm.xlane v3, v2;
	_ =	sdelay $0x1  }
0x45d: {  	s21 =	simm.s32 $0x16900;
	v3 =	vadd.s32 v1, v3  }
0x45e: {  	[tilespmem:s21], [sflag:$0x2] =	stream.indirect_vreg.gather [hbm4b:s1+s3], $0x80, v4, vm0, $0xb8;
	[tilespmem:$0x18100] =	vst v63  }
0x45f: {  	s22 =	simm.s32 $0x17100  }
0x460: {  	[tilespmem:s22], [sflag:$0x2] =	stream.indirect_vreg.gather [hbm4b:s4+s3], $0x80, v4, vm1, $0xb8;
	[tilespmem:$0x18100] =	vst v63  }
0x461: {  	s28 =	simm.s32 $0x17500  }
0x462: {  	[tilespmem:s28], [sflag:$0x2] =	stream.indirect_vreg.gather [hbm4b:s1+s3], $0x80, v3, vm0, $0xb8;
	[tilespmem:$0x18100] =	vst v63  }
0x463: {  	s29 =	simm.s32 $0x17D00  }
0x464: {  	[tilespmem:s29], [sflag:$0x2] =	stream.indirect_vreg.gather [hbm4b:s4+s3], $0x80, v3, vm1, $0xb8;
	[tilespmem:$0x18100] =	vst v63  }
0x465: {  	_ =	swait.ge [sflag:s23], $0xC000  }
0x466: {  	[sflag:s23] =	ssyncset.done $0x0  }
0x467: {  	s8 =	simm.s32 $0x100;
	s30 =	rddreg [dreg:$0x11];
	[sflag:s23] =	ssyncadd.s32 $0xFFFF4000  }
0x468: {  	[hbm4b:s30+s3] =	stream.linear.scatter [tilespmem:s8], [sflag:$0x3], $0xC000, $0x38;
	[tilespmem:$0x18100] =	vst v63  }
0x469: {  	_ =	swait.ge [sflag:s25], $0xC000  }
0x46a: {  	[sflag:s25] =	ssyncset.done $0x0  }
0x46b: {  	s0 =	simm.s32 $0xC100;
	s31 =	rddreg [dreg:$0x12];
	[sflag:s25] =	ssyncadd.s32 $0xFFFF4000  }
0x46c: {  	[hbm4b:s31+s3] =	stream.linear.scatter [tilespmem:s0], [sflag:$0x4], $0xC000, $0x38;
	[tilespmem:$0x18100] =	vst v63  }
0x46d: {  	p0 =	sne.s32 s5, $0x1;
	_ =	swait.ge [sflag:s24], $0xC000  }
.Ltmp0:
0x46e: {  	[sflag:s24] =	ssyncset.done $0x0;
	(pc) =	sbr.rel @p0 .LBB2_1-.Ltmp0, $4  }
0x46f: {  	[sflag:s24] =	ssyncadd.s32 $0xFFFF4000  }
0x470: {  	_ =	swait.ge [sflag:s26], $0xC000  }
0x471: {  	[sflag:s26] =	ssyncset.done $0x0  }
0x472: {  	s5 =	sadd.s32 $0xFFFFFFFF, s5;
	[sflag:s26] =	ssyncadd.s32 $0xFFFF4000  }
0x473: {  	_ =	sfence.sel $0x180000  }
0x474: {  	[bflag:$0x0] =	sbarrier.arrive $0xFFFF  }
0x475: {  	_ =	strace $0x90000047  }
0x476: {  	s0 =	stileid.u32;
	[bflag:$0x2] =	sbarrier.arrive $0xFFFF  }
0x477: {  	p0 =	sne.s32 s0, $0x0;
	s0 =	rddreg [dreg:$0x2]  }
0x478: {  	s0 =	sadd.s32 @!p0 $0x100000, s0  }
0x479: {  	[sflag:s0] =	ssyncadd.tile.s32 @!p0 $0x1;
	_ =	shalt  }
.Lfunc_end2:
_tile_overlayer_lowered:
.L_overlay_start_2:
0x47a: {  	(tag) =	ssettag $0x2  }
0x47b: {  	s0 =	rddreg [dreg:$0x0];
	s2 =	stileid.u32  }
0x47c: {  	s1 =	rddreg [dreg:$0x1];
	p0 =	sne.s32 s2, $0x0  }
0x47d: {  	s3 =	rddreg [dreg:$0x2];
	[bflag:$0x3] =	sbarrier.arrive $0xFFFF;
	s2 =	simm.s32 @!p0 $0x1C05  }
0x47e: {  	[timem:s3], [sflag:s2] =	dma.local @!p0 [hbm:s0], s1  }
0x47f: {  	s0 =	simm.s32 @!p0 $0x5  }
0x480: {  	_ =	swait.ge @!p0 [sflag:s0], s1  }
0x481: {  	s1 =	ssub.s32 @!p0 $0x0, s1;
	[sflag:s0] =	ssyncset.done @!p0 $0x0  }
0x482: {  	[sflag:s0] =	ssyncadd.s32 @!p0 s1  }
0x483: {  	[bflag:$0x3] =	sbarrier.arrive $0xFFFF  }
0x484: {  	_ =	shalt  }

</sc_bundles>
